<compile_context>
chip_gen: v7x
topology: tpu7x:2x2x1
jax: 0.10.2.dev20260603
libtpu: 0.0.44.dev20260713+nightly
codegen_flags: <defaults>
</compile_context>

<pallas_src>
import functools

import jax
import jax.numpy as jnp
from jax import lax
from jax.experimental import pallas as pl
from jax.experimental.pallas import tpu as pltpu
from jax.experimental.pallas import tpu_sc as plsc

_MAX_LENGTH = 512
_D = 768
_B = 64
_L = 512
_PE = 512

_NW = 32
_C = 64
_TPW = _B * _L // _NW
_NCH = _TPW // _C
_NB = 2

_mesh = plsc.VectorSubcoreMesh(core_axis_name="c", subcore_axis_name="s")


@functools.partial(
    pl.kernel,
    mesh=_mesh,
    out_type=[jax.ShapeDtypeStruct((_B * _L, _D), jnp.float32)],
    scratch_types=[
        pltpu.VMEM((_NCH, _C), jnp.int32),
        pltpu.VMEM((_NB, _C, _D), jnp.float32),
    ]
    + [pltpu.SemaphoreType.DMA] * (2 * _NB),
)
def _sc_gather(ids_hbm, tok_hbm, x_hbm, idx_v, row_b, *sems):
    wid = lax.axis_index("s") * 2 + lax.axis_index("c")
    pltpu.sync_copy(ids_hbm.at[wid], idx_v)

    base = wid * _TPW
    sem_in = sems[:_NB]
    sem_out = sems[_NB:]
    in_h = {}
    out_h = {}

    def start_in(c):
        b = c % _NB
        in_h[c] = pltpu.async_copy(tok_hbm.at[idx_v.at[c]], row_b.at[b], sem_in[b])

    def start_out(c):
        b = c % _NB
        off = base + c * _C
        out_h[c] = pltpu.async_copy(row_b.at[b], x_hbm.at[pl.ds(off, _C)], sem_out[b])

    for c in range(min(2, _NB)):
        start_in(c)
    for c in range(_NCH):
        in_h[c].wait()
        start_out(c)
        nxt = c + min(2, _NB)
        if nxt < _NCH:
            if nxt >= _NB:
                out_h[nxt - _NB].wait()
            start_in(nxt)
    for c in range(_NCH - _NB, _NCH):
        out_h[c].wait()


_RB = 4
_TB = _RB * _L
_NTB = _B // _RB


def _xe_body(m_ref, hi_ref, mod_ref, xe_ref):
    m = m_ref[0]
    valid = (1 - m).astype(jnp.bfloat16)
    r = lax.broadcasted_iota(jnp.int32, (_L, _L), 0)
    c = lax.broadcasted_iota(jnp.int32, (_L, _L), 1)
    tri = (r <= c).astype(jnp.bfloat16)
    cs = jnp.dot(valid, tri, preferred_element_type=jnp.float32)
    pos = cs.astype(jnp.int32) - 1
    g = jnp.where(m != 0, _MAX_LENGTH, pos)
    prow = lax.broadcasted_iota(jnp.int32, (_PE, _L), 0)
    oht = jnp.concatenate(
        [(prow == lax.slice(g, (j, 0), (j + 1, _L))).astype(jnp.bfloat16)
         for j in range(_RB)],
        axis=1,
    )
    acc = lax.dot_general(oht, hi_ref[...], (((0,), (0,)), ((), ())),
                          preferred_element_type=jnp.float32)
    xe_ref[...] = acc + mod_ref[...]


_xe = pl.pallas_call(
    _xe_body,
    grid=(_NTB,),
    in_specs=[
        pl.BlockSpec((1, _RB, _L), lambda i: (i, 0, 0)),
        pl.BlockSpec((_PE, _D), lambda i: (0, 0)),
        pl.BlockSpec((1, _D), lambda i: (0, 0)),
    ],
    out_specs=pl.BlockSpec((_TB, _D), lambda i: (i, 0)),
    out_shape=jax.ShapeDtypeStruct((_B * _L, _D), jnp.float32),
)


def _pos_tab():
    arange = jnp.arange(_MAX_LENGTH, dtype=jnp.float32)
    pos_dim = _D // 2
    omega = jnp.arange(pos_dim, dtype=jnp.float32) / pos_dim
    omega = 1.0 / (10000.0 ** omega)
    out = arange[:, None] * omega[None, :]
    return jnp.concatenate([jnp.sin(out), jnp.cos(out)], axis=1)


def kernel(tensor, input_mask, token_emb, mod_emb):
    ids = tensor.astype(jnp.int32).reshape(_NW, _NCH, _C)
    hi = _pos_tab().astype(jnp.bfloat16)
    msk = input_mask.astype(jnp.int32).reshape(_NTB, _RB, _L)
    xe = _xe(msk, hi, mod_emb.reshape(1, _D))
    (x,) = _sc_gather(ids, token_emb)
    return x.reshape(_B, _L, _D), xe.reshape(_B, _L, _D)

# --- scband reference (transcript-rebuilt; emitter-appended) ---
"""Pipeline reference for scband-sequence-encoder-embedding-2388001817005 (READ-ONLY COPY).

The authoritative reference and input builder live on the scoring server;
editing this copy changes nothing except your own understanding.
"""

import jax, jax.numpy as jnp
import numpy as np

VOCAB = 100000
MAX_LENGTH = 512
D = 768
B = 64
L = 512
PAD = 0


def build_1d_sincos_posemb(max_len, embed_dim, temperature=10000.0):
    arange = jnp.arange(max_len, dtype=jnp.float32)
    pos_dim = embed_dim // 2
    omega = jnp.arange(pos_dim, dtype=jnp.float32) / pos_dim
    omega = 1.0 / (temperature ** omega)
    out = jnp.einsum('n,d->nd', arange, omega)
    return jnp.concatenate([jnp.sin(out), jnp.cos(out)], axis=1)[None]  # (1, max_len, D)


def setup_inputs(seed: int = 0) -> dict:
    key = jax.random.key(seed)
    k1, k2, k3, k4 = jax.random.split(key, 4)
    ids = jax.random.randint(k1, (B, L), 0, VOCAB)
    input_mask = jax.random.randint(k2, (B, L), 0, 2).astype(bool)
    token_emb = jax.random.normal(k3, (VOCAB, D), dtype=jnp.float32) * 0.02
    token_emb = token_emb.at[PAD].set(0.0)  # nn.Embedding padding_idx row is zero
    mod_emb = jax.random.normal(k4, (1, 1, D), dtype=jnp.float32) * 0.02
    return {"tensor": ids, "input_mask": input_mask, "token_emb": token_emb, "mod_emb": mod_emb}


def reference(tensor, input_mask, token_emb, mod_emb):
    # fixed sincos positional embedding buffer, sliced to max_length along dim 0 (no-op on batch dim of size 1)
    pos_emb = build_1d_sincos_posemb(MAX_LENGTH, D)[:MAX_LENGTH]  # (1, MAX_LENGTH, D)
    # token embedding lookup
    x = jnp.take(token_emb, tensor, axis=0)  # (B, L, D)
    # positional ids from cumsum over valid (unmasked) tokens
    valid = jnp.logical_not(input_mask)
    input_pos_id = jnp.cumsum(valid.astype(jnp.int32), axis=1) - 1
    input_pos_id = jnp.where(input_mask, 0, input_pos_id)
    # gather positional embeddings (equivalent to torch.gather on batch-expanded pos_emb)
    input_pos_emb = jnp.take(pos_emb[0], input_pos_id, axis=0)  # (B, L, D)
    input_pos_emb = jnp.where(input_mask[:, :, None], 0.0, input_pos_emb)
    x_emb = input_pos_emb + mod_emb
    return x, x_emb

if __name__ == "__main__":
    import jax
    _d = setup_inputs()
    print(jax.jit(kernel)(*tuple(_d.values())))

</pallas_src>

<mosaic_0001>
#map = affine_map<(d0, d1) -> (0, 0, 0)>
#map1 = affine_map<(d0, d1) -> (0, 0)>
module attributes {stable_mosaic.version = 14 : i64} {
  func.func @_sc_gather(%arg0: i32, %arg1: i32, %arg2: memref<32x16x64xi32, #tpu.memory_space<hbm>>, %arg3: memref<100000x768xf32, #tpu.memory_space<hbm>>, %arg4: memref<32768x768xf32, #tpu.memory_space<hbm>>, %arg5: memref<16x64xi32, #tpu.memory_space<vmem>>, %arg6: memref<2x64x768xf32, #tpu.memory_space<vmem>>, %arg7: memref<!tpu.dma_semaphore, #tpu.memory_space<semaphore_mem>>, %arg8: memref<!tpu.dma_semaphore, #tpu.memory_space<semaphore_mem>>, %arg9: memref<!tpu.dma_semaphore, #tpu.memory_space<semaphore_mem>>, %arg10: memref<!tpu.dma_semaphore, #tpu.memory_space<semaphore_mem>>) attributes {dimension_semantics = [#tpu.dimension_semantics<core_parallel>, #tpu.dimension_semantics<subcore_parallel>], iteration_bounds = array<i64: 2, 16>, scalar_prefetch = 0 : i64, scratch_operands = 6 : i64, tpu.core_type = #tpu.core_type<sc_vector_subcore>, window_params = [{transform_indices = #map}, {transform_indices = #map1}, {transform_indices = #map1}]} {
    %mul3A = arith.constant 2 : i32
    %mul3A_0 = arith.muli %arg1, %mul3A : i32
    %add3A = arith.addi %mul3A_0, %arg0 : i32
    "tpu.region"() ({
      %run_scoped3A = tpu.sem_alloc : memref<!tpu.dma_semaphore, #tpu.memory_space<semaphore_mem>>
      %dma_start3A_833 = arith.constant 0 : i32
      %dma_start3A_834 = arith.constant 0 : i32
      %dma_start3A_835 = tpu.memref_slice %arg2[%add3A, %dma_start3A_833, %dma_start3A_834] : memref<32x16x64xi32, #tpu.memory_space<hbm>> -> memref<1x16x64xi32, #tpu.memory_space<hbm>>
      %dma_start3A_836 = tpu.memref_squeeze %dma_start3A_835 : memref<1x16x64xi32, #tpu.memory_space<hbm>> -> memref<16x64xi32, #tpu.memory_space<hbm>>
      %dma_start3A_837 = arith.constant 0 : i32
      %dma_start3A_838 = arith.constant 0 : i32
      %dma_start3A_839 = tpu.memref_slice %arg2[%add3A, %dma_start3A_837, %dma_start3A_838] : memref<32x16x64xi32, #tpu.memory_space<hbm>> -> memref<1x16x64xi32, #tpu.memory_space<hbm>>
      %dma_start3A_840 = tpu.memref_squeeze %dma_start3A_839 : memref<1x16x64xi32, #tpu.memory_space<hbm>> -> memref<16x64xi32, #tpu.memory_space<hbm>>
      tpu.enqueue_dma source(%dma_start3A_840 : memref<16x64xi32, #tpu.memory_space<hbm>>) target(%arg5 : memref<16x64xi32, #tpu.memory_space<vmem>>) target_semaphore(%run_scoped3A : memref<!tpu.dma_semaphore, #tpu.memory_space<semaphore_mem>>)
      %dma_wait3A_841 = arith.constant 0 : i32
      %dma_wait3A_842 = arith.constant 0 : i32
      %dma_wait3A_843 = tpu.memref_slice %arg2[%add3A, %dma_wait3A_841, %dma_wait3A_842] : memref<32x16x64xi32, #tpu.memory_space<hbm>> -> memref<1x16x64xi32, #tpu.memory_space<hbm>>
      %dma_wait3A_844 = tpu.memref_squeeze %dma_wait3A_843 : memref<1x16x64xi32, #tpu.memory_space<hbm>> -> memref<16x64xi32, #tpu.memory_space<hbm>>
      %dma_wait3A_845 = arith.constant 0 : i32
      %dma_wait3A_846 = arith.constant 0 : i32
      %dma_wait3A_847 = tpu.memref_slice %arg2[%add3A, %dma_wait3A_845, %dma_wait3A_846] : memref<32x16x64xi32, #tpu.memory_space<hbm>> -> memref<1x16x64xi32, #tpu.memory_space<hbm>>
      %dma_wait3A_848 = tpu.memref_squeeze %dma_wait3A_847 : memref<1x16x64xi32, #tpu.memory_space<hbm>> -> memref<16x64xi32, #tpu.memory_space<hbm>>
      tpu.wait_dma2 semaphore(%run_scoped3A : memref<!tpu.dma_semaphore, #tpu.memory_space<semaphore_mem>>) src(%dma_wait3A_848 : memref<16x64xi32, #tpu.memory_space<hbm>>) dst(%arg5 : memref<16x64xi32, #tpu.memory_space<vmem>>)
      tpu.yield
    }) : () -> ()
    %mul3A_1 = arith.constant 1024 : i32
    %mul3A_2 = arith.muli %add3A, %mul3A_1 : i32
    %dma_start3A = arith.constant 0 : i32
    %dma_start3A_3 = arith.constant 0 : i32
    %dma_start3A_4 = arith.constant 0 : i32
    %dma_start3A_5 = arith.constant 0 : i32
    %dma_start3A_6 = tpu.memref_slice %arg6[%dma_start3A_3, %dma_start3A_4, %dma_start3A_5] : memref<2x64x768xf32, #tpu.memory_space<vmem>> -> memref<1x64x768xf32, #tpu.memory_space<vmem>>
    %dma_start3A_7 = tpu.memref_squeeze %dma_start3A_6 : memref<1x64x768xf32, #tpu.memory_space<vmem>> -> memref<64x768xf32, #tpu.memory_space<vmem>>
    %dma_start3A_8 = arith.constant 0 : i32
    %dma_start3A_9 = tpu.memref_slice %arg5[%dma_start3A, %dma_start3A_8] : memref<16x64xi32, #tpu.memory_space<vmem>> -> memref<1x64xi32, #tpu.memory_space<vmem>>
    %dma_start3A_10 = tpu.memref_squeeze %dma_start3A_9 : memref<1x64xi32, #tpu.memory_space<vmem>> -> memref<64xi32, #tpu.memory_space<vmem>>
    %dma_start3A_11 = arith.constant 0 : i32
    %dma_start3A_12 = arith.constant 0 : i32
    %dma_start3A_13 = tpu.memref_slice %arg3[%dma_start3A_11, %dma_start3A_12] : memref<100000x768xf32, #tpu.memory_space<hbm>> -> memref<100000x768xf32, #tpu.memory_space<hbm>>
    tpu.enqueue_indirect_dma source(%dma_start3A_13 : memref<100000x768xf32, #tpu.memory_space<hbm>>) target(%dma_start3A_7 : memref<64x768xf32, #tpu.memory_space<vmem>>) offsets(%dma_start3A_10 : memref<64xi32, #tpu.memory_space<vmem>>) semaphore(%arg7 : memref<!tpu.dma_semaphore, #tpu.memory_space<semaphore_mem>>)
    %dma_start3A_14 = arith.constant 1 : i32
    %dma_start3A_15 = arith.constant 1 : i32
    %dma_start3A_16 = arith.constant 0 : i32
    %dma_start3A_17 = arith.constant 0 : i32
    %dma_start3A_18 = tpu.memref_slice %arg6[%dma_start3A_15, %dma_start3A_16, %dma_start3A_17] : memref<2x64x768xf32, #tpu.memory_space<vmem>> -> memref<1x64x768xf32, #tpu.memory_space<vmem>>
    %dma_start3A_19 = tpu.memref_squeeze %dma_start3A_18 : memref<1x64x768xf32, #tpu.memory_space<vmem>> -> memref<64x768xf32, #tpu.memory_space<vmem>>
    %dma_start3A_20 = arith.constant 0 : i32
    %dma_start3A_21 = tpu.memref_slice %arg5[%dma_start3A_14, %dma_start3A_20] : memref<16x64xi32, #tpu.memory_space<vmem>> -> memref<1x64xi32, #tpu.memory_space<vmem>>
    %dma_start3A_22 = tpu.memref_squeeze %dma_start3A_21 : memref<1x64xi32, #tpu.memory_space<vmem>> -> memref<64xi32, #tpu.memory_space<vmem>>
    %dma_start3A_23 = arith.constant 0 : i32
    %dma_start3A_24 = arith.constant 0 : i32
    %dma_start3A_25 = tpu.memref_slice %arg3[%dma_start3A_23, %dma_start3A_24] : memref<100000x768xf32, #tpu.memory_space<hbm>> -> memref<100000x768xf32, #tpu.memory_space<hbm>>
    tpu.enqueue_indirect_dma source(%dma_start3A_25 : memref<100000x768xf32, #tpu.memory_space<hbm>>) target(%dma_start3A_19 : memref<64x768xf32, #tpu.memory_space<vmem>>) offsets(%dma_start3A_22 : memref<64xi32, #tpu.memory_space<vmem>>) semaphore(%arg8 : memref<!tpu.dma_semaphore, #tpu.memory_space<semaphore_mem>>)
    %dma_wait3A = arith.constant 0 : i32
    %dma_wait3A_26 = arith.constant 0 : i32
    %dma_wait3A_27 = arith.constant 0 : i32
    %dma_wait3A_28 = arith.constant 0 : i32
    %dma_wait3A_29 = tpu.memref_slice %arg6[%dma_wait3A_26, %dma_wait3A_27, %dma_wait3A_28] : memref<2x64x768xf32, #tpu.memory_space<vmem>> -> memref<1x64x768xf32, #tpu.memory_space<vmem>>
    %dma_wait3A_30 = tpu.memref_squeeze %dma_wait3A_29 : memref<1x64x768xf32, #tpu.memory_space<vmem>> -> memref<64x768xf32, #tpu.memory_space<vmem>>
    %dma_wait3A_31 = arith.constant 0 : i32
    %dma_wait3A_32 = tpu.memref_slice %arg5[%dma_wait3A, %dma_wait3A_31] : memref<16x64xi32, #tpu.memory_space<vmem>> -> memref<1x64xi32, #tpu.memory_space<vmem>>
    %dma_wait3A_33 = tpu.memref_squeeze %dma_wait3A_32 : memref<1x64xi32, #tpu.memory_space<vmem>> -> memref<64xi32, #tpu.memory_space<vmem>>
    %dma_wait3A_34 = arith.constant 0 : i32
    %dma_wait3A_35 = arith.constant 0 : i32
    %dma_wait3A_36 = tpu.memref_slice %arg3[%dma_wait3A_34, %dma_wait3A_35] : memref<100000x768xf32, #tpu.memory_space<hbm>> -> memref<100000x768xf32, #tpu.memory_space<hbm>>
    tpu.wait_indirect_dma semaphore(%arg7 : memref<!tpu.dma_semaphore, #tpu.memory_space<semaphore_mem>>) src(%dma_wait3A_36 : memref<100000x768xf32, #tpu.memory_space<hbm>>) dst(%dma_wait3A_30 : memref<64x768xf32, #tpu.memory_space<vmem>>)
    %add3A_37 = arith.constant 0 : i32
    %add3A_38 = arith.addi %mul3A_2, %add3A_37 : i32
    %dma_start3A_39 = arith.constant 0 : i32
    %dma_start3A_40 = arith.constant 0 : i32
    %dma_start3A_41 = arith.constant 0 : i32
    %dma_start3A_42 = tpu.memref_slice %arg6[%dma_start3A_39, %dma_start3A_40, %dma_start3A_41] : memref<2x64x768xf32, #tpu.memory_space<vmem>> -> memref<1x64x768xf32, #tpu.memory_space<vmem>>
    %dma_start3A_43 = tpu.memref_squeeze %dma_start3A_42 : memref<1x64x768xf32, #tpu.memory_space<vmem>> -> memref<64x768xf32, #tpu.memory_space<vmem>>
    %dma_start3A_44 = arith.constant 0 : i32
    %dma_start3A_45 = tpu.memref_slice %arg4[%add3A_38, %dma_start3A_44] : memref<32768x768xf32, #tpu.memory_space<hbm>> -> memref<64x768xf32, #tpu.memory_space<hbm>>
    %dma_start3A_46 = arith.constant 0 : i32
    %dma_start3A_47 = tpu.memref_slice %arg4[%add3A_38, %dma_start3A_46] : memref<32768x768xf32, #tpu.memory_space<hbm>> -> memref<64x768xf32, #tpu.memory_space<hbm>>
    %dma_start3A_48 = arith.constant 0 : i32
    %dma_start3A_49 = arith.constant 0 : i32
    %dma_start3A_50 = tpu.memref_slice %arg6[%dma_start3A_39, %dma_start3A_48, %dma_start3A_49] : memref<2x64x768xf32, #tpu.memory_space<vmem>> -> memref<1x64x768xf32, #tpu.memory_space<vmem>>
    %dma_start3A_51 = tpu.memref_squeeze %dma_start3A_50 : memref<1x64x768xf32, #tpu.memory_space<vmem>> -> memref<64x768xf32, #tpu.memory_space<vmem>>
    tpu.enqueue_dma source(%dma_start3A_51 : memref<64x768xf32, #tpu.memory_space<vmem>>) target(%dma_start3A_47 : memref<64x768xf32, #tpu.memory_space<hbm>>) target_semaphore(%arg9 : memref<!tpu.dma_semaphore, #tpu.memory_space<semaphore_mem>>)
    %dma_wait3A_52 = arith.constant 0 : i32
    %dma_wait3A_53 = arith.constant 0 : i32
    %dma_wait3A_54 = arith.constant 0 : i32
    %dma_wait3A_55 = tpu.memref_slice %arg6[%dma_wait3A_52, %dma_wait3A_53, %dma_wait3A_54] : memref<2x64x768xf32, #tpu.memory_space<vmem>> -> memref<1x64x768xf32, #tpu.memory_space<vmem>>
    %dma_wait3A_56 = tpu.memref_squeeze %dma_wait3A_55 : memref<1x64x768xf32, #tpu.memory_space<vmem>> -> memref<64x768xf32, #tpu.memory_space<vmem>>
    %dma_wait3A_57 = arith.constant 0 : i32
    %dma_wait3A_58 = tpu.memref_slice %arg4[%add3A_38, %dma_wait3A_57] : memref<32768x768xf32, #tpu.memory_space<hbm>> -> memref<64x768xf32, #tpu.memory_space<hbm>>
    %dma_wait3A_59 = arith.constant 0 : i32
    %dma_wait3A_60 = tpu.memref_slice %arg4[%add3A_38, %dma_wait3A_59] : memref<32768x768xf32, #tpu.memory_space<hbm>> -> memref<64x768xf32, #tpu.memory_space<hbm>>
    %dma_wait3A_61 = arith.constant 0 : i32
    %dma_wait3A_62 = arith.constant 0 : i32
    %dma_wait3A_63 = tpu.memref_slice %arg6[%dma_wait3A_52, %dma_wait3A_61, %dma_wait3A_62] : memref<2x64x768xf32, #tpu.memory_space<vmem>> -> memref<1x64x768xf32, #tpu.memory_space<vmem>>
    %dma_wait3A_64 = tpu.memref_squeeze %dma_wait3A_63 : memref<1x64x768xf32, #tpu.memory_space<vmem>> -> memref<64x768xf32, #tpu.memory_space<vmem>>
    tpu.wait_dma2 semaphore(%arg9 : memref<!tpu.dma_semaphore, #tpu.memory_space<semaphore_mem>>) src(%dma_wait3A_64 : memref<64x768xf32, #tpu.memory_space<vmem>>) dst(%dma_wait3A_60 : memref<64x768xf32, #tpu.memory_space<hbm>>)
    %dma_start3A_65 = arith.constant 2 : i32
    %dma_start3A_66 = arith.constant 0 : i32
    %dma_start3A_67 = arith.constant 0 : i32
    %dma_start3A_68 = arith.constant 0 : i32
    %dma_start3A_69 = tpu.memref_slice %arg6[%dma_start3A_66, %dma_start3A_67, %dma_start3A_68] : memref<2x64x768xf32, #tpu.memory_space<vmem>> -> memref<1x64x768xf32, #tpu.memory_space<vmem>>
    %dma_start3A_70 = tpu.memref_squeeze %dma_start3A_69 : memref<1x64x768xf32, #tpu.memory_space<vmem>> -> memref<64x768xf32, #tpu.memory_space<vmem>>
    %dma_start3A_71 = arith.constant 0 : i32
    %dma_start3A_72 = tpu.memref_slice %arg5[%dma_start3A_65, %dma_start3A_71] : memref<16x64xi32, #tpu.memory_space<vmem>> -> memref<1x64xi32, #tpu.memory_space<vmem>>
    %dma_start3A_73 = tpu.memref_squeeze %dma_start3A_72 : memref<1x64xi32, #tpu.memory_space<vmem>> -> memref<64xi32, #tpu.memory_space<vmem>>
    %dma_start3A_74 = arith.constant 0 : i32
    %dma_start3A_75 = arith.constant 0 : i32
    %dma_start3A_76 = tpu.memref_slice %arg3[%dma_start3A_74, %dma_start3A_75] : memref<100000x768xf32, #tpu.memory_space<hbm>> -> memref<100000x768xf32, #tpu.memory_space<hbm>>
    tpu.enqueue_indirect_dma source(%dma_start3A_76 : memref<100000x768xf32, #tpu.memory_space<hbm>>) target(%dma_start3A_70 : memref<64x768xf32, #tpu.memory_space<vmem>>) offsets(%dma_start3A_73 : memref<64xi32, #tpu.memory_space<vmem>>) semaphore(%arg7 : memref<!tpu.dma_semaphore, #tpu.memory_space<semaphore_mem>>)
    %dma_wait3A_77 = arith.constant 1 : i32
    %dma_wait3A_78 = arith.constant 1 : i32
    %dma_wait3A_79 = arith.constant 0 : i32
    %dma_wait3A_80 = arith.constant 0 : i32
    %dma_wait3A_81 = tpu.memref_slice %arg6[%dma_wait3A_78, %dma_wait3A_79, %dma_wait3A_80] : memref<2x64x768xf32, #tpu.memory_space<vmem>> -> memref<1x64x768xf32, #tpu.memory_space<vmem>>
    %dma_wait3A_82 = tpu.memref_squeeze %dma_wait3A_81 : memref<1x64x768xf32, #tpu.memory_space<vmem>> -> memref<64x768xf32, #tpu.memory_space<vmem>>
    %dma_wait3A_83 = arith.constant 0 : i32
    %dma_wait3A_84 = tpu.memref_slice %arg5[%dma_wait3A_77, %dma_wait3A_83] : memref<16x64xi32, #tpu.memory_space<vmem>> -> memref<1x64xi32, #tpu.memory_space<vmem>>
    %dma_wait3A_85 = tpu.memref_squeeze %dma_wait3A_84 : memref<1x64xi32, #tpu.memory_space<vmem>> -> memref<64xi32, #tpu.memory_space<vmem>>
    %dma_wait3A_86 = arith.constant 0 : i32
    %dma_wait3A_87 = arith.constant 0 : i32
    %dma_wait3A_88 = tpu.memref_slice %arg3[%dma_wait3A_86, %dma_wait3A_87] : memref<100000x768xf32, #tpu.memory_space<hbm>> -> memref<100000x768xf32, #tpu.memory_space<hbm>>
    tpu.wait_indirect_dma semaphore(%arg8 : memref<!tpu.dma_semaphore, #tpu.memory_space<semaphore_mem>>) src(%dma_wait3A_88 : memref<100000x768xf32, #tpu.memory_space<hbm>>) dst(%dma_wait3A_82 : memref<64x768xf32, #tpu.memory_space<vmem>>)
    %add3A_89 = arith.constant 64 : i32
    %add3A_90 = arith.addi %mul3A_2, %add3A_89 : i32
    %dma_start3A_91 = arith.constant 1 : i32
    %dma_start3A_92 = arith.constant 0 : i32
    %dma_start3A_93 = arith.constant 0 : i32
    %dma_start3A_94 = tpu.memref_slice %arg6[%dma_start3A_91, %dma_start3A_92, %dma_start3A_93] : memref<2x64x768xf32, #tpu.memory_space<vmem>> -> memref<1x64x768xf32, #tpu.memory_space<vmem>>
    %dma_start3A_95 = tpu.memref_squeeze %dma_start3A_94 : memref<1x64x768xf32, #tpu.memory_space<vmem>> -> memref<64x768xf32, #tpu.memory_space<vmem>>
    %dma_start3A_96 = arith.constant 0 : i32
    %dma_start3A_97 = tpu.memref_slice %arg4[%add3A_90, %dma_start3A_96] : memref<32768x768xf32, #tpu.memory_space<hbm>> -> memref<64x768xf32, #tpu.memory_space<hbm>>
    %dma_start3A_98 = arith.constant 0 : i32
    %dma_start3A_99 = tpu.memref_slice %arg4[%add3A_90, %dma_start3A_98] : memref<32768x768xf32, #tpu.memory_space<hbm>> -> memref<64x768xf32, #tpu.memory_space<hbm>>
    %dma_start3A_100 = arith.constant 0 : i32
    %dma_start3A_101 = arith.constant 0 : i32
    %dma_start3A_102 = tpu.memref_slice %arg6[%dma_start3A_91, %dma_start3A_100, %dma_start3A_101] : memref<2x64x768xf32, #tpu.memory_space<vmem>> -> memref<1x64x768xf32, #tpu.memory_space<vmem>>
    %dma_start3A_103 = tpu.memref_squeeze %dma_start3A_102 : memref<1x64x768xf32, #tpu.memory_space<vmem>> -> memref<64x768xf32, #tpu.memory_space<vmem>>
    tpu.enqueue_dma source(%dma_start3A_103 : memref<64x768xf32, #tpu.memory_space<vmem>>) target(%dma_start3A_99 : memref<64x768xf32, #tpu.memory_space<hbm>>) target_semaphore(%arg10 : memref<!tpu.dma_semaphore, #tpu.memory_space<semaphore_mem>>)
    %dma_wait3A_104 = arith.constant 1 : i32
    %dma_wait3A_105 = arith.constant 0 : i32
    %dma_wait3A_106 = arith.constant 0 : i32
    %dma_wait3A_107 = tpu.memref_slice %arg6[%dma_wait3A_104, %dma_wait3A_105, %dma_wait3A_106] : memref<2x64x768xf32, #tpu.memory_space<vmem>> -> memref<1x64x768xf32, #tpu.memory_space<vmem>>
    %dma_wait3A_108 = tpu.memref_squeeze %dma_wait3A_107 : memref<1x64x768xf32, #tpu.memory_space<vmem>> -> memref<64x768xf32, #tpu.memory_space<vmem>>
    %dma_wait3A_109 = arith.constant 0 : i32
    %dma_wait3A_110 = tpu.memref_slice %arg4[%add3A_90, %dma_wait3A_109] : memref<32768x768xf32, #tpu.memory_space<hbm>> -> memref<64x768xf32, #tpu.memory_space<hbm>>
    %dma_wait3A_111 = arith.constant 0 : i32
    %dma_wait3A_112 = tpu.memref_slice %arg4[%add3A_90, %dma_wait3A_111] : memref<32768x768xf32, #tpu.memory_space<hbm>> -> memref<64x768xf32, #tpu.memory_space<hbm>>
    %dma_wait3A_113 = arith.constant 0 : i32
    %dma_wait3A_114 = arith.constant 0 : i32
    %dma_wait3A_115 = tpu.memref_slice %arg6[%dma_wait3A_104, %dma_wait3A_113, %dma_wait3A_114] : memref<2x64x768xf32, #tpu.memory_space<vmem>> -> memref<1x64x768xf32, #tpu.memory_space<vmem>>
    %dma_wait3A_116 = tpu.memref_squeeze %dma_wait3A_115 : memref<1x64x768xf32, #tpu.memory_space<vmem>> -> memref<64x768xf32, #tpu.memory_space<vmem>>
    tpu.wait_dma2 semaphore(%arg10 : memref<!tpu.dma_semaphore, #tpu.memory_space<semaphore_mem>>) src(%dma_wait3A_116 : memref<64x768xf32, #tpu.memory_space<vmem>>) dst(%dma_wait3A_112 : memref<64x768xf32, #tpu.memory_space<hbm>>)
    %dma_start3A_117 = arith.constant 3 : i32
    %dma_start3A_118 = arith.constant 1 : i32
    %dma_start3A_119 = arith.constant 0 : i32
    %dma_start3A_120 = arith.constant 0 : i32
    %dma_start3A_121 = tpu.memref_slice %arg6[%dma_start3A_118, %dma_start3A_119, %dma_start3A_120] : memref<2x64x768xf32, #tpu.memory_space<vmem>> -> memref<1x64x768xf32, #tpu.memory_space<vmem>>
    %dma_start3A_122 = tpu.memref_squeeze %dma_start3A_121 : memref<1x64x768xf32, #tpu.memory_space<vmem>> -> memref<64x768xf32, #tpu.memory_space<vmem>>
    %dma_start3A_123 = arith.constant 0 : i32
    %dma_start3A_124 = tpu.memref_slice %arg5[%dma_start3A_117, %dma_start3A_123] : memref<16x64xi32, #tpu.memory_space<vmem>> -> memref<1x64xi32, #tpu.memory_space<vmem>>
    %dma_start3A_125 = tpu.memref_squeeze %dma_start3A_124 : memref<1x64xi32, #tpu.memory_space<vmem>> -> memref<64xi32, #tpu.memory_space<vmem>>
    %dma_start3A_126 = arith.constant 0 : i32
    %dma_start3A_127 = arith.constant 0 : i32
    %dma_start3A_128 = tpu.memref_slice %arg3[%dma_start3A_126, %dma_start3A_127] : memref<100000x768xf32, #tpu.memory_space<hbm>> -> memref<100000x768xf32, #tpu.memory_space<hbm>>
    tpu.enqueue_indirect_dma source(%dma_start3A_128 : memref<100000x768xf32, #tpu.memory_space<hbm>>) target(%dma_start3A_122 : memref<64x768xf32, #tpu.memory_space<vmem>>) offsets(%dma_start3A_125 : memref<64xi32, #tpu.memory_space<vmem>>) semaphore(%arg8 : memref<!tpu.dma_semaphore, #tpu.memory_space<semaphore_mem>>)
    %dma_wait3A_129 = arith.constant 2 : i32
    %dma_wait3A_130 = arith.constant 0 : i32
    %dma_wait3A_131 = arith.constant 0 : i32
    %dma_wait3A_132 = arith.constant 0 : i32
    %dma_wait3A_133 = tpu.memref_slice %arg6[%dma_wait3A_130, %dma_wait3A_131, %dma_wait3A_132] : memref<2x64x768xf32, #tpu.memory_space<vmem>> -> memref<1x64x768xf32, #tpu.memory_space<vmem>>
    %dma_wait3A_134 = tpu.memref_squeeze %dma_wait3A_133 : memref<1x64x768xf32, #tpu.memory_space<vmem>> -> memref<64x768xf32, #tpu.memory_space<vmem>>
    %dma_wait3A_135 = arith.constant 0 : i32
    %dma_wait3A_136 = tpu.memref_slice %arg5[%dma_wait3A_129, %dma_wait3A_135] : memref<16x64xi32, #tpu.memory_space<vmem>> -> memref<1x64xi32, #tpu.memory_space<vmem>>
    %dma_wait3A_137 = tpu.memref_squeeze %dma_wait3A_136 : memref<1x64xi32, #tpu.memory_space<vmem>> -> memref<64xi32, #tpu.memory_space<vmem>>
    %dma_wait3A_138 = arith.constant 0 : i32
    %dma_wait3A_139 = arith.constant 0 : i32
    %dma_wait3A_140 = tpu.memref_slice %arg3[%dma_wait3A_138, %dma_wait3A_139] : memref<100000x768xf32, #tpu.memory_space<hbm>> -> memref<100000x768xf32, #tpu.memory_space<hbm>>
    tpu.wait_indirect_dma semaphore(%arg7 : memref<!tpu.dma_semaphore, #tpu.memory_space<semaphore_mem>>) src(%dma_wait3A_140 : memref<100000x768xf32, #tpu.memory_space<hbm>>) dst(%dma_wait3A_134 : memref<64x768xf32, #tpu.memory_space<vmem>>)
    %add3A_141 = arith.constant 128 : i32
    %add3A_142 = arith.addi %mul3A_2, %add3A_141 : i32
    %dma_start3A_143 = arith.constant 0 : i32
    %dma_start3A_144 = arith.constant 0 : i32
    %dma_start3A_145 = arith.constant 0 : i32
    %dma_start3A_146 = tpu.memref_slice %arg6[%dma_start3A_143, %dma_start3A_144, %dma_start3A_145] : memref<2x64x768xf32, #tpu.memory_space<vmem>> -> memref<1x64x768xf32, #tpu.memory_space<vmem>>
    %dma_start3A_147 = tpu.memref_squeeze %dma_start3A_146 : memref<1x64x768xf32, #tpu.memory_space<vmem>> -> memref<64x768xf32, #tpu.memory_space<vmem>>
    %dma_start3A_148 = arith.constant 0 : i32
    %dma_start3A_149 = tpu.memref_slice %arg4[%add3A_142, %dma_start3A_148] : memref<32768x768xf32, #tpu.memory_space<hbm>> -> memref<64x768xf32, #tpu.memory_space<hbm>>
    %dma_start3A_150 = arith.constant 0 : i32
    %dma_start3A_151 = tpu.memref_slice %arg4[%add3A_142, %dma_start3A_150] : memref<32768x768xf32, #tpu.memory_space<hbm>> -> memref<64x768xf32, #tpu.memory_space<hbm>>
    %dma_start3A_152 = arith.constant 0 : i32
    %dma_start3A_153 = arith.constant 0 : i32
    %dma_start3A_154 = tpu.memref_slice %arg6[%dma_start3A_143, %dma_start3A_152, %dma_start3A_153] : memref<2x64x768xf32, #tpu.memory_space<vmem>> -> memref<1x64x768xf32, #tpu.memory_space<vmem>>
    %dma_start3A_155 = tpu.memref_squeeze %dma_start3A_154 : memref<1x64x768xf32, #tpu.memory_space<vmem>> -> memref<64x768xf32, #tpu.memory_space<vmem>>
    tpu.enqueue_dma source(%dma_start3A_155 : memref<64x768xf32, #tpu.memory_space<vmem>>) target(%dma_start3A_151 : memref<64x768xf32, #tpu.memory_space<hbm>>) target_semaphore(%arg9 : memref<!tpu.dma_semaphore, #tpu.memory_space<semaphore_mem>>)
    %dma_wait3A_156 = arith.constant 0 : i32
    %dma_wait3A_157 = arith.constant 0 : i32
    %dma_wait3A_158 = arith.constant 0 : i32
    %dma_wait3A_159 = tpu.memref_slice %arg6[%dma_wait3A_156, %dma_wait3A_157, %dma_wait3A_158] : memref<2x64x768xf32, #tpu.memory_space<vmem>> -> memref<1x64x768xf32, #tpu.memory_space<vmem>>
    %dma_wait3A_160 = tpu.memref_squeeze %dma_wait3A_159 : memref<1x64x768xf32, #tpu.memory_space<vmem>> -> memref<64x768xf32, #tpu.memory_space<vmem>>
    %dma_wait3A_161 = arith.constant 0 : i32
    %dma_wait3A_162 = tpu.memref_slice %arg4[%add3A_142, %dma_wait3A_161] : memref<32768x768xf32, #tpu.memory_space<hbm>> -> memref<64x768xf32, #tpu.memory_space<hbm>>
    %dma_wait3A_163 = arith.constant 0 : i32
    %dma_wait3A_164 = tpu.memref_slice %arg4[%add3A_142, %dma_wait3A_163] : memref<32768x768xf32, #tpu.memory_space<hbm>> -> memref<64x768xf32, #tpu.memory_space<hbm>>
    %dma_wait3A_165 = arith.constant 0 : i32
    %dma_wait3A_166 = arith.constant 0 : i32
    %dma_wait3A_167 = tpu.memref_slice %arg6[%dma_wait3A_156, %dma_wait3A_165, %dma_wait3A_166] : memref<2x64x768xf32, #tpu.memory_space<vmem>> -> memref<1x64x768xf32, #tpu.memory_space<vmem>>
    %dma_wait3A_168 = tpu.memref_squeeze %dma_wait3A_167 : memref<1x64x768xf32, #tpu.memory_space<vmem>> -> memref<64x768xf32, #tpu.memory_space<vmem>>
    tpu.wait_dma2 semaphore(%arg9 : memref<!tpu.dma_semaphore, #tpu.memory_space<semaphore_mem>>) src(%dma_wait3A_168 : memref<64x768xf32, #tpu.memory_space<vmem>>) dst(%dma_wait3A_164 : memref<64x768xf32, #tpu.memory_space<hbm>>)
    %dma_start3A_169 = arith.constant 4 : i32
    %dma_start3A_170 = arith.constant 0 : i32
    %dma_start3A_171 = arith.constant 0 : i32
    %dma_start3A_172 = arith.constant 0 : i32
    %dma_start3A_173 = tpu.memref_slice %arg6[%dma_start3A_170, %dma_start3A_171, %dma_start3A_172] : memref<2x64x768xf32, #tpu.memory_space<vmem>> -> memref<1x64x768xf32, #tpu.memory_space<vmem>>
    %dma_start3A_174 = tpu.memref_squeeze %dma_start3A_173 : memref<1x64x768xf32, #tpu.memory_space<vmem>> -> memref<64x768xf32, #tpu.memory_space<vmem>>
    %dma_start3A_175 = arith.constant 0 : i32
    %dma_start3A_176 = tpu.memref_slice %arg5[%dma_start3A_169, %dma_start3A_175] : memref<16x64xi32, #tpu.memory_space<vmem>> -> memref<1x64xi32, #tpu.memory_space<vmem>>
    %dma_start3A_177 = tpu.memref_squeeze %dma_start3A_176 : memref<1x64xi32, #tpu.memory_space<vmem>> -> memref<64xi32, #tpu.memory_space<vmem>>
    %dma_start3A_178 = arith.constant 0 : i32
    %dma_start3A_179 = arith.constant 0 : i32
    %dma_start3A_180 = tpu.memref_slice %arg3[%dma_start3A_178, %dma_start3A_179] : memref<100000x768xf32, #tpu.memory_space<hbm>> -> memref<100000x768xf32, #tpu.memory_space<hbm>>
    tpu.enqueue_indirect_dma source(%dma_start3A_180 : memref<100000x768xf32, #tpu.memory_space<hbm>>) target(%dma_start3A_174 : memref<64x768xf32, #tpu.memory_space<vmem>>) offsets(%dma_start3A_177 : memref<64xi32, #tpu.memory_space<vmem>>) semaphore(%arg7 : memref<!tpu.dma_semaphore, #tpu.memory_space<semaphore_mem>>)
    %dma_wait3A_181 = arith.constant 3 : i32
    %dma_wait3A_182 = arith.constant 1 : i32
    %dma_wait3A_183 = arith.constant 0 : i32
    %dma_wait3A_184 = arith.constant 0 : i32
    %dma_wait3A_185 = tpu.memref_slice %arg6[%dma_wait3A_182, %dma_wait3A_183, %dma_wait3A_184] : memref<2x64x768xf32, #tpu.memory_space<vmem>> -> memref<1x64x768xf32, #tpu.memory_space<vmem>>
    %dma_wait3A_186 = tpu.memref_squeeze %dma_wait3A_185 : memref<1x64x768xf32, #tpu.memory_space<vmem>> -> memref<64x768xf32, #tpu.memory_space<vmem>>
    %dma_wait3A_187 = arith.constant 0 : i32
    %dma_wait3A_188 = tpu.memref_slice %arg5[%dma_wait3A_181, %dma_wait3A_187] : memref<16x64xi32, #tpu.memory_space<vmem>> -> memref<1x64xi32, #tpu.memory_space<vmem>>
    %dma_wait3A_189 = tpu.memref_squeeze %dma_wait3A_188 : memref<1x64xi32, #tpu.memory_space<vmem>> -> memref<64xi32, #tpu.memory_space<vmem>>
    %dma_wait3A_190 = arith.constant 0 : i32
    %dma_wait3A_191 = arith.constant 0 : i32
    %dma_wait3A_192 = tpu.memref_slice %arg3[%dma_wait3A_190, %dma_wait3A_191] : memref<100000x768xf32, #tpu.memory_space<hbm>> -> memref<100000x768xf32, #tpu.memory_space<hbm>>
    tpu.wait_indirect_dma semaphore(%arg8 : memref<!tpu.dma_semaphore, #tpu.memory_space<semaphore_mem>>) src(%dma_wait3A_192 : memref<100000x768xf32, #tpu.memory_space<hbm>>) dst(%dma_wait3A_186 : memref<64x768xf32, #tpu.memory_space<vmem>>)
    %add3A_193 = arith.constant 192 : i32
    %add3A_194 = arith.addi %mul3A_2, %add3A_193 : i32
    %dma_start3A_195 = arith.constant 1 : i32
    %dma_start3A_196 = arith.constant 0 : i32
    %dma_start3A_197 = arith.constant 0 : i32
    %dma_start3A_198 = tpu.memref_slice %arg6[%dma_start3A_195, %dma_start3A_196, %dma_start3A_197] : memref<2x64x768xf32, #tpu.memory_space<vmem>> -> memref<1x64x768xf32, #tpu.memory_space<vmem>>
    %dma_start3A_199 = tpu.memref_squeeze %dma_start3A_198 : memref<1x64x768xf32, #tpu.memory_space<vmem>> -> memref<64x768xf32, #tpu.memory_space<vmem>>
    %dma_start3A_200 = arith.constant 0 : i32
    %dma_start3A_201 = tpu.memref_slice %arg4[%add3A_194, %dma_start3A_200] : memref<32768x768xf32, #tpu.memory_space<hbm>> -> memref<64x768xf32, #tpu.memory_space<hbm>>
    %dma_start3A_202 = arith.constant 0 : i32
    %dma_start3A_203 = tpu.memref_slice %arg4[%add3A_194, %dma_start3A_202] : memref<32768x768xf32, #tpu.memory_space<hbm>> -> memref<64x768xf32, #tpu.memory_space<hbm>>
    %dma_start3A_204 = arith.constant 0 : i32
    %dma_start3A_205 = arith.constant 0 : i32
    %dma_start3A_206 = tpu.memref_slice %arg6[%dma_start3A_195, %dma_start3A_204, %dma_start3A_205] : memref<2x64x768xf32, #tpu.memory_space<vmem>> -> memref<1x64x768xf32, #tpu.memory_space<vmem>>
    %dma_start3A_207 = tpu.memref_squeeze %dma_start3A_206 : memref<1x64x768xf32, #tpu.memory_space<vmem>> -> memref<64x768xf32, #tpu.memory_space<vmem>>
    tpu.enqueue_dma source(%dma_start3A_207 : memref<64x768xf32, #tpu.memory_space<vmem>>) target(%dma_start3A_203 : memref<64x768xf32, #tpu.memory_space<hbm>>) target_semaphore(%arg10 : memref<!tpu.dma_semaphore, #tpu.memory_space<semaphore_mem>>)
    %dma_wait3A_208 = arith.constant 1 : i32
    %dma_wait3A_209 = arith.constant 0 : i32
    %dma_wait3A_210 = arith.constant 0 : i32
    %dma_wait3A_211 = tpu.memref_slice %arg6[%dma_wait3A_208, %dma_wait3A_209, %dma_wait3A_210] : memref<2x64x768xf32, #tpu.memory_space<vmem>> -> memref<1x64x768xf32, #tpu.memory_space<vmem>>
    %dma_wait3A_212 = tpu.memref_squeeze %dma_wait3A_211 : memref<1x64x768xf32, #tpu.memory_space<vmem>> -> memref<64x768xf32, #tpu.memory_space<vmem>>
    %dma_wait3A_213 = arith.constant 0 : i32
    %dma_wait3A_214 = tpu.memref_slice %arg4[%add3A_194, %dma_wait3A_213] : memref<32768x768xf32, #tpu.memory_space<hbm>> -> memref<64x768xf32, #tpu.memory_space<hbm>>
    %dma_wait3A_215 = arith.constant 0 : i32
    %dma_wait3A_216 = tpu.memref_slice %arg4[%add3A_194, %dma_wait3A_215] : memref<32768x768xf32, #tpu.memory_space<hbm>> -> memref<64x768xf32, #tpu.memory_space<hbm>>
    %dma_wait3A_217 = arith.constant 0 : i32
    %dma_wait3A_218 = arith.constant 0 : i32
    %dma_wait3A_219 = tpu.memref_slice %arg6[%dma_wait3A_208, %dma_wait3A_217, %dma_wait3A_218] : memref<2x64x768xf32, #tpu.memory_space<vmem>> -> memref<1x64x768xf32, #tpu.memory_space<vmem>>
    %dma_wait3A_220 = tpu.memref_squeeze %dma_wait3A_219 : memref<1x64x768xf32, #tpu.memory_space<vmem>> -> memref<64x768xf32, #tpu.memory_space<vmem>>
    tpu.wait_dma2 semaphore(%arg10 : memref<!tpu.dma_semaphore, #tpu.memory_space<semaphore_mem>>) src(%dma_wait3A_220 : memref<64x768xf32, #tpu.memory_space<vmem>>) dst(%dma_wait3A_216 : memref<64x768xf32, #tpu.memory_space<hbm>>)
    %dma_start3A_221 = arith.constant 5 : i32
    %dma_start3A_222 = arith.constant 1 : i32
    %dma_start3A_223 = arith.constant 0 : i32
    %dma_start3A_224 = arith.constant 0 : i32
    %dma_start3A_225 = tpu.memref_slice %arg6[%dma_start3A_222, %dma_start3A_223, %dma_start3A_224] : memref<2x64x768xf32, #tpu.memory_space<vmem>> -> memref<1x64x768xf32, #tpu.memory_space<vmem>>
    %dma_start3A_226 = tpu.memref_squeeze %dma_start3A_225 : memref<1x64x768xf32, #tpu.memory_space<vmem>> -> memref<64x768xf32, #tpu.memory_space<vmem>>
    %dma_start3A_227 = arith.constant 0 : i32
    %dma_start3A_228 = tpu.memref_slice %arg5[%dma_start3A_221, %dma_start3A_227] : memref<16x64xi32, #tpu.memory_space<vmem>> -> memref<1x64xi32, #tpu.memory_space<vmem>>
    %dma_start3A_229 = tpu.memref_squeeze %dma_start3A_228 : memref<1x64xi32, #tpu.memory_space<vmem>> -> memref<64xi32, #tpu.memory_space<vmem>>
    %dma_start3A_230 = arith.constant 0 : i32
    %dma_start3A_231 = arith.constant 0 : i32
    %dma_start3A_232 = tpu.memref_slice %arg3[%dma_start3A_230, %dma_start3A_231] : memref<100000x768xf32, #tpu.memory_space<hbm>> -> memref<100000x768xf32, #tpu.memory_space<hbm>>
    tpu.enqueue_indirect_dma source(%dma_start3A_232 : memref<100000x768xf32, #tpu.memory_space<hbm>>) target(%dma_start3A_226 : memref<64x768xf32, #tpu.memory_space<vmem>>) offsets(%dma_start3A_229 : memref<64xi32, #tpu.memory_space<vmem>>) semaphore(%arg8 : memref<!tpu.dma_semaphore, #tpu.memory_space<semaphore_mem>>)
    %dma_wait3A_233 = arith.constant 4 : i32
    %dma_wait3A_234 = arith.constant 0 : i32
    %dma_wait3A_235 = arith.constant 0 : i32
    %dma_wait3A_236 = arith.constant 0 : i32
    %dma_wait3A_237 = tpu.memref_slice %arg6[%dma_wait3A_234, %dma_wait3A_235, %dma_wait3A_236] : memref<2x64x768xf32, #tpu.memory_space<vmem>> -> memref<1x64x768xf32, #tpu.memory_space<vmem>>
    %dma_wait3A_238 = tpu.memref_squeeze %dma_wait3A_237 : memref<1x64x768xf32, #tpu.memory_space<vmem>> -> memref<64x768xf32, #tpu.memory_space<vmem>>
    %dma_wait3A_239 = arith.constant 0 : i32
    %dma_wait3A_240 = tpu.memref_slice %arg5[%dma_wait3A_233, %dma_wait3A_239] : memref<16x64xi32, #tpu.memory_space<vmem>> -> memref<1x64xi32, #tpu.memory_space<vmem>>
    %dma_wait3A_241 = tpu.memref_squeeze %dma_wait3A_240 : memref<1x64xi32, #tpu.memory_space<vmem>> -> memref<64xi32, #tpu.memory_space<vmem>>
    %dma_wait3A_242 = arith.constant 0 : i32
    %dma_wait3A_243 = arith.constant 0 : i32
    %dma_wait3A_244 = tpu.memref_slice %arg3[%dma_wait3A_242, %dma_wait3A_243] : memref<100000x768xf32, #tpu.memory_space<hbm>> -> memref<100000x768xf32, #tpu.memory_space<hbm>>
    tpu.wait_indirect_dma semaphore(%arg7 : memref<!tpu.dma_semaphore, #tpu.memory_space<semaphore_mem>>) src(%dma_wait3A_244 : memref<100000x768xf32, #tpu.memory_space<hbm>>) dst(%dma_wait3A_238 : memref<64x768xf32, #tpu.memory_space<vmem>>)
    %add3A_245 = arith.constant 256 : i32
    %add3A_246 = arith.addi %mul3A_2, %add3A_245 : i32
    %dma_start3A_247 = arith.constant 0 : i32
    %dma_start3A_248 = arith.constant 0 : i32
    %dma_start3A_249 = arith.constant 0 : i32
    %dma_start3A_250 = tpu.memref_slice %arg6[%dma_start3A_247, %dma_start3A_248, %dma_start3A_249] : memref<2x64x768xf32, #tpu.memory_space<vmem>> -> memref<1x64x768xf32, #tpu.memory_space<vmem>>
    %dma_start3A_251 = tpu.memref_squeeze %dma_start3A_250 : memref<1x64x768xf32, #tpu.memory_space<vmem>> -> memref<64x768xf32, #tpu.memory_space<vmem>>
    %dma_start3A_252 = arith.constant 0 : i32
    %dma_start3A_253 = tpu.memref_slice %arg4[%add3A_246, %dma_start3A_252] : memref<32768x768xf32, #tpu.memory_space<hbm>> -> memref<64x768xf32, #tpu.memory_space<hbm>>
    %dma_start3A_254 = arith.constant 0 : i32
    %dma_start3A_255 = tpu.memref_slice %arg4[%add3A_246, %dma_start3A_254] : memref<32768x768xf32, #tpu.memory_space<hbm>> -> memref<64x768xf32, #tpu.memory_space<hbm>>
    %dma_start3A_256 = arith.constant 0 : i32
    %dma_start3A_257 = arith.constant 0 : i32
    %dma_start3A_258 = tpu.memref_slice %arg6[%dma_start3A_247, %dma_start3A_256, %dma_start3A_257] : memref<2x64x768xf32, #tpu.memory_space<vmem>> -> memref<1x64x768xf32, #tpu.memory_space<vmem>>
    %dma_start3A_259 = tpu.memref_squeeze %dma_start3A_258 : memref<1x64x768xf32, #tpu.memory_space<vmem>> -> memref<64x768xf32, #tpu.memory_space<vmem>>
    tpu.enqueue_dma source(%dma_start3A_259 : memref<64x768xf32, #tpu.memory_space<vmem>>) target(%dma_start3A_255 : memref<64x768xf32, #tpu.memory_space<hbm>>) target_semaphore(%arg9 : memref<!tpu.dma_semaphore, #tpu.memory_space<semaphore_mem>>)
    %dma_wait3A_260 = arith.constant 0 : i32
    %dma_wait3A_261 = arith.constant 0 : i32
    %dma_wait3A_262 = arith.constant 0 : i32
    %dma_wait3A_263 = tpu.memref_slice %arg6[%dma_wait3A_260, %dma_wait3A_261, %dma_wait3A_262] : memref<2x64x768xf32, #tpu.memory_space<vmem>> -> memref<1x64x768xf32, #tpu.memory_space<vmem>>
    %dma_wait3A_264 = tpu.memref_squeeze %dma_wait3A_263 : memref<1x64x768xf32, #tpu.memory_space<vmem>> -> memref<64x768xf32, #tpu.memory_space<vmem>>
    %dma_wait3A_265 = arith.constant 0 : i32
    %dma_wait3A_266 = tpu.memref_slice %arg4[%add3A_246, %dma_wait3A_265] : memref<32768x768xf32, #tpu.memory_space<hbm>> -> memref<64x768xf32, #tpu.memory_space<hbm>>
    %dma_wait3A_267 = arith.constant 0 : i32
    %dma_wait3A_268 = tpu.memref_slice %arg4[%add3A_246, %dma_wait3A_267] : memref<32768x768xf32, #tpu.memory_space<hbm>> -> memref<64x768xf32, #tpu.memory_space<hbm>>
    %dma_wait3A_269 = arith.constant 0 : i32
    %dma_wait3A_270 = arith.constant 0 : i32
    %dma_wait3A_271 = tpu.memref_slice %arg6[%dma_wait3A_260, %dma_wait3A_269, %dma_wait3A_270] : memref<2x64x768xf32, #tpu.memory_space<vmem>> -> memref<1x64x768xf32, #tpu.memory_space<vmem>>
    %dma_wait3A_272 = tpu.memref_squeeze %dma_wait3A_271 : memref<1x64x768xf32, #tpu.memory_space<vmem>> -> memref<64x768xf32, #tpu.memory_space<vmem>>
    tpu.wait_dma2 semaphore(%arg9 : memref<!tpu.dma_semaphore, #tpu.memory_space<semaphore_mem>>) src(%dma_wait3A_272 : memref<64x768xf32, #tpu.memory_space<vmem>>) dst(%dma_wait3A_268 : memref<64x768xf32, #tpu.memory_space<hbm>>)
    %dma_start3A_273 = arith.constant 6 : i32
    %dma_start3A_274 = arith.constant 0 : i32
    %dma_start3A_275 = arith.constant 0 : i32
    %dma_start3A_276 = arith.constant 0 : i32
    %dma_start3A_277 = tpu.memref_slice %arg6[%dma_start3A_274, %dma_start3A_275, %dma_start3A_276] : memref<2x64x768xf32, #tpu.memory_space<vmem>> -> memref<1x64x768xf32, #tpu.memory_space<vmem>>
    %dma_start3A_278 = tpu.memref_squeeze %dma_start3A_277 : memref<1x64x768xf32, #tpu.memory_space<vmem>> -> memref<64x768xf32, #tpu.memory_space<vmem>>
    %dma_start3A_279 = arith.constant 0 : i32
    %dma_start3A_280 = tpu.memref_slice %arg5[%dma_start3A_273, %dma_start3A_279] : memref<16x64xi32, #tpu.memory_space<vmem>> -> memref<1x64xi32, #tpu.memory_space<vmem>>
    %dma_start3A_281 = tpu.memref_squeeze %dma_start3A_280 : memref<1x64xi32, #tpu.memory_space<vmem>> -> memref<64xi32, #tpu.memory_space<vmem>>
    %dma_start3A_282 = arith.constant 0 : i32
    %dma_start3A_283 = arith.constant 0 : i32
    %dma_start3A_284 = tpu.memref_slice %arg3[%dma_start3A_282, %dma_start3A_283] : memref<100000x768xf32, #tpu.memory_space<hbm>> -> memref<100000x768xf32, #tpu.memory_space<hbm>>
    tpu.enqueue_indirect_dma source(%dma_start3A_284 : memref<100000x768xf32, #tpu.memory_space<hbm>>) target(%dma_start3A_278 : memref<64x768xf32, #tpu.memory_space<vmem>>) offsets(%dma_start3A_281 : memref<64xi32, #tpu.memory_space<vmem>>) semaphore(%arg7 : memref<!tpu.dma_semaphore, #tpu.memory_space<semaphore_mem>>)
    %dma_wait3A_285 = arith.constant 5 : i32
    %dma_wait3A_286 = arith.constant 1 : i32
    %dma_wait3A_287 = arith.constant 0 : i32
    %dma_wait3A_288 = arith.constant 0 : i32
    %dma_wait3A_289 = tpu.memref_slice %arg6[%dma_wait3A_286, %dma_wait3A_287, %dma_wait3A_288] : memref<2x64x768xf32, #tpu.memory_space<vmem>> -> memref<1x64x768xf32, #tpu.memory_space<vmem>>
    %dma_wait3A_290 = tpu.memref_squeeze %dma_wait3A_289 : memref<1x64x768xf32, #tpu.memory_space<vmem>> -> memref<64x768xf32, #tpu.memory_space<vmem>>
    %dma_wait3A_291 = arith.constant 0 : i32
    %dma_wait3A_292 = tpu.memref_slice %arg5[%dma_wait3A_285, %dma_wait3A_291] : memref<16x64xi32, #tpu.memory_space<vmem>> -> memref<1x64xi32, #tpu.memory_space<vmem>>
    %dma_wait3A_293 = tpu.memref_squeeze %dma_wait3A_292 : memref<1x64xi32, #tpu.memory_space<vmem>> -> memref<64xi32, #tpu.memory_space<vmem>>
    %dma_wait3A_294 = arith.constant 0 : i32
    %dma_wait3A_295 = arith.constant 0 : i32
    %dma_wait3A_296 = tpu.memref_slice %arg3[%dma_wait3A_294, %dma_wait3A_295] : memref<100000x768xf32, #tpu.memory_space<hbm>> -> memref<100000x768xf32, #tpu.memory_space<hbm>>
    tpu.wait_indirect_dma semaphore(%arg8 : memref<!tpu.dma_semaphore, #tpu.memory_space<semaphore_mem>>) src(%dma_wait3A_296 : memref<100000x768xf32, #tpu.memory_space<hbm>>) dst(%dma_wait3A_290 : memref<64x768xf32, #tpu.memory_space<vmem>>)
    %add3A_297 = arith.constant 320 : i32
    %add3A_298 = arith.addi %mul3A_2, %add3A_297 : i32
    %dma_start3A_299 = arith.constant 1 : i32
    %dma_start3A_300 = arith.constant 0 : i32
    %dma_start3A_301 = arith.constant 0 : i32
    %dma_start3A_302 = tpu.memref_slice %arg6[%dma_start3A_299, %dma_start3A_300, %dma_start3A_301] : memref<2x64x768xf32, #tpu.memory_space<vmem>> -> memref<1x64x768xf32, #tpu.memory_space<vmem>>
    %dma_start3A_303 = tpu.memref_squeeze %dma_start3A_302 : memref<1x64x768xf32, #tpu.memory_space<vmem>> -> memref<64x768xf32, #tpu.memory_space<vmem>>
    %dma_start3A_304 = arith.constant 0 : i32
    %dma_start3A_305 = tpu.memref_slice %arg4[%add3A_298, %dma_start3A_304] : memref<32768x768xf32, #tpu.memory_space<hbm>> -> memref<64x768xf32, #tpu.memory_space<hbm>>
    %dma_start3A_306 = arith.constant 0 : i32
    %dma_start3A_307 = tpu.memref_slice %arg4[%add3A_298, %dma_start3A_306] : memref<32768x768xf32, #tpu.memory_space<hbm>> -> memref<64x768xf32, #tpu.memory_space<hbm>>
    %dma_start3A_308 = arith.constant 0 : i32
    %dma_start3A_309 = arith.constant 0 : i32
    %dma_start3A_310 = tpu.memref_slice %arg6[%dma_start3A_299, %dma_start3A_308, %dma_start3A_309] : memref<2x64x768xf32, #tpu.memory_space<vmem>> -> memref<1x64x768xf32, #tpu.memory_space<vmem>>
    %dma_start3A_311 = tpu.memref_squeeze %dma_start3A_310 : memref<1x64x768xf32, #tpu.memory_space<vmem>> -> memref<64x768xf32, #tpu.memory_space<vmem>>
    tpu.enqueue_dma source(%dma_start3A_311 : memref<64x768xf32, #tpu.memory_space<vmem>>) target(%dma_start3A_307 : memref<64x768xf32, #tpu.memory_space<hbm>>) target_semaphore(%arg10 : memref<!tpu.dma_semaphore, #tpu.memory_space<semaphore_mem>>)
    %dma_wait3A_312 = arith.constant 1 : i32
    %dma_wait3A_313 = arith.constant 0 : i32
    %dma_wait3A_314 = arith.constant 0 : i32
    %dma_wait3A_315 = tpu.memref_slice %arg6[%dma_wait3A_312, %dma_wait3A_313, %dma_wait3A_314] : memref<2x64x768xf32, #tpu.memory_space<vmem>> -> memref<1x64x768xf32, #tpu.memory_space<vmem>>
    %dma_wait3A_316 = tpu.memref_squeeze %dma_wait3A_315 : memref<1x64x768xf32, #tpu.memory_space<vmem>> -> memref<64x768xf32, #tpu.memory_space<vmem>>
    %dma_wait3A_317 = arith.constant 0 : i32
    %dma_wait3A_318 = tpu.memref_slice %arg4[%add3A_298, %dma_wait3A_317] : memref<32768x768xf32, #tpu.memory_space<hbm>> -> memref<64x768xf32, #tpu.memory_space<hbm>>
    %dma_wait3A_319 = arith.constant 0 : i32
    %dma_wait3A_320 = tpu.memref_slice %arg4[%add3A_298, %dma_wait3A_319] : memref<32768x768xf32, #tpu.memory_space<hbm>> -> memref<64x768xf32, #tpu.memory_space<hbm>>
    %dma_wait3A_321 = arith.constant 0 : i32
    %dma_wait3A_322 = arith.constant 0 : i32
    %dma_wait3A_323 = tpu.memref_slice %arg6[%dma_wait3A_312, %dma_wait3A_321, %dma_wait3A_322] : memref<2x64x768xf32, #tpu.memory_space<vmem>> -> memref<1x64x768xf32, #tpu.memory_space<vmem>>
    %dma_wait3A_324 = tpu.memref_squeeze %dma_wait3A_323 : memref<1x64x768xf32, #tpu.memory_space<vmem>> -> memref<64x768xf32, #tpu.memory_space<vmem>>
    tpu.wait_dma2 semaphore(%arg10 : memref<!tpu.dma_semaphore, #tpu.memory_space<semaphore_mem>>) src(%dma_wait3A_324 : memref<64x768xf32, #tpu.memory_space<vmem>>) dst(%dma_wait3A_320 : memref<64x768xf32, #tpu.memory_space<hbm>>)
    %dma_start3A_325 = arith.constant 7 : i32
    %dma_start3A_326 = arith.constant 1 : i32
    %dma_start3A_327 = arith.constant 0 : i32
    %dma_start3A_328 = arith.constant 0 : i32
    %dma_start3A_329 = tpu.memref_slice %arg6[%dma_start3A_326, %dma_start3A_327, %dma_start3A_328] : memref<2x64x768xf32, #tpu.memory_space<vmem>> -> memref<1x64x768xf32, #tpu.memory_space<vmem>>
    %dma_start3A_330 = tpu.memref_squeeze %dma_start3A_329 : memref<1x64x768xf32, #tpu.memory_space<vmem>> -> memref<64x768xf32, #tpu.memory_space<vmem>>
    %dma_start3A_331 = arith.constant 0 : i32
    %dma_start3A_332 = tpu.memref_slice %arg5[%dma_start3A_325, %dma_start3A_331] : memref<16x64xi32, #tpu.memory_space<vmem>> -> memref<1x64xi32, #tpu.memory_space<vmem>>
    %dma_start3A_333 = tpu.memref_squeeze %dma_start3A_332 : memref<1x64xi32, #tpu.memory_space<vmem>> -> memref<64xi32, #tpu.memory_space<vmem>>
    %dma_start3A_334 = arith.constant 0 : i32
    %dma_start3A_335 = arith.constant 0 : i32
    %dma_start3A_336 = tpu.memref_slice %arg3[%dma_start3A_334, %dma_start3A_335] : memref<100000x768xf32, #tpu.memory_space<hbm>> -> memref<100000x768xf32, #tpu.memory_space<hbm>>
    tpu.enqueue_indirect_dma source(%dma_start3A_336 : memref<100000x768xf32, #tpu.memory_space<hbm>>) target(%dma_start3A_330 : memref<64x768xf32, #tpu.memory_space<vmem>>) offsets(%dma_start3A_333 : memref<64xi32, #tpu.memory_space<vmem>>) semaphore(%arg8 : memref<!tpu.dma_semaphore, #tpu.memory_space<semaphore_mem>>)
    %dma_wait3A_337 = arith.constant 6 : i32
    %dma_wait3A_338 = arith.constant 0 : i32
    %dma_wait3A_339 = arith.constant 0 : i32
    %dma_wait3A_340 = arith.constant 0 : i32
    %dma_wait3A_341 = tpu.memref_slice %arg6[%dma_wait3A_338, %dma_wait3A_339, %dma_wait3A_340] : memref<2x64x768xf32, #tpu.memory_space<vmem>> -> memref<1x64x768xf32, #tpu.memory_space<vmem>>
    %dma_wait3A_342 = tpu.memref_squeeze %dma_wait3A_341 : memref<1x64x768xf32, #tpu.memory_space<vmem>> -> memref<64x768xf32, #tpu.memory_space<vmem>>
    %dma_wait3A_343 = arith.constant 0 : i32
    %dma_wait3A_344 = tpu.memref_slice %arg5[%dma_wait3A_337, %dma_wait3A_343] : memref<16x64xi32, #tpu.memory_space<vmem>> -> memref<1x64xi32, #tpu.memory_space<vmem>>
    %dma_wait3A_345 = tpu.memref_squeeze %dma_wait3A_344 : memref<1x64xi32, #tpu.memory_space<vmem>> -> memref<64xi32, #tpu.memory_space<vmem>>
    %dma_wait3A_346 = arith.constant 0 : i32
    %dma_wait3A_347 = arith.constant 0 : i32
    %dma_wait3A_348 = tpu.memref_slice %arg3[%dma_wait3A_346, %dma_wait3A_347] : memref<100000x768xf32, #tpu.memory_space<hbm>> -> memref<100000x768xf32, #tpu.memory_space<hbm>>
    tpu.wait_indirect_dma semaphore(%arg7 : memref<!tpu.dma_semaphore, #tpu.memory_space<semaphore_mem>>) src(%dma_wait3A_348 : memref<100000x768xf32, #tpu.memory_space<hbm>>) dst(%dma_wait3A_342 : memref<64x768xf32, #tpu.memory_space<vmem>>)
    %add3A_349 = arith.constant 384 : i32
    %add3A_350 = arith.addi %mul3A_2, %add3A_349 : i32
    %dma_start3A_351 = arith.constant 0 : i32
    %dma_start3A_352 = arith.constant 0 : i32
    %dma_start3A_353 = arith.constant 0 : i32
    %dma_start3A_354 = tpu.memref_slice %arg6[%dma_start3A_351, %dma_start3A_352, %dma_start3A_353] : memref<2x64x768xf32, #tpu.memory_space<vmem>> -> memref<1x64x768xf32, #tpu.memory_space<vmem>>
    %dma_start3A_355 = tpu.memref_squeeze %dma_start3A_354 : memref<1x64x768xf32, #tpu.memory_space<vmem>> -> memref<64x768xf32, #tpu.memory_space<vmem>>
    %dma_start3A_356 = arith.constant 0 : i32
    %dma_start3A_357 = tpu.memref_slice %arg4[%add3A_350, %dma_start3A_356] : memref<32768x768xf32, #tpu.memory_space<hbm>> -> memref<64x768xf32, #tpu.memory_space<hbm>>
    %dma_start3A_358 = arith.constant 0 : i32
    %dma_start3A_359 = tpu.memref_slice %arg4[%add3A_350, %dma_start3A_358] : memref<32768x768xf32, #tpu.memory_space<hbm>> -> memref<64x768xf32, #tpu.memory_space<hbm>>
    %dma_start3A_360 = arith.constant 0 : i32
    %dma_start3A_361 = arith.constant 0 : i32
    %dma_start3A_362 = tpu.memref_slice %arg6[%dma_start3A_351, %dma_start3A_360, %dma_start3A_361] : memref<2x64x768xf32, #tpu.memory_space<vmem>> -> memref<1x64x768xf32, #tpu.memory_space<vmem>>
    %dma_start3A_363 = tpu.memref_squeeze %dma_start3A_362 : memref<1x64x768xf32, #tpu.memory_space<vmem>> -> memref<64x768xf32, #tpu.memory_space<vmem>>
    tpu.enqueue_dma source(%dma_start3A_363 : memref<64x768xf32, #tpu.memory_space<vmem>>) target(%dma_start3A_359 : memref<64x768xf32, #tpu.memory_space<hbm>>) target_semaphore(%arg9 : memref<!tpu.dma_semaphore, #tpu.memory_space<semaphore_mem>>)
    %dma_wait3A_364 = arith.constant 0 : i32
    %dma_wait3A_365 = arith.constant 0 : i32
    %dma_wait3A_366 = arith.constant 0 : i32
    %dma_wait3A_367 = tpu.memref_slice %arg6[%dma_wait3A_364, %dma_wait3A_365, %dma_wait3A_366] : memref<2x64x768xf32, #tpu.memory_space<vmem>> -> memref<1x64x768xf32, #tpu.memory_space<vmem>>
    %dma_wait3A_368 = tpu.memref_squeeze %dma_wait3A_367 : memref<1x64x768xf32, #tpu.memory_space<vmem>> -> memref<64x768xf32, #tpu.memory_space<vmem>>
    %dma_wait3A_369 = arith.constant 0 : i32
    %dma_wait3A_370 = tpu.memref_slice %arg4[%add3A_350, %dma_wait3A_369] : memref<32768x768xf32, #tpu.memory_space<hbm>> -> memref<64x768xf32, #tpu.memory_space<hbm>>
    %dma_wait3A_371 = arith.constant 0 : i32
    %dma_wait3A_372 = tpu.memref_slice %arg4[%add3A_350, %dma_wait3A_371] : memref<32768x768xf32, #tpu.memory_space<hbm>> -> memref<64x768xf32, #tpu.memory_space<hbm>>
    %dma_wait3A_373 = arith.constant 0 : i32
    %dma_wait3A_374 = arith.constant 0 : i32
    %dma_wait3A_375 = tpu.memref_slice %arg6[%dma_wait3A_364, %dma_wait3A_373, %dma_wait3A_374] : memref<2x64x768xf32, #tpu.memory_space<vmem>> -> memref<1x64x768xf32, #tpu.memory_space<vmem>>
    %dma_wait3A_376 = tpu.memref_squeeze %dma_wait3A_375 : memref<1x64x768xf32, #tpu.memory_space<vmem>> -> memref<64x768xf32, #tpu.memory_space<vmem>>
    tpu.wait_dma2 semaphore(%arg9 : memref<!tpu.dma_semaphore, #tpu.memory_space<semaphore_mem>>) src(%dma_wait3A_376 : memref<64x768xf32, #tpu.memory_space<vmem>>) dst(%dma_wait3A_372 : memref<64x768xf32, #tpu.memory_space<hbm>>)
    %dma_start3A_377 = arith.constant 8 : i32
    %dma_start3A_378 = arith.constant 0 : i32
    %dma_start3A_379 = arith.constant 0 : i32
    %dma_start3A_380 = arith.constant 0 : i32
    %dma_start3A_381 = tpu.memref_slice %arg6[%dma_start3A_378, %dma_start3A_379, %dma_start3A_380] : memref<2x64x768xf32, #tpu.memory_space<vmem>> -> memref<1x64x768xf32, #tpu.memory_space<vmem>>
    %dma_start3A_382 = tpu.memref_squeeze %dma_start3A_381 : memref<1x64x768xf32, #tpu.memory_space<vmem>> -> memref<64x768xf32, #tpu.memory_space<vmem>>
    %dma_start3A_383 = arith.constant 0 : i32
    %dma_start3A_384 = tpu.memref_slice %arg5[%dma_start3A_377, %dma_start3A_383] : memref<16x64xi32, #tpu.memory_space<vmem>> -> memref<1x64xi32, #tpu.memory_space<vmem>>
    %dma_start3A_385 = tpu.memref_squeeze %dma_start3A_384 : memref<1x64xi32, #tpu.memory_space<vmem>> -> memref<64xi32, #tpu.memory_space<vmem>>
    %dma_start3A_386 = arith.constant 0 : i32
    %dma_start3A_387 = arith.constant 0 : i32
    %dma_start3A_388 = tpu.memref_slice %arg3[%dma_start3A_386, %dma_start3A_387] : memref<100000x768xf32, #tpu.memory_space<hbm>> -> memref<100000x768xf32, #tpu.memory_space<hbm>>
    tpu.enqueue_indirect_dma source(%dma_start3A_388 : memref<100000x768xf32, #tpu.memory_space<hbm>>) target(%dma_start3A_382 : memref<64x768xf32, #tpu.memory_space<vmem>>) offsets(%dma_start3A_385 : memref<64xi32, #tpu.memory_space<vmem>>) semaphore(%arg7 : memref<!tpu.dma_semaphore, #tpu.memory_space<semaphore_mem>>)
    %dma_wait3A_389 = arith.constant 7 : i32
    %dma_wait3A_390 = arith.constant 1 : i32
    %dma_wait3A_391 = arith.constant 0 : i32
    %dma_wait3A_392 = arith.constant 0 : i32
    %dma_wait3A_393 = tpu.memref_slice %arg6[%dma_wait3A_390, %dma_wait3A_391, %dma_wait3A_392] : memref<2x64x768xf32, #tpu.memory_space<vmem>> -> memref<1x64x768xf32, #tpu.memory_space<vmem>>
    %dma_wait3A_394 = tpu.memref_squeeze %dma_wait3A_393 : memref<1x64x768xf32, #tpu.memory_space<vmem>> -> memref<64x768xf32, #tpu.memory_space<vmem>>
    %dma_wait3A_395 = arith.constant 0 : i32
    %dma_wait3A_396 = tpu.memref_slice %arg5[%dma_wait3A_389, %dma_wait3A_395] : memref<16x64xi32, #tpu.memory_space<vmem>> -> memref<1x64xi32, #tpu.memory_space<vmem>>
    %dma_wait3A_397 = tpu.memref_squeeze %dma_wait3A_396 : memref<1x64xi32, #tpu.memory_space<vmem>> -> memref<64xi32, #tpu.memory_space<vmem>>
    %dma_wait3A_398 = arith.constant 0 : i32
    %dma_wait3A_399 = arith.constant 0 : i32
    %dma_wait3A_400 = tpu.memref_slice %arg3[%dma_wait3A_398, %dma_wait3A_399] : memref<100000x768xf32, #tpu.memory_space<hbm>> -> memref<100000x768xf32, #tpu.memory_space<hbm>>
    tpu.wait_indirect_dma semaphore(%arg8 : memref<!tpu.dma_semaphore, #tpu.memory_space<semaphore_mem>>) src(%dma_wait3A_400 : memref<100000x768xf32, #tpu.memory_space<hbm>>) dst(%dma_wait3A_394 : memref<64x768xf32, #tpu.memory_space<vmem>>)
    %add3A_401 = arith.constant 448 : i32
    %add3A_402 = arith.addi %mul3A_2, %add3A_401 : i32
    %dma_start3A_403 = arith.constant 1 : i32
    %dma_start3A_404 = arith.constant 0 : i32
    %dma_start3A_405 = arith.constant 0 : i32
    %dma_start3A_406 = tpu.memref_slice %arg6[%dma_start3A_403, %dma_start3A_404, %dma_start3A_405] : memref<2x64x768xf32, #tpu.memory_space<vmem>> -> memref<1x64x768xf32, #tpu.memory_space<vmem>>
    %dma_start3A_407 = tpu.memref_squeeze %dma_start3A_406 : memref<1x64x768xf32, #tpu.memory_space<vmem>> -> memref<64x768xf32, #tpu.memory_space<vmem>>
    %dma_start3A_408 = arith.constant 0 : i32
    %dma_start3A_409 = tpu.memref_slice %arg4[%add3A_402, %dma_start3A_408] : memref<32768x768xf32, #tpu.memory_space<hbm>> -> memref<64x768xf32, #tpu.memory_space<hbm>>
    %dma_start3A_410 = arith.constant 0 : i32
    %dma_start3A_411 = tpu.memref_slice %arg4[%add3A_402, %dma_start3A_410] : memref<32768x768xf32, #tpu.memory_space<hbm>> -> memref<64x768xf32, #tpu.memory_space<hbm>>
    %dma_start3A_412 = arith.constant 0 : i32
    %dma_start3A_413 = arith.constant 0 : i32
    %dma_start3A_414 = tpu.memref_slice %arg6[%dma_start3A_403, %dma_start3A_412, %dma_start3A_413] : memref<2x64x768xf32, #tpu.memory_space<vmem>> -> memref<1x64x768xf32, #tpu.memory_space<vmem>>
    %dma_start3A_415 = tpu.memref_squeeze %dma_start3A_414 : memref<1x64x768xf32, #tpu.memory_space<vmem>> -> memref<64x768xf32, #tpu.memory_space<vmem>>
    tpu.enqueue_dma source(%dma_start3A_415 : memref<64x768xf32, #tpu.memory_space<vmem>>) target(%dma_start3A_411 : memref<64x768xf32, #tpu.memory_space<hbm>>) target_semaphore(%arg10 : memref<!tpu.dma_semaphore, #tpu.memory_space<semaphore_mem>>)
    %dma_wait3A_416 = arith.constant 1 : i32
    %dma_wait3A_417 = arith.constant 0 : i32
    %dma_wait3A_418 = arith.constant 0 : i32
    %dma_wait3A_419 = tpu.memref_slice %arg6[%dma_wait3A_416, %dma_wait3A_417, %dma_wait3A_418] : memref<2x64x768xf32, #tpu.memory_space<vmem>> -> memref<1x64x768xf32, #tpu.memory_space<vmem>>
    %dma_wait3A_420 = tpu.memref_squeeze %dma_wait3A_419 : memref<1x64x768xf32, #tpu.memory_space<vmem>> -> memref<64x768xf32, #tpu.memory_space<vmem>>
    %dma_wait3A_421 = arith.constant 0 : i32
    %dma_wait3A_422 = tpu.memref_slice %arg4[%add3A_402, %dma_wait3A_421] : memref<32768x768xf32, #tpu.memory_space<hbm>> -> memref<64x768xf32, #tpu.memory_space<hbm>>
    %dma_wait3A_423 = arith.constant 0 : i32
    %dma_wait3A_424 = tpu.memref_slice %arg4[%add3A_402, %dma_wait3A_423] : memref<32768x768xf32, #tpu.memory_space<hbm>> -> memref<64x768xf32, #tpu.memory_space<hbm>>
    %dma_wait3A_425 = arith.constant 0 : i32
    %dma_wait3A_426 = arith.constant 0 : i32
    %dma_wait3A_427 = tpu.memref_slice %arg6[%dma_wait3A_416, %dma_wait3A_425, %dma_wait3A_426] : memref<2x64x768xf32, #tpu.memory_space<vmem>> -> memref<1x64x768xf32, #tpu.memory_space<vmem>>
    %dma_wait3A_428 = tpu.memref_squeeze %dma_wait3A_427 : memref<1x64x768xf32, #tpu.memory_space<vmem>> -> memref<64x768xf32, #tpu.memory_space<vmem>>
    tpu.wait_dma2 semaphore(%arg10 : memref<!tpu.dma_semaphore, #tpu.memory_space<semaphore_mem>>) src(%dma_wait3A_428 : memref<64x768xf32, #tpu.memory_space<vmem>>) dst(%dma_wait3A_424 : memref<64x768xf32, #tpu.memory_space<hbm>>)
    %dma_start3A_429 = arith.constant 9 : i32
    %dma_start3A_430 = arith.constant 1 : i32
    %dma_start3A_431 = arith.constant 0 : i32
    %dma_start3A_432 = arith.constant 0 : i32
    %dma_start3A_433 = tpu.memref_slice %arg6[%dma_start3A_430, %dma_start3A_431, %dma_start3A_432] : memref<2x64x768xf32, #tpu.memory_space<vmem>> -> memref<1x64x768xf32, #tpu.memory_space<vmem>>
    %dma_start3A_434 = tpu.memref_squeeze %dma_start3A_433 : memref<1x64x768xf32, #tpu.memory_space<vmem>> -> memref<64x768xf32, #tpu.memory_space<vmem>>
    %dma_start3A_435 = arith.constant 0 : i32
    %dma_start3A_436 = tpu.memref_slice %arg5[%dma_start3A_429, %dma_start3A_435] : memref<16x64xi32, #tpu.memory_space<vmem>> -> memref<1x64xi32, #tpu.memory_space<vmem>>
    %dma_start3A_437 = tpu.memref_squeeze %dma_start3A_436 : memref<1x64xi32, #tpu.memory_space<vmem>> -> memref<64xi32, #tpu.memory_space<vmem>>
    %dma_start3A_438 = arith.constant 0 : i32
    %dma_start3A_439 = arith.constant 0 : i32
    %dma_start3A_440 = tpu.memref_slice %arg3[%dma_start3A_438, %dma_start3A_439] : memref<100000x768xf32, #tpu.memory_space<hbm>> -> memref<100000x768xf32, #tpu.memory_space<hbm>>
    tpu.enqueue_indirect_dma source(%dma_start3A_440 : memref<100000x768xf32, #tpu.memory_space<hbm>>) target(%dma_start3A_434 : memref<64x768xf32, #tpu.memory_space<vmem>>) offsets(%dma_start3A_437 : memref<64xi32, #tpu.memory_space<vmem>>) semaphore(%arg8 : memref<!tpu.dma_semaphore, #tpu.memory_space<semaphore_mem>>)
    %dma_wait3A_441 = arith.constant 8 : i32
    %dma_wait3A_442 = arith.constant 0 : i32
    %dma_wait3A_443 = arith.constant 0 : i32
    %dma_wait3A_444 = arith.constant 0 : i32
    %dma_wait3A_445 = tpu.memref_slice %arg6[%dma_wait3A_442, %dma_wait3A_443, %dma_wait3A_444] : memref<2x64x768xf32, #tpu.memory_space<vmem>> -> memref<1x64x768xf32, #tpu.memory_space<vmem>>
    %dma_wait3A_446 = tpu.memref_squeeze %dma_wait3A_445 : memref<1x64x768xf32, #tpu.memory_space<vmem>> -> memref<64x768xf32, #tpu.memory_space<vmem>>
    %dma_wait3A_447 = arith.constant 0 : i32
    %dma_wait3A_448 = tpu.memref_slice %arg5[%dma_wait3A_441, %dma_wait3A_447] : memref<16x64xi32, #tpu.memory_space<vmem>> -> memref<1x64xi32, #tpu.memory_space<vmem>>
    %dma_wait3A_449 = tpu.memref_squeeze %dma_wait3A_448 : memref<1x64xi32, #tpu.memory_space<vmem>> -> memref<64xi32, #tpu.memory_space<vmem>>
    %dma_wait3A_450 = arith.constant 0 : i32
    %dma_wait3A_451 = arith.constant 0 : i32
    %dma_wait3A_452 = tpu.memref_slice %arg3[%dma_wait3A_450, %dma_wait3A_451] : memref<100000x768xf32, #tpu.memory_space<hbm>> -> memref<100000x768xf32, #tpu.memory_space<hbm>>
    tpu.wait_indirect_dma semaphore(%arg7 : memref<!tpu.dma_semaphore, #tpu.memory_space<semaphore_mem>>) src(%dma_wait3A_452 : memref<100000x768xf32, #tpu.memory_space<hbm>>) dst(%dma_wait3A_446 : memref<64x768xf32, #tpu.memory_space<vmem>>)
    %add3A_453 = arith.constant 512 : i32
    %add3A_454 = arith.addi %mul3A_2, %add3A_453 : i32
    %dma_start3A_455 = arith.constant 0 : i32
    %dma_start3A_456 = arith.constant 0 : i32
    %dma_start3A_457 = arith.constant 0 : i32
    %dma_start3A_458 = tpu.memref_slice %arg6[%dma_start3A_455, %dma_start3A_456, %dma_start3A_457] : memref<2x64x768xf32, #tpu.memory_space<vmem>> -> memref<1x64x768xf32, #tpu.memory_space<vmem>>
    %dma_start3A_459 = tpu.memref_squeeze %dma_start3A_458 : memref<1x64x768xf32, #tpu.memory_space<vmem>> -> memref<64x768xf32, #tpu.memory_space<vmem>>
    %dma_start3A_460 = arith.constant 0 : i32
    %dma_start3A_461 = tpu.memref_slice %arg4[%add3A_454, %dma_start3A_460] : memref<32768x768xf32, #tpu.memory_space<hbm>> -> memref<64x768xf32, #tpu.memory_space<hbm>>
    %dma_start3A_462 = arith.constant 0 : i32
    %dma_start3A_463 = tpu.memref_slice %arg4[%add3A_454, %dma_start3A_462] : memref<32768x768xf32, #tpu.memory_space<hbm>> -> memref<64x768xf32, #tpu.memory_space<hbm>>
    %dma_start3A_464 = arith.constant 0 : i32
    %dma_start3A_465 = arith.constant 0 : i32
    %dma_start3A_466 = tpu.memref_slice %arg6[%dma_start3A_455, %dma_start3A_464, %dma_start3A_465] : memref<2x64x768xf32, #tpu.memory_space<vmem>> -> memref<1x64x768xf32, #tpu.memory_space<vmem>>
    %dma_start3A_467 = tpu.memref_squeeze %dma_start3A_466 : memref<1x64x768xf32, #tpu.memory_space<vmem>> -> memref<64x768xf32, #tpu.memory_space<vmem>>
    tpu.enqueue_dma source(%dma_start3A_467 : memref<64x768xf32, #tpu.memory_space<vmem>>) target(%dma_start3A_463 : memref<64x768xf32, #tpu.memory_space<hbm>>) target_semaphore(%arg9 : memref<!tpu.dma_semaphore, #tpu.memory_space<semaphore_mem>>)
    %dma_wait3A_468 = arith.constant 0 : i32
    %dma_wait3A_469 = arith.constant 0 : i32
    %dma_wait3A_470 = arith.constant 0 : i32
    %dma_wait3A_471 = tpu.memref_slice %arg6[%dma_wait3A_468, %dma_wait3A_469, %dma_wait3A_470] : memref<2x64x768xf32, #tpu.memory_space<vmem>> -> memref<1x64x768xf32, #tpu.memory_space<vmem>>
    %dma_wait3A_472 = tpu.memref_squeeze %dma_wait3A_471 : memref<1x64x768xf32, #tpu.memory_space<vmem>> -> memref<64x768xf32, #tpu.memory_space<vmem>>
    %dma_wait3A_473 = arith.constant 0 : i32
    %dma_wait3A_474 = tpu.memref_slice %arg4[%add3A_454, %dma_wait3A_473] : memref<32768x768xf32, #tpu.memory_space<hbm>> -> memref<64x768xf32, #tpu.memory_space<hbm>>
    %dma_wait3A_475 = arith.constant 0 : i32
    %dma_wait3A_476 = tpu.memref_slice %arg4[%add3A_454, %dma_wait3A_475] : memref<32768x768xf32, #tpu.memory_space<hbm>> -> memref<64x768xf32, #tpu.memory_space<hbm>>
    %dma_wait3A_477 = arith.constant 0 : i32
    %dma_wait3A_478 = arith.constant 0 : i32
    %dma_wait3A_479 = tpu.memref_slice %arg6[%dma_wait3A_468, %dma_wait3A_477, %dma_wait3A_478] : memref<2x64x768xf32, #tpu.memory_space<vmem>> -> memref<1x64x768xf32, #tpu.memory_space<vmem>>
    %dma_wait3A_480 = tpu.memref_squeeze %dma_wait3A_479 : memref<1x64x768xf32, #tpu.memory_space<vmem>> -> memref<64x768xf32, #tpu.memory_space<vmem>>
    tpu.wait_dma2 semaphore(%arg9 : memref<!tpu.dma_semaphore, #tpu.memory_space<semaphore_mem>>) src(%dma_wait3A_480 : memref<64x768xf32, #tpu.memory_space<vmem>>) dst(%dma_wait3A_476 : memref<64x768xf32, #tpu.memory_space<hbm>>)
    %dma_start3A_481 = arith.constant 10 : i32
    %dma_start3A_482 = arith.constant 0 : i32
    %dma_start3A_483 = arith.constant 0 : i32
    %dma_start3A_484 = arith.constant 0 : i32
    %dma_start3A_485 = tpu.memref_slice %arg6[%dma_start3A_482, %dma_start3A_483, %dma_start3A_484] : memref<2x64x768xf32, #tpu.memory_space<vmem>> -> memref<1x64x768xf32, #tpu.memory_space<vmem>>
    %dma_start3A_486 = tpu.memref_squeeze %dma_start3A_485 : memref<1x64x768xf32, #tpu.memory_space<vmem>> -> memref<64x768xf32, #tpu.memory_space<vmem>>
    %dma_start3A_487 = arith.constant 0 : i32
    %dma_start3A_488 = tpu.memref_slice %arg5[%dma_start3A_481, %dma_start3A_487] : memref<16x64xi32, #tpu.memory_space<vmem>> -> memref<1x64xi32, #tpu.memory_space<vmem>>
    %dma_start3A_489 = tpu.memref_squeeze %dma_start3A_488 : memref<1x64xi32, #tpu.memory_space<vmem>> -> memref<64xi32, #tpu.memory_space<vmem>>
    %dma_start3A_490 = arith.constant 0 : i32
    %dma_start3A_491 = arith.constant 0 : i32
    %dma_start3A_492 = tpu.memref_slice %arg3[%dma_start3A_490, %dma_start3A_491] : memref<100000x768xf32, #tpu.memory_space<hbm>> -> memref<100000x768xf32, #tpu.memory_space<hbm>>
    tpu.enqueue_indirect_dma source(%dma_start3A_492 : memref<100000x768xf32, #tpu.memory_space<hbm>>) target(%dma_start3A_486 : memref<64x768xf32, #tpu.memory_space<vmem>>) offsets(%dma_start3A_489 : memref<64xi32, #tpu.memory_space<vmem>>) semaphore(%arg7 : memref<!tpu.dma_semaphore, #tpu.memory_space<semaphore_mem>>)
    %dma_wait3A_493 = arith.constant 9 : i32
    %dma_wait3A_494 = arith.constant 1 : i32
    %dma_wait3A_495 = arith.constant 0 : i32
    %dma_wait3A_496 = arith.constant 0 : i32
    %dma_wait3A_497 = tpu.memref_slice %arg6[%dma_wait3A_494, %dma_wait3A_495, %dma_wait3A_496] : memref<2x64x768xf32, #tpu.memory_space<vmem>> -> memref<1x64x768xf32, #tpu.memory_space<vmem>>
    %dma_wait3A_498 = tpu.memref_squeeze %dma_wait3A_497 : memref<1x64x768xf32, #tpu.memory_space<vmem>> -> memref<64x768xf32, #tpu.memory_space<vmem>>
    %dma_wait3A_499 = arith.constant 0 : i32
    %dma_wait3A_500 = tpu.memref_slice %arg5[%dma_wait3A_493, %dma_wait3A_499] : memref<16x64xi32, #tpu.memory_space<vmem>> -> memref<1x64xi32, #tpu.memory_space<vmem>>
    %dma_wait3A_501 = tpu.memref_squeeze %dma_wait3A_500 : memref<1x64xi32, #tpu.memory_space<vmem>> -> memref<64xi32, #tpu.memory_space<vmem>>
    %dma_wait3A_502 = arith.constant 0 : i32
    %dma_wait3A_503 = arith.constant 0 : i32
    %dma_wait3A_504 = tpu.memref_slice %arg3[%dma_wait3A_502, %dma_wait3A_503] : memref<100000x768xf32, #tpu.memory_space<hbm>> -> memref<100000x768xf32, #tpu.memory_space<hbm>>
    tpu.wait_indirect_dma semaphore(%arg8 : memref<!tpu.dma_semaphore, #tpu.memory_space<semaphore_mem>>) src(%dma_wait3A_504 : memref<100000x768xf32, #tpu.memory_space<hbm>>) dst(%dma_wait3A_498 : memref<64x768xf32, #tpu.memory_space<vmem>>)
    %add3A_505 = arith.constant 576 : i32
    %add3A_506 = arith.addi %mul3A_2, %add3A_505 : i32
    %dma_start3A_507 = arith.constant 1 : i32
    %dma_start3A_508 = arith.constant 0 : i32
    %dma_start3A_509 = arith.constant 0 : i32
    %dma_start3A_510 = tpu.memref_slice %arg6[%dma_start3A_507, %dma_start3A_508, %dma_start3A_509] : memref<2x64x768xf32, #tpu.memory_space<vmem>> -> memref<1x64x768xf32, #tpu.memory_space<vmem>>
    %dma_start3A_511 = tpu.memref_squeeze %dma_start3A_510 : memref<1x64x768xf32, #tpu.memory_space<vmem>> -> memref<64x768xf32, #tpu.memory_space<vmem>>
    %dma_start3A_512 = arith.constant 0 : i32
    %dma_start3A_513 = tpu.memref_slice %arg4[%add3A_506, %dma_start3A_512] : memref<32768x768xf32, #tpu.memory_space<hbm>> -> memref<64x768xf32, #tpu.memory_space<hbm>>
    %dma_start3A_514 = arith.constant 0 : i32
    %dma_start3A_515 = tpu.memref_slice %arg4[%add3A_506, %dma_start3A_514] : memref<32768x768xf32, #tpu.memory_space<hbm>> -> memref<64x768xf32, #tpu.memory_space<hbm>>
    %dma_start3A_516 = arith.constant 0 : i32
    %dma_start3A_517 = arith.constant 0 : i32
    %dma_start3A_518 = tpu.memref_slice %arg6[%dma_start3A_507, %dma_start3A_516, %dma_start3A_517] : memref<2x64x768xf32, #tpu.memory_space<vmem>> -> memref<1x64x768xf32, #tpu.memory_space<vmem>>
    %dma_start3A_519 = tpu.memref_squeeze %dma_start3A_518 : memref<1x64x768xf32, #tpu.memory_space<vmem>> -> memref<64x768xf32, #tpu.memory_space<vmem>>
    tpu.enqueue_dma source(%dma_start3A_519 : memref<64x768xf32, #tpu.memory_space<vmem>>) target(%dma_start3A_515 : memref<64x768xf32, #tpu.memory_space<hbm>>) target_semaphore(%arg10 : memref<!tpu.dma_semaphore, #tpu.memory_space<semaphore_mem>>)
    %dma_wait3A_520 = arith.constant 1 : i32
    %dma_wait3A_521 = arith.constant 0 : i32
    %dma_wait3A_522 = arith.constant 0 : i32
    %dma_wait3A_523 = tpu.memref_slice %arg6[%dma_wait3A_520, %dma_wait3A_521, %dma_wait3A_522] : memref<2x64x768xf32, #tpu.memory_space<vmem>> -> memref<1x64x768xf32, #tpu.memory_space<vmem>>
    %dma_wait3A_524 = tpu.memref_squeeze %dma_wait3A_523 : memref<1x64x768xf32, #tpu.memory_space<vmem>> -> memref<64x768xf32, #tpu.memory_space<vmem>>
    %dma_wait3A_525 = arith.constant 0 : i32
    %dma_wait3A_526 = tpu.memref_slice %arg4[%add3A_506, %dma_wait3A_525] : memref<32768x768xf32, #tpu.memory_space<hbm>> -> memref<64x768xf32, #tpu.memory_space<hbm>>
    %dma_wait3A_527 = arith.constant 0 : i32
    %dma_wait3A_528 = tpu.memref_slice %arg4[%add3A_506, %dma_wait3A_527] : memref<32768x768xf32, #tpu.memory_space<hbm>> -> memref<64x768xf32, #tpu.memory_space<hbm>>
    %dma_wait3A_529 = arith.constant 0 : i32
    %dma_wait3A_530 = arith.constant 0 : i32
    %dma_wait3A_531 = tpu.memref_slice %arg6[%dma_wait3A_520, %dma_wait3A_529, %dma_wait3A_530] : memref<2x64x768xf32, #tpu.memory_space<vmem>> -> memref<1x64x768xf32, #tpu.memory_space<vmem>>
    %dma_wait3A_532 = tpu.memref_squeeze %dma_wait3A_531 : memref<1x64x768xf32, #tpu.memory_space<vmem>> -> memref<64x768xf32, #tpu.memory_space<vmem>>
    tpu.wait_dma2 semaphore(%arg10 : memref<!tpu.dma_semaphore, #tpu.memory_space<semaphore_mem>>) src(%dma_wait3A_532 : memref<64x768xf32, #tpu.memory_space<vmem>>) dst(%dma_wait3A_528 : memref<64x768xf32, #tpu.memory_space<hbm>>)
    %dma_start3A_533 = arith.constant 11 : i32
    %dma_start3A_534 = arith.constant 1 : i32
    %dma_start3A_535 = arith.constant 0 : i32
    %dma_start3A_536 = arith.constant 0 : i32
    %dma_start3A_537 = tpu.memref_slice %arg6[%dma_start3A_534, %dma_start3A_535, %dma_start3A_536] : memref<2x64x768xf32, #tpu.memory_space<vmem>> -> memref<1x64x768xf32, #tpu.memory_space<vmem>>
    %dma_start3A_538 = tpu.memref_squeeze %dma_start3A_537 : memref<1x64x768xf32, #tpu.memory_space<vmem>> -> memref<64x768xf32, #tpu.memory_space<vmem>>
    %dma_start3A_539 = arith.constant 0 : i32
    %dma_start3A_540 = tpu.memref_slice %arg5[%dma_start3A_533, %dma_start3A_539] : memref<16x64xi32, #tpu.memory_space<vmem>> -> memref<1x64xi32, #tpu.memory_space<vmem>>
    %dma_start3A_541 = tpu.memref_squeeze %dma_start3A_540 : memref<1x64xi32, #tpu.memory_space<vmem>> -> memref<64xi32, #tpu.memory_space<vmem>>
    %dma_start3A_542 = arith.constant 0 : i32
    %dma_start3A_543 = arith.constant 0 : i32
    %dma_start3A_544 = tpu.memref_slice %arg3[%dma_start3A_542, %dma_start3A_543] : memref<100000x768xf32, #tpu.memory_space<hbm>> -> memref<100000x768xf32, #tpu.memory_space<hbm>>
    tpu.enqueue_indirect_dma source(%dma_start3A_544 : memref<100000x768xf32, #tpu.memory_space<hbm>>) target(%dma_start3A_538 : memref<64x768xf32, #tpu.memory_space<vmem>>) offsets(%dma_start3A_541 : memref<64xi32, #tpu.memory_space<vmem>>) semaphore(%arg8 : memref<!tpu.dma_semaphore, #tpu.memory_space<semaphore_mem>>)
    %dma_wait3A_545 = arith.constant 10 : i32
    %dma_wait3A_546 = arith.constant 0 : i32
    %dma_wait3A_547 = arith.constant 0 : i32
    %dma_wait3A_548 = arith.constant 0 : i32
    %dma_wait3A_549 = tpu.memref_slice %arg6[%dma_wait3A_546, %dma_wait3A_547, %dma_wait3A_548] : memref<2x64x768xf32, #tpu.memory_space<vmem>> -> memref<1x64x768xf32, #tpu.memory_space<vmem>>
    %dma_wait3A_550 = tpu.memref_squeeze %dma_wait3A_549 : memref<1x64x768xf32, #tpu.memory_space<vmem>> -> memref<64x768xf32, #tpu.memory_space<vmem>>
    %dma_wait3A_551 = arith.constant 0 : i32
    %dma_wait3A_552 = tpu.memref_slice %arg5[%dma_wait3A_545, %dma_wait3A_551] : memref<16x64xi32, #tpu.memory_space<vmem>> -> memref<1x64xi32, #tpu.memory_space<vmem>>
    %dma_wait3A_553 = tpu.memref_squeeze %dma_wait3A_552 : memref<1x64xi32, #tpu.memory_space<vmem>> -> memref<64xi32, #tpu.memory_space<vmem>>
    %dma_wait3A_554 = arith.constant 0 : i32
    %dma_wait3A_555 = arith.constant 0 : i32
    %dma_wait3A_556 = tpu.memref_slice %arg3[%dma_wait3A_554, %dma_wait3A_555] : memref<100000x768xf32, #tpu.memory_space<hbm>> -> memref<100000x768xf32, #tpu.memory_space<hbm>>
    tpu.wait_indirect_dma semaphore(%arg7 : memref<!tpu.dma_semaphore, #tpu.memory_space<semaphore_mem>>) src(%dma_wait3A_556 : memref<100000x768xf32, #tpu.memory_space<hbm>>) dst(%dma_wait3A_550 : memref<64x768xf32, #tpu.memory_space<vmem>>)
    %add3A_557 = arith.constant 640 : i32
    %add3A_558 = arith.addi %mul3A_2, %add3A_557 : i32
    %dma_start3A_559 = arith.constant 0 : i32
    %dma_start3A_560 = arith.constant 0 : i32
    %dma_start3A_561 = arith.constant 0 : i32
    %dma_start3A_562 = tpu.memref_slice %arg6[%dma_start3A_559, %dma_start3A_560, %dma_start3A_561] : memref<2x64x768xf32, #tpu.memory_space<vmem>> -> memref<1x64x768xf32, #tpu.memory_space<vmem>>
    %dma_start3A_563 = tpu.memref_squeeze %dma_start3A_562 : memref<1x64x768xf32, #tpu.memory_space<vmem>> -> memref<64x768xf32, #tpu.memory_space<vmem>>
    %dma_start3A_564 = arith.constant 0 : i32
    %dma_start3A_565 = tpu.memref_slice %arg4[%add3A_558, %dma_start3A_564] : memref<32768x768xf32, #tpu.memory_space<hbm>> -> memref<64x768xf32, #tpu.memory_space<hbm>>
    %dma_start3A_566 = arith.constant 0 : i32
    %dma_start3A_567 = tpu.memref_slice %arg4[%add3A_558, %dma_start3A_566] : memref<32768x768xf32, #tpu.memory_space<hbm>> -> memref<64x768xf32, #tpu.memory_space<hbm>>
    %dma_start3A_568 = arith.constant 0 : i32
    %dma_start3A_569 = arith.constant 0 : i32
    %dma_start3A_570 = tpu.memref_slice %arg6[%dma_start3A_559, %dma_start3A_568, %dma_start3A_569] : memref<2x64x768xf32, #tpu.memory_space<vmem>> -> memref<1x64x768xf32, #tpu.memory_space<vmem>>
    %dma_start3A_571 = tpu.memref_squeeze %dma_start3A_570 : memref<1x64x768xf32, #tpu.memory_space<vmem>> -> memref<64x768xf32, #tpu.memory_space<vmem>>
    tpu.enqueue_dma source(%dma_start3A_571 : memref<64x768xf32, #tpu.memory_space<vmem>>) target(%dma_start3A_567 : memref<64x768xf32, #tpu.memory_space<hbm>>) target_semaphore(%arg9 : memref<!tpu.dma_semaphore, #tpu.memory_space<semaphore_mem>>)
    %dma_wait3A_572 = arith.constant 0 : i32
    %dma_wait3A_573 = arith.constant 0 : i32
    %dma_wait3A_574 = arith.constant 0 : i32
    %dma_wait3A_575 = tpu.memref_slice %arg6[%dma_wait3A_572, %dma_wait3A_573, %dma_wait3A_574] : memref<2x64x768xf32, #tpu.memory_space<vmem>> -> memref<1x64x768xf32, #tpu.memory_space<vmem>>
    %dma_wait3A_576 = tpu.memref_squeeze %dma_wait3A_575 : memref<1x64x768xf32, #tpu.memory_space<vmem>> -> memref<64x768xf32, #tpu.memory_space<vmem>>
    %dma_wait3A_577 = arith.constant 0 : i32
    %dma_wait3A_578 = tpu.memref_slice %arg4[%add3A_558, %dma_wait3A_577] : memref<32768x768xf32, #tpu.memory_space<hbm>> -> memref<64x768xf32, #tpu.memory_space<hbm>>
    %dma_wait3A_579 = arith.constant 0 : i32
    %dma_wait3A_580 = tpu.memref_slice %arg4[%add3A_558, %dma_wait3A_579] : memref<32768x768xf32, #tpu.memory_space<hbm>> -> memref<64x768xf32, #tpu.memory_space<hbm>>
    %dma_wait3A_581 = arith.constant 0 : i32
    %dma_wait3A_582 = arith.constant 0 : i32
    %dma_wait3A_583 = tpu.memref_slice %arg6[%dma_wait3A_572, %dma_wait3A_581, %dma_wait3A_582] : memref<2x64x768xf32, #tpu.memory_space<vmem>> -> memref<1x64x768xf32, #tpu.memory_space<vmem>>
    %dma_wait3A_584 = tpu.memref_squeeze %dma_wait3A_583 : memref<1x64x768xf32, #tpu.memory_space<vmem>> -> memref<64x768xf32, #tpu.memory_space<vmem>>
    tpu.wait_dma2 semaphore(%arg9 : memref<!tpu.dma_semaphore, #tpu.memory_space<semaphore_mem>>) src(%dma_wait3A_584 : memref<64x768xf32, #tpu.memory_space<vmem>>) dst(%dma_wait3A_580 : memref<64x768xf32, #tpu.memory_space<hbm>>)
    %dma_start3A_585 = arith.constant 12 : i32
    %dma_start3A_586 = arith.constant 0 : i32
    %dma_start3A_587 = arith.constant 0 : i32
    %dma_start3A_588 = arith.constant 0 : i32
    %dma_start3A_589 = tpu.memref_slice %arg6[%dma_start3A_586, %dma_start3A_587, %dma_start3A_588] : memref<2x64x768xf32, #tpu.memory_space<vmem>> -> memref<1x64x768xf32, #tpu.memory_space<vmem>>
    %dma_start3A_590 = tpu.memref_squeeze %dma_start3A_589 : memref<1x64x768xf32, #tpu.memory_space<vmem>> -> memref<64x768xf32, #tpu.memory_space<vmem>>
    %dma_start3A_591 = arith.constant 0 : i32
    %dma_start3A_592 = tpu.memref_slice %arg5[%dma_start3A_585, %dma_start3A_591] : memref<16x64xi32, #tpu.memory_space<vmem>> -> memref<1x64xi32, #tpu.memory_space<vmem>>
    %dma_start3A_593 = tpu.memref_squeeze %dma_start3A_592 : memref<1x64xi32, #tpu.memory_space<vmem>> -> memref<64xi32, #tpu.memory_space<vmem>>
    %dma_start3A_594 = arith.constant 0 : i32
    %dma_start3A_595 = arith.constant 0 : i32
    %dma_start3A_596 = tpu.memref_slice %arg3[%dma_start3A_594, %dma_start3A_595] : memref<100000x768xf32, #tpu.memory_space<hbm>> -> memref<100000x768xf32, #tpu.memory_space<hbm>>
    tpu.enqueue_indirect_dma source(%dma_start3A_596 : memref<100000x768xf32, #tpu.memory_space<hbm>>) target(%dma_start3A_590 : memref<64x768xf32, #tpu.memory_space<vmem>>) offsets(%dma_start3A_593 : memref<64xi32, #tpu.memory_space<vmem>>) semaphore(%arg7 : memref<!tpu.dma_semaphore, #tpu.memory_space<semaphore_mem>>)
    %dma_wait3A_597 = arith.constant 11 : i32
    %dma_wait3A_598 = arith.constant 1 : i32
    %dma_wait3A_599 = arith.constant 0 : i32
    %dma_wait3A_600 = arith.constant 0 : i32
    %dma_wait3A_601 = tpu.memref_slice %arg6[%dma_wait3A_598, %dma_wait3A_599, %dma_wait3A_600] : memref<2x64x768xf32, #tpu.memory_space<vmem>> -> memref<1x64x768xf32, #tpu.memory_space<vmem>>
    %dma_wait3A_602 = tpu.memref_squeeze %dma_wait3A_601 : memref<1x64x768xf32, #tpu.memory_space<vmem>> -> memref<64x768xf32, #tpu.memory_space<vmem>>
    %dma_wait3A_603 = arith.constant 0 : i32
    %dma_wait3A_604 = tpu.memref_slice %arg5[%dma_wait3A_597, %dma_wait3A_603] : memref<16x64xi32, #tpu.memory_space<vmem>> -> memref<1x64xi32, #tpu.memory_space<vmem>>
    %dma_wait3A_605 = tpu.memref_squeeze %dma_wait3A_604 : memref<1x64xi32, #tpu.memory_space<vmem>> -> memref<64xi32, #tpu.memory_space<vmem>>
    %dma_wait3A_606 = arith.constant 0 : i32
    %dma_wait3A_607 = arith.constant 0 : i32
    %dma_wait3A_608 = tpu.memref_slice %arg3[%dma_wait3A_606, %dma_wait3A_607] : memref<100000x768xf32, #tpu.memory_space<hbm>> -> memref<100000x768xf32, #tpu.memory_space<hbm>>
    tpu.wait_indirect_dma semaphore(%arg8 : memref<!tpu.dma_semaphore, #tpu.memory_space<semaphore_mem>>) src(%dma_wait3A_608 : memref<100000x768xf32, #tpu.memory_space<hbm>>) dst(%dma_wait3A_602 : memref<64x768xf32, #tpu.memory_space<vmem>>)
    %add3A_609 = arith.constant 704 : i32
    %add3A_610 = arith.addi %mul3A_2, %add3A_609 : i32
    %dma_start3A_611 = arith.constant 1 : i32
    %dma_start3A_612 = arith.constant 0 : i32
    %dma_start3A_613 = arith.constant 0 : i32
    %dma_start3A_614 = tpu.memref_slice %arg6[%dma_start3A_611, %dma_start3A_612, %dma_start3A_613] : memref<2x64x768xf32, #tpu.memory_space<vmem>> -> memref<1x64x768xf32, #tpu.memory_space<vmem>>
    %dma_start3A_615 = tpu.memref_squeeze %dma_start3A_614 : memref<1x64x768xf32, #tpu.memory_space<vmem>> -> memref<64x768xf32, #tpu.memory_space<vmem>>
    %dma_start3A_616 = arith.constant 0 : i32
    %dma_start3A_617 = tpu.memref_slice %arg4[%add3A_610, %dma_start3A_616] : memref<32768x768xf32, #tpu.memory_space<hbm>> -> memref<64x768xf32, #tpu.memory_space<hbm>>
    %dma_start3A_618 = arith.constant 0 : i32
    %dma_start3A_619 = tpu.memref_slice %arg4[%add3A_610, %dma_start3A_618] : memref<32768x768xf32, #tpu.memory_space<hbm>> -> memref<64x768xf32, #tpu.memory_space<hbm>>
    %dma_start3A_620 = arith.constant 0 : i32
    %dma_start3A_621 = arith.constant 0 : i32
    %dma_start3A_622 = tpu.memref_slice %arg6[%dma_start3A_611, %dma_start3A_620, %dma_start3A_621] : memref<2x64x768xf32, #tpu.memory_space<vmem>> -> memref<1x64x768xf32, #tpu.memory_space<vmem>>
    %dma_start3A_623 = tpu.memref_squeeze %dma_start3A_622 : memref<1x64x768xf32, #tpu.memory_space<vmem>> -> memref<64x768xf32, #tpu.memory_space<vmem>>
    tpu.enqueue_dma source(%dma_start3A_623 : memref<64x768xf32, #tpu.memory_space<vmem>>) target(%dma_start3A_619 : memref<64x768xf32, #tpu.memory_space<hbm>>) target_semaphore(%arg10 : memref<!tpu.dma_semaphore, #tpu.memory_space<semaphore_mem>>)
    %dma_wait3A_624 = arith.constant 1 : i32
    %dma_wait3A_625 = arith.constant 0 : i32
    %dma_wait3A_626 = arith.constant 0 : i32
    %dma_wait3A_627 = tpu.memref_slice %arg6[%dma_wait3A_624, %dma_wait3A_625, %dma_wait3A_626] : memref<2x64x768xf32, #tpu.memory_space<vmem>> -> memref<1x64x768xf32, #tpu.memory_space<vmem>>
    %dma_wait3A_628 = tpu.memref_squeeze %dma_wait3A_627 : memref<1x64x768xf32, #tpu.memory_space<vmem>> -> memref<64x768xf32, #tpu.memory_space<vmem>>
    %dma_wait3A_629 = arith.constant 0 : i32
    %dma_wait3A_630 = tpu.memref_slice %arg4[%add3A_610, %dma_wait3A_629] : memref<32768x768xf32, #tpu.memory_space<hbm>> -> memref<64x768xf32, #tpu.memory_space<hbm>>
    %dma_wait3A_631 = arith.constant 0 : i32
    %dma_wait3A_632 = tpu.memref_slice %arg4[%add3A_610, %dma_wait3A_631] : memref<32768x768xf32, #tpu.memory_space<hbm>> -> memref<64x768xf32, #tpu.memory_space<hbm>>
    %dma_wait3A_633 = arith.constant 0 : i32
    %dma_wait3A_634 = arith.constant 0 : i32
    %dma_wait3A_635 = tpu.memref_slice %arg6[%dma_wait3A_624, %dma_wait3A_633, %dma_wait3A_634] : memref<2x64x768xf32, #tpu.memory_space<vmem>> -> memref<1x64x768xf32, #tpu.memory_space<vmem>>
    %dma_wait3A_636 = tpu.memref_squeeze %dma_wait3A_635 : memref<1x64x768xf32, #tpu.memory_space<vmem>> -> memref<64x768xf32, #tpu.memory_space<vmem>>
    tpu.wait_dma2 semaphore(%arg10 : memref<!tpu.dma_semaphore, #tpu.memory_space<semaphore_mem>>) src(%dma_wait3A_636 : memref<64x768xf32, #tpu.memory_space<vmem>>) dst(%dma_wait3A_632 : memref<64x768xf32, #tpu.memory_space<hbm>>)
    %dma_start3A_637 = arith.constant 13 : i32
    %dma_start3A_638 = arith.constant 1 : i32
    %dma_start3A_639 = arith.constant 0 : i32
    %dma_start3A_640 = arith.constant 0 : i32
    %dma_start3A_641 = tpu.memref_slice %arg6[%dma_start3A_638, %dma_start3A_639, %dma_start3A_640] : memref<2x64x768xf32, #tpu.memory_space<vmem>> -> memref<1x64x768xf32, #tpu.memory_space<vmem>>
    %dma_start3A_642 = tpu.memref_squeeze %dma_start3A_641 : memref<1x64x768xf32, #tpu.memory_space<vmem>> -> memref<64x768xf32, #tpu.memory_space<vmem>>
    %dma_start3A_643 = arith.constant 0 : i32
    %dma_start3A_644 = tpu.memref_slice %arg5[%dma_start3A_637, %dma_start3A_643] : memref<16x64xi32, #tpu.memory_space<vmem>> -> memref<1x64xi32, #tpu.memory_space<vmem>>
    %dma_start3A_645 = tpu.memref_squeeze %dma_start3A_644 : memref<1x64xi32, #tpu.memory_space<vmem>> -> memref<64xi32, #tpu.memory_space<vmem>>
    %dma_start3A_646 = arith.constant 0 : i32
    %dma_start3A_647 = arith.constant 0 : i32
    %dma_start3A_648 = tpu.memref_slice %arg3[%dma_start3A_646, %dma_start3A_647] : memref<100000x768xf32, #tpu.memory_space<hbm>> -> memref<100000x768xf32, #tpu.memory_space<hbm>>
    tpu.enqueue_indirect_dma source(%dma_start3A_648 : memref<100000x768xf32, #tpu.memory_space<hbm>>) target(%dma_start3A_642 : memref<64x768xf32, #tpu.memory_space<vmem>>) offsets(%dma_start3A_645 : memref<64xi32, #tpu.memory_space<vmem>>) semaphore(%arg8 : memref<!tpu.dma_semaphore, #tpu.memory_space<semaphore_mem>>)
    %dma_wait3A_649 = arith.constant 12 : i32
    %dma_wait3A_650 = arith.constant 0 : i32
    %dma_wait3A_651 = arith.constant 0 : i32
    %dma_wait3A_652 = arith.constant 0 : i32
    %dma_wait3A_653 = tpu.memref_slice %arg6[%dma_wait3A_650, %dma_wait3A_651, %dma_wait3A_652] : memref<2x64x768xf32, #tpu.memory_space<vmem>> -> memref<1x64x768xf32, #tpu.memory_space<vmem>>
    %dma_wait3A_654 = tpu.memref_squeeze %dma_wait3A_653 : memref<1x64x768xf32, #tpu.memory_space<vmem>> -> memref<64x768xf32, #tpu.memory_space<vmem>>
    %dma_wait3A_655 = arith.constant 0 : i32
    %dma_wait3A_656 = tpu.memref_slice %arg5[%dma_wait3A_649, %dma_wait3A_655] : memref<16x64xi32, #tpu.memory_space<vmem>> -> memref<1x64xi32, #tpu.memory_space<vmem>>
    %dma_wait3A_657 = tpu.memref_squeeze %dma_wait3A_656 : memref<1x64xi32, #tpu.memory_space<vmem>> -> memref<64xi32, #tpu.memory_space<vmem>>
    %dma_wait3A_658 = arith.constant 0 : i32
    %dma_wait3A_659 = arith.constant 0 : i32
    %dma_wait3A_660 = tpu.memref_slice %arg3[%dma_wait3A_658, %dma_wait3A_659] : memref<100000x768xf32, #tpu.memory_space<hbm>> -> memref<100000x768xf32, #tpu.memory_space<hbm>>
    tpu.wait_indirect_dma semaphore(%arg7 : memref<!tpu.dma_semaphore, #tpu.memory_space<semaphore_mem>>) src(%dma_wait3A_660 : memref<100000x768xf32, #tpu.memory_space<hbm>>) dst(%dma_wait3A_654 : memref<64x768xf32, #tpu.memory_space<vmem>>)
    %add3A_661 = arith.constant 768 : i32
    %add3A_662 = arith.addi %mul3A_2, %add3A_661 : i32
    %dma_start3A_663 = arith.constant 0 : i32
    %dma_start3A_664 = arith.constant 0 : i32
    %dma_start3A_665 = arith.constant 0 : i32
    %dma_start3A_666 = tpu.memref_slice %arg6[%dma_start3A_663, %dma_start3A_664, %dma_start3A_665] : memref<2x64x768xf32, #tpu.memory_space<vmem>> -> memref<1x64x768xf32, #tpu.memory_space<vmem>>
    %dma_start3A_667 = tpu.memref_squeeze %dma_start3A_666 : memref<1x64x768xf32, #tpu.memory_space<vmem>> -> memref<64x768xf32, #tpu.memory_space<vmem>>
    %dma_start3A_668 = arith.constant 0 : i32
    %dma_start3A_669 = tpu.memref_slice %arg4[%add3A_662, %dma_start3A_668] : memref<32768x768xf32, #tpu.memory_space<hbm>> -> memref<64x768xf32, #tpu.memory_space<hbm>>
    %dma_start3A_670 = arith.constant 0 : i32
    %dma_start3A_671 = tpu.memref_slice %arg4[%add3A_662, %dma_start3A_670] : memref<32768x768xf32, #tpu.memory_space<hbm>> -> memref<64x768xf32, #tpu.memory_space<hbm>>
    %dma_start3A_672 = arith.constant 0 : i32
    %dma_start3A_673 = arith.constant 0 : i32
    %dma_start3A_674 = tpu.memref_slice %arg6[%dma_start3A_663, %dma_start3A_672, %dma_start3A_673] : memref<2x64x768xf32, #tpu.memory_space<vmem>> -> memref<1x64x768xf32, #tpu.memory_space<vmem>>
    %dma_start3A_675 = tpu.memref_squeeze %dma_start3A_674 : memref<1x64x768xf32, #tpu.memory_space<vmem>> -> memref<64x768xf32, #tpu.memory_space<vmem>>
    tpu.enqueue_dma source(%dma_start3A_675 : memref<64x768xf32, #tpu.memory_space<vmem>>) target(%dma_start3A_671 : memref<64x768xf32, #tpu.memory_space<hbm>>) target_semaphore(%arg9 : memref<!tpu.dma_semaphore, #tpu.memory_space<semaphore_mem>>)
    %dma_wait3A_676 = arith.constant 0 : i32
    %dma_wait3A_677 = arith.constant 0 : i32
    %dma_wait3A_678 = arith.constant 0 : i32
    %dma_wait3A_679 = tpu.memref_slice %arg6[%dma_wait3A_676, %dma_wait3A_677, %dma_wait3A_678] : memref<2x64x768xf32, #tpu.memory_space<vmem>> -> memref<1x64x768xf32, #tpu.memory_space<vmem>>
    %dma_wait3A_680 = tpu.memref_squeeze %dma_wait3A_679 : memref<1x64x768xf32, #tpu.memory_space<vmem>> -> memref<64x768xf32, #tpu.memory_space<vmem>>
    %dma_wait3A_681 = arith.constant 0 : i32
    %dma_wait3A_682 = tpu.memref_slice %arg4[%add3A_662, %dma_wait3A_681] : memref<32768x768xf32, #tpu.memory_space<hbm>> -> memref<64x768xf32, #tpu.memory_space<hbm>>
    %dma_wait3A_683 = arith.constant 0 : i32
    %dma_wait3A_684 = tpu.memref_slice %arg4[%add3A_662, %dma_wait3A_683] : memref<32768x768xf32, #tpu.memory_space<hbm>> -> memref<64x768xf32, #tpu.memory_space<hbm>>
    %dma_wait3A_685 = arith.constant 0 : i32
    %dma_wait3A_686 = arith.constant 0 : i32
    %dma_wait3A_687 = tpu.memref_slice %arg6[%dma_wait3A_676, %dma_wait3A_685, %dma_wait3A_686] : memref<2x64x768xf32, #tpu.memory_space<vmem>> -> memref<1x64x768xf32, #tpu.memory_space<vmem>>
    %dma_wait3A_688 = tpu.memref_squeeze %dma_wait3A_687 : memref<1x64x768xf32, #tpu.memory_space<vmem>> -> memref<64x768xf32, #tpu.memory_space<vmem>>
    tpu.wait_dma2 semaphore(%arg9 : memref<!tpu.dma_semaphore, #tpu.memory_space<semaphore_mem>>) src(%dma_wait3A_688 : memref<64x768xf32, #tpu.memory_space<vmem>>) dst(%dma_wait3A_684 : memref<64x768xf32, #tpu.memory_space<hbm>>)
    %dma_start3A_689 = arith.constant 14 : i32
    %dma_start3A_690 = arith.constant 0 : i32
    %dma_start3A_691 = arith.constant 0 : i32
    %dma_start3A_692 = arith.constant 0 : i32
    %dma_start3A_693 = tpu.memref_slice %arg6[%dma_start3A_690, %dma_start3A_691, %dma_start3A_692] : memref<2x64x768xf32, #tpu.memory_space<vmem>> -> memref<1x64x768xf32, #tpu.memory_space<vmem>>
    %dma_start3A_694 = tpu.memref_squeeze %dma_start3A_693 : memref<1x64x768xf32, #tpu.memory_space<vmem>> -> memref<64x768xf32, #tpu.memory_space<vmem>>
    %dma_start3A_695 = arith.constant 0 : i32
    %dma_start3A_696 = tpu.memref_slice %arg5[%dma_start3A_689, %dma_start3A_695] : memref<16x64xi32, #tpu.memory_space<vmem>> -> memref<1x64xi32, #tpu.memory_space<vmem>>
    %dma_start3A_697 = tpu.memref_squeeze %dma_start3A_696 : memref<1x64xi32, #tpu.memory_space<vmem>> -> memref<64xi32, #tpu.memory_space<vmem>>
    %dma_start3A_698 = arith.constant 0 : i32
    %dma_start3A_699 = arith.constant 0 : i32
    %dma_start3A_700 = tpu.memref_slice %arg3[%dma_start3A_698, %dma_start3A_699] : memref<100000x768xf32, #tpu.memory_space<hbm>> -> memref<100000x768xf32, #tpu.memory_space<hbm>>
    tpu.enqueue_indirect_dma source(%dma_start3A_700 : memref<100000x768xf32, #tpu.memory_space<hbm>>) target(%dma_start3A_694 : memref<64x768xf32, #tpu.memory_space<vmem>>) offsets(%dma_start3A_697 : memref<64xi32, #tpu.memory_space<vmem>>) semaphore(%arg7 : memref<!tpu.dma_semaphore, #tpu.memory_space<semaphore_mem>>)
    %dma_wait3A_701 = arith.constant 13 : i32
    %dma_wait3A_702 = arith.constant 1 : i32
    %dma_wait3A_703 = arith.constant 0 : i32
    %dma_wait3A_704 = arith.constant 0 : i32
    %dma_wait3A_705 = tpu.memref_slice %arg6[%dma_wait3A_702, %dma_wait3A_703, %dma_wait3A_704] : memref<2x64x768xf32, #tpu.memory_space<vmem>> -> memref<1x64x768xf32, #tpu.memory_space<vmem>>
    %dma_wait3A_706 = tpu.memref_squeeze %dma_wait3A_705 : memref<1x64x768xf32, #tpu.memory_space<vmem>> -> memref<64x768xf32, #tpu.memory_space<vmem>>
    %dma_wait3A_707 = arith.constant 0 : i32
    %dma_wait3A_708 = tpu.memref_slice %arg5[%dma_wait3A_701, %dma_wait3A_707] : memref<16x64xi32, #tpu.memory_space<vmem>> -> memref<1x64xi32, #tpu.memory_space<vmem>>
    %dma_wait3A_709 = tpu.memref_squeeze %dma_wait3A_708 : memref<1x64xi32, #tpu.memory_space<vmem>> -> memref<64xi32, #tpu.memory_space<vmem>>
    %dma_wait3A_710 = arith.constant 0 : i32
    %dma_wait3A_711 = arith.constant 0 : i32
    %dma_wait3A_712 = tpu.memref_slice %arg3[%dma_wait3A_710, %dma_wait3A_711] : memref<100000x768xf32, #tpu.memory_space<hbm>> -> memref<100000x768xf32, #tpu.memory_space<hbm>>
    tpu.wait_indirect_dma semaphore(%arg8 : memref<!tpu.dma_semaphore, #tpu.memory_space<semaphore_mem>>) src(%dma_wait3A_712 : memref<100000x768xf32, #tpu.memory_space<hbm>>) dst(%dma_wait3A_706 : memref<64x768xf32, #tpu.memory_space<vmem>>)
    %add3A_713 = arith.constant 832 : i32
    %add3A_714 = arith.addi %mul3A_2, %add3A_713 : i32
    %dma_start3A_715 = arith.constant 1 : i32
    %dma_start3A_716 = arith.constant 0 : i32
    %dma_start3A_717 = arith.constant 0 : i32
    %dma_start3A_718 = tpu.memref_slice %arg6[%dma_start3A_715, %dma_start3A_716, %dma_start3A_717] : memref<2x64x768xf32, #tpu.memory_space<vmem>> -> memref<1x64x768xf32, #tpu.memory_space<vmem>>
    %dma_start3A_719 = tpu.memref_squeeze %dma_start3A_718 : memref<1x64x768xf32, #tpu.memory_space<vmem>> -> memref<64x768xf32, #tpu.memory_space<vmem>>
    %dma_start3A_720 = arith.constant 0 : i32
    %dma_start3A_721 = tpu.memref_slice %arg4[%add3A_714, %dma_start3A_720] : memref<32768x768xf32, #tpu.memory_space<hbm>> -> memref<64x768xf32, #tpu.memory_space<hbm>>
    %dma_start3A_722 = arith.constant 0 : i32
    %dma_start3A_723 = tpu.memref_slice %arg4[%add3A_714, %dma_start3A_722] : memref<32768x768xf32, #tpu.memory_space<hbm>> -> memref<64x768xf32, #tpu.memory_space<hbm>>
    %dma_start3A_724 = arith.constant 0 : i32
    %dma_start3A_725 = arith.constant 0 : i32
    %dma_start3A_726 = tpu.memref_slice %arg6[%dma_start3A_715, %dma_start3A_724, %dma_start3A_725] : memref<2x64x768xf32, #tpu.memory_space<vmem>> -> memref<1x64x768xf32, #tpu.memory_space<vmem>>
    %dma_start3A_727 = tpu.memref_squeeze %dma_start3A_726 : memref<1x64x768xf32, #tpu.memory_space<vmem>> -> memref<64x768xf32, #tpu.memory_space<vmem>>
    tpu.enqueue_dma source(%dma_start3A_727 : memref<64x768xf32, #tpu.memory_space<vmem>>) target(%dma_start3A_723 : memref<64x768xf32, #tpu.memory_space<hbm>>) target_semaphore(%arg10 : memref<!tpu.dma_semaphore, #tpu.memory_space<semaphore_mem>>)
    %dma_wait3A_728 = arith.constant 1 : i32
    %dma_wait3A_729 = arith.constant 0 : i32
    %dma_wait3A_730 = arith.constant 0 : i32
    %dma_wait3A_731 = tpu.memref_slice %arg6[%dma_wait3A_728, %dma_wait3A_729, %dma_wait3A_730] : memref<2x64x768xf32, #tpu.memory_space<vmem>> -> memref<1x64x768xf32, #tpu.memory_space<vmem>>
    %dma_wait3A_732 = tpu.memref_squeeze %dma_wait3A_731 : memref<1x64x768xf32, #tpu.memory_space<vmem>> -> memref<64x768xf32, #tpu.memory_space<vmem>>
    %dma_wait3A_733 = arith.constant 0 : i32
    %dma_wait3A_734 = tpu.memref_slice %arg4[%add3A_714, %dma_wait3A_733] : memref<32768x768xf32, #tpu.memory_space<hbm>> -> memref<64x768xf32, #tpu.memory_space<hbm>>
    %dma_wait3A_735 = arith.constant 0 : i32
    %dma_wait3A_736 = tpu.memref_slice %arg4[%add3A_714, %dma_wait3A_735] : memref<32768x768xf32, #tpu.memory_space<hbm>> -> memref<64x768xf32, #tpu.memory_space<hbm>>
    %dma_wait3A_737 = arith.constant 0 : i32
    %dma_wait3A_738 = arith.constant 0 : i32
    %dma_wait3A_739 = tpu.memref_slice %arg6[%dma_wait3A_728, %dma_wait3A_737, %dma_wait3A_738] : memref<2x64x768xf32, #tpu.memory_space<vmem>> -> memref<1x64x768xf32, #tpu.memory_space<vmem>>
    %dma_wait3A_740 = tpu.memref_squeeze %dma_wait3A_739 : memref<1x64x768xf32, #tpu.memory_space<vmem>> -> memref<64x768xf32, #tpu.memory_space<vmem>>
    tpu.wait_dma2 semaphore(%arg10 : memref<!tpu.dma_semaphore, #tpu.memory_space<semaphore_mem>>) src(%dma_wait3A_740 : memref<64x768xf32, #tpu.memory_space<vmem>>) dst(%dma_wait3A_736 : memref<64x768xf32, #tpu.memory_space<hbm>>)
    %dma_start3A_741 = arith.constant 15 : i32
    %dma_start3A_742 = arith.constant 1 : i32
    %dma_start3A_743 = arith.constant 0 : i32
    %dma_start3A_744 = arith.constant 0 : i32
    %dma_start3A_745 = tpu.memref_slice %arg6[%dma_start3A_742, %dma_start3A_743, %dma_start3A_744] : memref<2x64x768xf32, #tpu.memory_space<vmem>> -> memref<1x64x768xf32, #tpu.memory_space<vmem>>
    %dma_start3A_746 = tpu.memref_squeeze %dma_start3A_745 : memref<1x64x768xf32, #tpu.memory_space<vmem>> -> memref<64x768xf32, #tpu.memory_space<vmem>>
    %dma_start3A_747 = arith.constant 0 : i32
    %dma_start3A_748 = tpu.memref_slice %arg5[%dma_start3A_741, %dma_start3A_747] : memref<16x64xi32, #tpu.memory_space<vmem>> -> memref<1x64xi32, #tpu.memory_space<vmem>>
    %dma_start3A_749 = tpu.memref_squeeze %dma_start3A_748 : memref<1x64xi32, #tpu.memory_space<vmem>> -> memref<64xi32, #tpu.memory_space<vmem>>
    %dma_start3A_750 = arith.constant 0 : i32
    %dma_start3A_751 = arith.constant 0 : i32
    %dma_start3A_752 = tpu.memref_slice %arg3[%dma_start3A_750, %dma_start3A_751] : memref<100000x768xf32, #tpu.memory_space<hbm>> -> memref<100000x768xf32, #tpu.memory_space<hbm>>
    tpu.enqueue_indirect_dma source(%dma_start3A_752 : memref<100000x768xf32, #tpu.memory_space<hbm>>) target(%dma_start3A_746 : memref<64x768xf32, #tpu.memory_space<vmem>>) offsets(%dma_start3A_749 : memref<64xi32, #tpu.memory_space<vmem>>) semaphore(%arg8 : memref<!tpu.dma_semaphore, #tpu.memory_space<semaphore_mem>>)
    %dma_wait3A_753 = arith.constant 14 : i32
    %dma_wait3A_754 = arith.constant 0 : i32
    %dma_wait3A_755 = arith.constant 0 : i32
    %dma_wait3A_756 = arith.constant 0 : i32
    %dma_wait3A_757 = tpu.memref_slice %arg6[%dma_wait3A_754, %dma_wait3A_755, %dma_wait3A_756] : memref<2x64x768xf32, #tpu.memory_space<vmem>> -> memref<1x64x768xf32, #tpu.memory_space<vmem>>
    %dma_wait3A_758 = tpu.memref_squeeze %dma_wait3A_757 : memref<1x64x768xf32, #tpu.memory_space<vmem>> -> memref<64x768xf32, #tpu.memory_space<vmem>>
    %dma_wait3A_759 = arith.constant 0 : i32
    %dma_wait3A_760 = tpu.memref_slice %arg5[%dma_wait3A_753, %dma_wait3A_759] : memref<16x64xi32, #tpu.memory_space<vmem>> -> memref<1x64xi32, #tpu.memory_space<vmem>>
    %dma_wait3A_761 = tpu.memref_squeeze %dma_wait3A_760 : memref<1x64xi32, #tpu.memory_space<vmem>> -> memref<64xi32, #tpu.memory_space<vmem>>
    %dma_wait3A_762 = arith.constant 0 : i32
    %dma_wait3A_763 = arith.constant 0 : i32
    %dma_wait3A_764 = tpu.memref_slice %arg3[%dma_wait3A_762, %dma_wait3A_763] : memref<100000x768xf32, #tpu.memory_space<hbm>> -> memref<100000x768xf32, #tpu.memory_space<hbm>>
    tpu.wait_indirect_dma semaphore(%arg7 : memref<!tpu.dma_semaphore, #tpu.memory_space<semaphore_mem>>) src(%dma_wait3A_764 : memref<100000x768xf32, #tpu.memory_space<hbm>>) dst(%dma_wait3A_758 : memref<64x768xf32, #tpu.memory_space<vmem>>)
    %add3A_765 = arith.constant 896 : i32
    %add3A_766 = arith.addi %mul3A_2, %add3A_765 : i32
    %dma_start3A_767 = arith.constant 0 : i32
    %dma_start3A_768 = arith.constant 0 : i32
    %dma_start3A_769 = arith.constant 0 : i32
    %dma_start3A_770 = tpu.memref_slice %arg6[%dma_start3A_767, %dma_start3A_768, %dma_start3A_769] : memref<2x64x768xf32, #tpu.memory_space<vmem>> -> memref<1x64x768xf32, #tpu.memory_space<vmem>>
    %dma_start3A_771 = tpu.memref_squeeze %dma_start3A_770 : memref<1x64x768xf32, #tpu.memory_space<vmem>> -> memref<64x768xf32, #tpu.memory_space<vmem>>
    %dma_start3A_772 = arith.constant 0 : i32
    %dma_start3A_773 = tpu.memref_slice %arg4[%add3A_766, %dma_start3A_772] : memref<32768x768xf32, #tpu.memory_space<hbm>> -> memref<64x768xf32, #tpu.memory_space<hbm>>
    %dma_start3A_774 = arith.constant 0 : i32
    %dma_start3A_775 = tpu.memref_slice %arg4[%add3A_766, %dma_start3A_774] : memref<32768x768xf32, #tpu.memory_space<hbm>> -> memref<64x768xf32, #tpu.memory_space<hbm>>
    %dma_start3A_776 = arith.constant 0 : i32
    %dma_start3A_777 = arith.constant 0 : i32
    %dma_start3A_778 = tpu.memref_slice %arg6[%dma_start3A_767, %dma_start3A_776, %dma_start3A_777] : memref<2x64x768xf32, #tpu.memory_space<vmem>> -> memref<1x64x768xf32, #tpu.memory_space<vmem>>
    %dma_start3A_779 = tpu.memref_squeeze %dma_start3A_778 : memref<1x64x768xf32, #tpu.memory_space<vmem>> -> memref<64x768xf32, #tpu.memory_space<vmem>>
    tpu.enqueue_dma source(%dma_start3A_779 : memref<64x768xf32, #tpu.memory_space<vmem>>) target(%dma_start3A_775 : memref<64x768xf32, #tpu.memory_space<hbm>>) target_semaphore(%arg9 : memref<!tpu.dma_semaphore, #tpu.memory_space<semaphore_mem>>)
    %dma_wait3A_780 = arith.constant 15 : i32
    %dma_wait3A_781 = arith.constant 1 : i32
    %dma_wait3A_782 = arith.constant 0 : i32
    %dma_wait3A_783 = arith.constant 0 : i32
    %dma_wait3A_784 = tpu.memref_slice %arg6[%dma_wait3A_781, %dma_wait3A_782, %dma_wait3A_783] : memref<2x64x768xf32, #tpu.memory_space<vmem>> -> memref<1x64x768xf32, #tpu.memory_space<vmem>>
    %dma_wait3A_785 = tpu.memref_squeeze %dma_wait3A_784 : memref<1x64x768xf32, #tpu.memory_space<vmem>> -> memref<64x768xf32, #tpu.memory_space<vmem>>
    %dma_wait3A_786 = arith.constant 0 : i32
    %dma_wait3A_787 = tpu.memref_slice %arg5[%dma_wait3A_780, %dma_wait3A_786] : memref<16x64xi32, #tpu.memory_space<vmem>> -> memref<1x64xi32, #tpu.memory_space<vmem>>
    %dma_wait3A_788 = tpu.memref_squeeze %dma_wait3A_787 : memref<1x64xi32, #tpu.memory_space<vmem>> -> memref<64xi32, #tpu.memory_space<vmem>>
    %dma_wait3A_789 = arith.constant 0 : i32
    %dma_wait3A_790 = arith.constant 0 : i32
    %dma_wait3A_791 = tpu.memref_slice %arg3[%dma_wait3A_789, %dma_wait3A_790] : memref<100000x768xf32, #tpu.memory_space<hbm>> -> memref<100000x768xf32, #tpu.memory_space<hbm>>
    tpu.wait_indirect_dma semaphore(%arg8 : memref<!tpu.dma_semaphore, #tpu.memory_space<semaphore_mem>>) src(%dma_wait3A_791 : memref<100000x768xf32, #tpu.memory_space<hbm>>) dst(%dma_wait3A_785 : memref<64x768xf32, #tpu.memory_space<vmem>>)
    %add3A_792 = arith.constant 960 : i32
    %add3A_793 = arith.addi %mul3A_2, %add3A_792 : i32
    %dma_start3A_794 = arith.constant 1 : i32
    %dma_start3A_795 = arith.constant 0 : i32
    %dma_start3A_796 = arith.constant 0 : i32
    %dma_start3A_797 = tpu.memref_slice %arg6[%dma_start3A_794, %dma_start3A_795, %dma_start3A_796] : memref<2x64x768xf32, #tpu.memory_space<vmem>> -> memref<1x64x768xf32, #tpu.memory_space<vmem>>
    %dma_start3A_798 = tpu.memref_squeeze %dma_start3A_797 : memref<1x64x768xf32, #tpu.memory_space<vmem>> -> memref<64x768xf32, #tpu.memory_space<vmem>>
    %dma_start3A_799 = arith.constant 0 : i32
    %dma_start3A_800 = tpu.memref_slice %arg4[%add3A_793, %dma_start3A_799] : memref<32768x768xf32, #tpu.memory_space<hbm>> -> memref<64x768xf32, #tpu.memory_space<hbm>>
    %dma_start3A_801 = arith.constant 0 : i32
    %dma_start3A_802 = tpu.memref_slice %arg4[%add3A_793, %dma_start3A_801] : memref<32768x768xf32, #tpu.memory_space<hbm>> -> memref<64x768xf32, #tpu.memory_space<hbm>>
    %dma_start3A_803 = arith.constant 0 : i32
    %dma_start3A_804 = arith.constant 0 : i32
    %dma_start3A_805 = tpu.memref_slice %arg6[%dma_start3A_794, %dma_start3A_803, %dma_start3A_804] : memref<2x64x768xf32, #tpu.memory_space<vmem>> -> memref<1x64x768xf32, #tpu.memory_space<vmem>>
    %dma_start3A_806 = tpu.memref_squeeze %dma_start3A_805 : memref<1x64x768xf32, #tpu.memory_space<vmem>> -> memref<64x768xf32, #tpu.memory_space<vmem>>
    tpu.enqueue_dma source(%dma_start3A_806 : memref<64x768xf32, #tpu.memory_space<vmem>>) target(%dma_start3A_802 : memref<64x768xf32, #tpu.memory_space<hbm>>) target_semaphore(%arg10 : memref<!tpu.dma_semaphore, #tpu.memory_space<semaphore_mem>>)
    %dma_wait3A_807 = arith.constant 0 : i32
    %dma_wait3A_808 = arith.constant 0 : i32
    %dma_wait3A_809 = arith.constant 0 : i32
    %dma_wait3A_810 = tpu.memref_slice %arg6[%dma_wait3A_807, %dma_wait3A_808, %dma_wait3A_809] : memref<2x64x768xf32, #tpu.memory_space<vmem>> -> memref<1x64x768xf32, #tpu.memory_space<vmem>>
    %dma_wait3A_811 = tpu.memref_squeeze %dma_wait3A_810 : memref<1x64x768xf32, #tpu.memory_space<vmem>> -> memref<64x768xf32, #tpu.memory_space<vmem>>
    %dma_wait3A_812 = arith.constant 0 : i32
    %dma_wait3A_813 = tpu.memref_slice %arg4[%add3A_766, %dma_wait3A_812] : memref<32768x768xf32, #tpu.memory_space<hbm>> -> memref<64x768xf32, #tpu.memory_space<hbm>>
    %dma_wait3A_814 = arith.constant 0 : i32
    %dma_wait3A_815 = tpu.memref_slice %arg4[%add3A_766, %dma_wait3A_814] : memref<32768x768xf32, #tpu.memory_space<hbm>> -> memref<64x768xf32, #tpu.memory_space<hbm>>
    %dma_wait3A_816 = arith.constant 0 : i32
    %dma_wait3A_817 = arith.constant 0 : i32
    %dma_wait3A_818 = tpu.memref_slice %arg6[%dma_wait3A_807, %dma_wait3A_816, %dma_wait3A_817] : memref<2x64x768xf32, #tpu.memory_space<vmem>> -> memref<1x64x768xf32, #tpu.memory_space<vmem>>
    %dma_wait3A_819 = tpu.memref_squeeze %dma_wait3A_818 : memref<1x64x768xf32, #tpu.memory_space<vmem>> -> memref<64x768xf32, #tpu.memory_space<vmem>>
    tpu.wait_dma2 semaphore(%arg9 : memref<!tpu.dma_semaphore, #tpu.memory_space<semaphore_mem>>) src(%dma_wait3A_819 : memref<64x768xf32, #tpu.memory_space<vmem>>) dst(%dma_wait3A_815 : memref<64x768xf32, #tpu.memory_space<hbm>>)
    %dma_wait3A_820 = arith.constant 1 : i32
    %dma_wait3A_821 = arith.constant 0 : i32
    %dma_wait3A_822 = arith.constant 0 : i32
    %dma_wait3A_823 = tpu.memref_slice %arg6[%dma_wait3A_820, %dma_wait3A_821, %dma_wait3A_822] : memref<2x64x768xf32, #tpu.memory_space<vmem>> -> memref<1x64x768xf32, #tpu.memory_space<vmem>>
    %dma_wait3A_824 = tpu.memref_squeeze %dma_wait3A_823 : memref<1x64x768xf32, #tpu.memory_space<vmem>> -> memref<64x768xf32, #tpu.memory_space<vmem>>
    %dma_wait3A_825 = arith.constant 0 : i32
    %dma_wait3A_826 = tpu.memref_slice %arg4[%add3A_793, %dma_wait3A_825] : memref<32768x768xf32, #tpu.memory_space<hbm>> -> memref<64x768xf32, #tpu.memory_space<hbm>>
    %dma_wait3A_827 = arith.constant 0 : i32
    %dma_wait3A_828 = tpu.memref_slice %arg4[%add3A_793, %dma_wait3A_827] : memref<32768x768xf32, #tpu.memory_space<hbm>> -> memref<64x768xf32, #tpu.memory_space<hbm>>
    %dma_wait3A_829 = arith.constant 0 : i32
    %dma_wait3A_830 = arith.constant 0 : i32
    %dma_wait3A_831 = tpu.memref_slice %arg6[%dma_wait3A_820, %dma_wait3A_829, %dma_wait3A_830] : memref<2x64x768xf32, #tpu.memory_space<vmem>> -> memref<1x64x768xf32, #tpu.memory_space<vmem>>
    %dma_wait3A_832 = tpu.memref_squeeze %dma_wait3A_831 : memref<1x64x768xf32, #tpu.memory_space<vmem>> -> memref<64x768xf32, #tpu.memory_space<vmem>>
    tpu.wait_dma2 semaphore(%arg10 : memref<!tpu.dma_semaphore, #tpu.memory_space<semaphore_mem>>) src(%dma_wait3A_832 : memref<64x768xf32, #tpu.memory_space<vmem>>) dst(%dma_wait3A_828 : memref<64x768xf32, #tpu.memory_space<hbm>>)
    return
  }
}

module attributes {stable_mosaic.version = 14 : i64} {
  func.func @_xe_body(%arg0: i32, %arg1: memref<1x4x512xi32, #tpu.memory_space<vmem>>, %arg2: memref<512x768xbf16, #tpu.memory_space<vmem>>, %arg3: memref<1x768xf32, #tpu.memory_space<vmem>>, %arg4: memref<2048x768xf32, #tpu.memory_space<vmem>>) attributes {dimension_semantics = [#tpu.dimension_semantics<arbitrary>], iteration_bounds = array<i64: 16>, scalar_prefetch = 0 : i64, scratch_operands = 0 : i64, tpu.core_type = #tpu.core_type<tc>, window_params = [{transform_indices = @transform_0, window_bounds = array<i64: 1, 4, 512>}, {pipeline_mode = #tpu.pipeline_mode<synchronous>, transform_indices = @transform_1, window_bounds = array<i64: 512, 768>}, {pipeline_mode = #tpu.pipeline_mode<synchronous>, transform_indices = @transform_2, window_bounds = array<i64: 1, 768>}, {transform_indices = @transform_3, window_bounds = array<i64: 2048, 768>}]} {
    %get3A = arith.constant 0 : index
    %get3A_0 = arith.constant 0 : index
    %get3A_1 = arith.constant 0 : index
    %get3A_2 = vector.load %arg1[%get3A, %get3A_0, %get3A_1] : memref<1x4x512xi32, #tpu.memory_space<vmem>>, vector<1x4x512xi32>
    %get3A_3 = vector.shape_cast %get3A_2 : vector<1x4x512xi32> to vector<4x512xi32>
    %sub3A = arith.constant 1 : i32
    %sub3A_4 = vector.broadcast %sub3A : i32 to vector<4x512xi32>
    %sub3A_5 = arith.subi %sub3A_4, %get3A_3 : vector<4x512xi32>
    %convert_element_type3A = arith.sitofp %sub3A_5 : vector<4x512xi32> to vector<4x512xbf16>
    %iota3A = tpu.iota {dimensions = array<i32: 0>} : vector<512x512xi32>
    %iota3A_6 = tpu.iota {dimensions = array<i32: 1>} : vector<512x512xi32>
    %le3A = arith.cmpi sle, %iota3A, %iota3A_6 : vector<512x512xi32>
    %convert_element_type3A_7 = arith.extui %le3A : vector<512x512xi1> to vector<512x512xi32>
    %convert_element_type3A_8 = arith.sitofp %convert_element_type3A_7 : vector<512x512xi32> to vector<512x512xf32>
    %convert_element_type3A_9 = arith.truncf %convert_element_type3A_8 : vector<512x512xf32> to vector<512x512xbf16>
    %dot_general3A = arith.constant dense<0.000000e+00> : vector<4x512xf32>
    %dot_general3A_10 = tpu.matmul %convert_element_type3A, %convert_element_type3A_9, %dot_general3A {dimension_numbers = #tpu.dot_dimension_numbers<[1], [0], [0], [1], [0, 0, 1, 1], [], []>, transpose_lhs_hint = false} : vector<4x512xbf16>, vector<512x512xbf16>, vector<4x512xf32> -> vector<4x512xf32>
    %convert_element_type3A_11 = arith.fptosi %dot_general3A_10 : vector<4x512xf32> to vector<4x512xi32>
    %sub3A_12 = arith.constant 1 : i32
    %sub3A_13 = vector.broadcast %sub3A_12 : i32 to vector<4x512xi32>
    %sub3A_14 = arith.subi %convert_element_type3A_11, %sub3A_13 : vector<4x512xi32>
    %ne3A = arith.constant 0 : i32
    %ne3A_15 = vector.broadcast %ne3A : i32 to vector<4x512xi32>
    %ne3A_16 = arith.cmpi ne, %get3A_3, %ne3A_15 : vector<4x512xi32>
    %jit3A = arith.constant 512 : i32
    %broadcast_in_dim3A = vector.broadcast %jit3A : i32 to vector<4x512xi32>
    %select_n3A = arith.select %ne3A_16, %broadcast_in_dim3A, %sub3A_14 : vector<4x512xi1>, vector<4x512xi32>
    %iota3A_17 = tpu.iota {dimensions = array<i32: 0>} : vector<512x512xi32>
    %slice3A = vector.extract_strided_slice %select_n3A {offsets = [0, 0], sizes = [1, 512], strides = [1, 1]} : vector<4x512xi32> to vector<1x512xi32>
    %eq3A = vector.broadcast %slice3A : vector<1x512xi32> to vector<512x512xi32>
    %eq3A_18 = arith.cmpi eq, %iota3A_17, %eq3A : vector<512x512xi32>
    %convert_element_type3A_19 = arith.extui %eq3A_18 : vector<512x512xi1> to vector<512x512xi32>
    %convert_element_type3A_20 = arith.sitofp %convert_element_type3A_19 : vector<512x512xi32> to vector<512x512xf32>
    %convert_element_type3A_21 = arith.truncf %convert_element_type3A_20 : vector<512x512xf32> to vector<512x512xbf16>
    %slice3A_22 = vector.extract_strided_slice %select_n3A {offsets = [1, 0], sizes = [1, 512], strides = [1, 1]} : vector<4x512xi32> to vector<1x512xi32>
    %eq3A_23 = vector.broadcast %slice3A_22 : vector<1x512xi32> to vector<512x512xi32>
    %eq3A_24 = arith.cmpi eq, %iota3A_17, %eq3A_23 : vector<512x512xi32>
    %convert_element_type3A_25 = arith.extui %eq3A_24 : vector<512x512xi1> to vector<512x512xi32>
    %convert_element_type3A_26 = arith.sitofp %convert_element_type3A_25 : vector<512x512xi32> to vector<512x512xf32>
    %convert_element_type3A_27 = arith.truncf %convert_element_type3A_26 : vector<512x512xf32> to vector<512x512xbf16>
    %slice3A_28 = vector.extract_strided_slice %select_n3A {offsets = [2, 0], sizes = [1, 512], strides = [1, 1]} : vector<4x512xi32> to vector<1x512xi32>
    %eq3A_29 = vector.broadcast %slice3A_28 : vector<1x512xi32> to vector<512x512xi32>
    %eq3A_30 = arith.cmpi eq, %iota3A_17, %eq3A_29 : vector<512x512xi32>
    %convert_element_type3A_31 = arith.extui %eq3A_30 : vector<512x512xi1> to vector<512x512xi32>
    %convert_element_type3A_32 = arith.sitofp %convert_element_type3A_31 : vector<512x512xi32> to vector<512x512xf32>
    %convert_element_type3A_33 = arith.truncf %convert_element_type3A_32 : vector<512x512xf32> to vector<512x512xbf16>
    %slice3A_34 = vector.extract_strided_slice %select_n3A {offsets = [3, 0], sizes = [1, 512], strides = [1, 1]} : vector<4x512xi32> to vector<1x512xi32>
    %eq3A_35 = vector.broadcast %slice3A_34 : vector<1x512xi32> to vector<512x512xi32>
    %eq3A_36 = arith.cmpi eq, %iota3A_17, %eq3A_35 : vector<512x512xi32>
    %convert_element_type3A_37 = arith.extui %eq3A_36 : vector<512x512xi1> to vector<512x512xi32>
    %convert_element_type3A_38 = arith.sitofp %convert_element_type3A_37 : vector<512x512xi32> to vector<512x512xf32>
    %convert_element_type3A_39 = arith.truncf %convert_element_type3A_38 : vector<512x512xf32> to vector<512x512xbf16>
    %concatenate3A = tpu.concatenate %convert_element_type3A_21, %convert_element_type3A_27, %convert_element_type3A_33, %convert_element_type3A_39 in 1 : vector<512x512xbf16>, vector<512x512xbf16>, vector<512x512xbf16>, vector<512x512xbf16> -> vector<512x2048xbf16>
    %get3A_40 = arith.constant 0 : index
    %get3A_41 = arith.constant 0 : index
    %get3A_42 = vector.load %arg2[%get3A_40, %get3A_41] : memref<512x768xbf16, #tpu.memory_space<vmem>>, vector<512x768xbf16>
    %dot_general3A_43 = arith.constant dense<0.000000e+00> : vector<2048x768xf32>
    %dot_general3A_44 = tpu.matmul %concatenate3A, %get3A_42, %dot_general3A_43 {dimension_numbers = #tpu.dot_dimension_numbers<[0], [0], [1], [1], [0, 1, 1, 1], [], []>, transpose_lhs_hint = false} : vector<512x2048xbf16>, vector<512x768xbf16>, vector<2048x768xf32> -> vector<2048x768xf32>
    %get3A_45 = arith.constant 0 : index
    %get3A_46 = arith.constant 0 : index
    %get3A_47 = vector.load %arg3[%get3A_45, %get3A_46] : memref<1x768xf32, #tpu.memory_space<vmem>>, vector<1x768xf32>
    %add3A = vector.broadcast %get3A_47 : vector<1x768xf32> to vector<2048x768xf32>
    %add3A_48 = arith.addf %dot_general3A_44, %add3A : vector<2048x768xf32>
    %swap3A = arith.constant 0 : index
    %swap3A_49 = arith.constant 0 : index
    %swap3A_50 = vector.load %arg4[%swap3A, %swap3A_49] : memref<2048x768xf32, #tpu.memory_space<vmem>>, vector<2048x768xf32>
    tpu.vector_store %arg4[%swap3A, %swap3A_49], %add3A_48 {strides = array<i32>} : memref<2048x768xf32, #tpu.memory_space<vmem>>, vector<2048x768xf32>,
    return
  }
  func.func @transform_0(%arg0: i32) -> (i32, i32, i32) {
    %c0_i32 = arith.constant 0 : i32
    %c0_i32_0 = arith.constant 0 : i32
    %c0_i32_1 = arith.constant 0 : i32
    return %arg0, %c0_i32, %c0_i32_0 : i32, i32, i32
  }
  func.func @transform_1(%arg0: i32) -> (i32, i32) {
    %c0_i32 = arith.constant 0 : i32
    %c0_i32_0 = arith.constant 0 : i32
    %c0_i32_1 = arith.constant 0 : i32
    return %c0_i32, %c0_i32_0 : i32, i32
  }
  func.func @transform_2(%arg0: i32) -> (i32, i32) {
    %c0_i32 = arith.constant 0 : i32
    %c0_i32_0 = arith.constant 0 : i32
    %c0_i32_1 = arith.constant 0 : i32
    return %c0_i32, %c0_i32_0 : i32, i32
  }
  func.func @transform_3(%arg0: i32) -> (i32, i32) {
    %c0_i32 = arith.constant 0 : i32
    %c0_i32_0 = arith.constant 0 : i32
    return %arg0, %c0_i32 : i32, i32
  }
}

</mosaic_0001>

<sc_bundles>
// kernel: kernel.4.cloned.1.call-start
scs
__scs_entry_jumppad:
0x0: {  	(pc) =	sbr.rel $0x88, $3  }
0x1: {  	(tag) =	ssettag $0x0;
	lr =	simm.s32 $0x1  }
0x2: {  	[smem:$0x3F9D] =	sst lr;
	_ =	strace $0xD0000000  }
0x3: {  	_ = 	snop  }
0x4: {  	_ = 	snop  }
0x5: {  	_ = 	snop  }
0x6: {  	_ = 	snop  }
0x7: {  	_ = 	snop  }
__scs_overlays_trampoline_lowered:
0x8: {  	[smem:$0x3FAC] =	sst s0  }
0x9: {  	[smem:$0x3FAD] =	sst s1  }
0xa: {  	[smem:$0x3FAE] =	sst s2  }
0xb: {  	[smem:$0x3FAF] =	sst s3  }
0xc: {  	[smem:$0x3FB0] =	sst s4  }
0xd: {  	[smem:$0x3FB1] =	sst s5  }
0xe: {  	[smem:$0x3FB2] =	sst s6  }
0xf: {  	[smem:$0x3FB3] =	sst s7  }
0x10: {  	[smem:$0x3FB4] =	sst s8  }
0x11: {  	[smem:$0x3FB5] =	sst s9;
	s0 =	simm.s32 @!p0 $0x0  }
0x12: {  	s1 =	sld [smem:$0x3F9B];
	s0 =	simm.s32 @p0 $0x1  }
0x13: {  	[smem:$0x3FB6] =	sst s0;
	s0 =	simm.s32 @!p1 $0x0  }
0x14: {  	s2 =	sld [smem:$0x3F9A];
	s0 =	simm.s32 @p1 $0x1  }
0x15: {  	[smem:$0x3FB7] =	sst s0;
	s0 =	simm.s32 @!p2 $0x0  }
0x16: {  	s3 =	sld [smem:$0x3FDB];
	s0 =	simm.s32 @p2 $0x1  }
0x17: {  	s4 =	simm.s32 $0x1BF5;
	[smem:$0x3FB9] =	sst s0  }
0x18: {  	s0 =	sld [smem:$0x3F9C];
	_ =	swait.ge [sflag:s4], $0x0  }
0x19: {  	s7 =	sld [smem:$0x3F9D]  }
0x1a: {  	s8 =	sadd.s32 $0xFFFFE003, lr  }
0x1b: {  	s9 =	sadd.s32 $0xFFFFFEF7, lr;
	s5 =	simm.s32 $0xFFFFFFFF;
	p2 =	slt.u32 s8, $0xFFFFF086  }
0x1c: {  	p1 =	slt.u32 s9, $0xF7A;
	s5 =	simm.s32 @!p2 $0x0  }
0x1d: {  	s5 =	simm.s32 @p1 $0x1;
	p0 =	seq.s32 s7, s2  }
0x1e: {  	s7 =	smul.u32 @!p0 $0xF7A, s2;
	p2 =	seq.s32 @!p0 s5, $0x0  }
0x1f: {  	s9 =	smul.u32 $0xF7A, s1;
	s8 =	simm.s32 @!p0 $0x1BF5;
	p2 =	por !p2, p0  }
0x20: {  	[sflag:s8] =	ssyncset.s32 @!p0 $0xFFFFF086;
	s6 =	sadd.s32 @!p0 s3, s7;
	s7 =	simm.s32 @!p0 $0x108  }
0x21: {  	s3 =	sadd.s32 s3, s9;
	s6 =	sadd.s32 @!p0 $0x88, s6;
	s7 =	simm.s32 @p2 $0x1082  }
0x22: {  	[simem:s7], [sflag:s8] =	dma.local @!p0 [hbm:s6], $0xF7A  }
0x23: {  	s9 =	sor.u32 $0xD0000000, s2;
	s6 =	simm.s32 $0x108;
	_ =	swait.ge @!p0 [sflag:s8], $0x0  }
0x24: {  	s3 =	sadd.s32 $0x88, s3;
	s6 =	simm.s32 @!p1 $0x1082;
	[sflag:s4] =	ssyncset.s32 $0xFFFFF086  }
0x25: {  	[simem:s6], [sflag:s4] =	dma.local [hbm:s3], $0xF7A  }
0x26: {  	[smem:$0x3F9D] =	sst s1;
	(tag) =	ssettag s2;
	_ =	strace s9  }
0x27: {  	s1 =	sld [smem:$0x3FAD]  }
0x28: {  	s2 =	sld [smem:$0x3FAE]  }
0x29: {  	s4 =	sld [smem:$0x3FB0]  }
0x2a: {  	p0 =	seq.s32 s5, $0x0;
	s5 =	sld [smem:$0x3FB1]  }
0x2b: {  	s6 =	sld [smem:$0x3FB2]  }
0x2c: {  	s7 =	sld [smem:$0x3FB3]  }
0x2d: {  	s3 =	simm.s32 $0x108;
	s8 =	sld [smem:$0x3FB4]  }
0x2e: {  	s3 =	simm.s32 @!p0 $0x1082;
	s9 =	sld [smem:$0x3FB5]  }
0x2f: {  	lr =	sadd.s32 s0, s3;
	s0 =	sld [smem:$0x3FAC]  }
0x30: {  	s3 =	sld [smem:$0x3FAF]  }
0x31: {  	[smem:$0x3FB8] =	sst s10  }
0x32: {  	s10 =	sld [smem:$0x3FB6];
	_ =	sdelay $0x3  }
0x33: {  	p0 =	seq.s32 s10, $0x1;
	s10 =	sld [smem:$0x3FB8];
	_ =	sdelay $0x3  }
0x34: {  	[smem:$0x3FB8] =	sst s10  }
0x35: {  	s10 =	sld [smem:$0x3FB7];
	_ =	sdelay $0x3  }
0x36: {  	p1 =	seq.s32 s10, $0x1;
	s10 =	sld [smem:$0x3FB8];
	_ =	sdelay $0x3  }
0x37: {  	[smem:$0x3FB8] =	sst s10  }
0x38: {  	s10 =	sld [smem:$0x3FB9]  }
0x39: {  	_ = 	snop;
	(pc) =	sbr.ind lr, $3  }
0x3a: {  	_ = 	snop  }
0x3b: {  	_ = 	snop  }
0x3c: {  	p2 =	seq.s32 s10, $0x1;
	s10 =	sld [smem:$0x3FB8]  }
0x3d: {  	_ =	shalt  }
0x3e: {  	_ =	shalt  }
0x3f: {  	_ =	shalt  }
0x40: {  	_ =	shalt  }
0x41: {  	_ =	shalt  }
0x42: {  	_ =	shalt  }
0x43: {  	_ =	shalt  }
0x44: {  	_ =	shalt  }
0x45: {  	_ =	shalt  }
0x46: {  	_ =	shalt  }
0x47: {  	_ =	shalt  }
0x48: {  	_ =	shalt  }
0x49: {  	_ =	shalt  }
0x4a: {  	_ =	shalt  }
0x4b: {  	_ =	shalt  }
0x4c: {  	_ =	shalt  }
0x4d: {  	_ =	shalt  }
0x4e: {  	_ =	shalt  }
0x4f: {  	_ =	shalt  }
0x50: {  	_ =	shalt  }
0x51: {  	_ =	shalt  }
0x52: {  	_ =	shalt  }
0x53: {  	_ =	shalt  }
0x54: {  	_ =	shalt  }
0x55: {  	_ =	shalt  }
0x56: {  	_ =	shalt  }
0x57: {  	_ =	shalt  }
0x58: {  	_ =	shalt  }
0x59: {  	_ =	shalt  }
0x5a: {  	_ =	shalt  }
0x5b: {  	_ =	shalt  }
0x5c: {  	_ =	shalt  }
0x5d: {  	_ =	shalt  }
0x5e: {  	_ =	shalt  }
0x5f: {  	_ =	shalt  }
0x60: {  	_ =	shalt  }
0x61: {  	_ =	shalt  }
0x62: {  	_ =	shalt  }
0x63: {  	_ =	shalt  }
0x64: {  	_ =	shalt  }
0x65: {  	_ =	shalt  }
0x66: {  	_ =	shalt  }
0x67: {  	_ =	shalt  }
0x68: {  	_ =	shalt  }
0x69: {  	_ =	shalt  }
0x6a: {  	_ =	shalt  }
0x6b: {  	_ =	shalt  }
0x6c: {  	_ =	shalt  }
0x6d: {  	_ =	shalt  }
0x6e: {  	_ =	shalt  }
0x6f: {  	_ =	shalt  }
0x70: {  	_ =	shalt  }
0x71: {  	_ =	shalt  }
0x72: {  	_ =	shalt  }
0x73: {  	_ =	shalt  }
0x74: {  	_ =	shalt  }
0x75: {  	_ =	shalt  }
0x76: {  	_ =	shalt  }
0x77: {  	_ =	shalt  }
0x78: {  	_ =	shalt  }
0x79: {  	_ =	shalt  }
0x7a: {  	_ =	shalt  }
0x7b: {  	_ =	shalt  }
0x7c: {  	_ =	shalt  }
0x7d: {  	_ =	shalt  }
0x7e: {  	_ =	shalt  }
0x7f: {  	_ =	shalt  }
0x80: {  	_ =	shalt  }
0x81: {  	_ =	shalt  }
0x82: {  	_ =	shalt  }
0x83: {  	_ =	shalt  }
0x84: {  	_ =	shalt  }
0x85: {  	_ =	shalt  }
0x86: {  	_ =	shalt  }
0x87: {  	_ =	shalt  }
.Lfunc_end0:
.L_simem_size_0:
called_computation_lowered:
.L_overlay_start_0:
0x88: {  	s2 =	sld [smem:$0x3FD9]  }
0x89: {  	s3 =	sld [smem:$0x3FFE];
	_ =	sdelay $0x1  }
0x8a: {  	s1 =	srdreg.scid  }
0x8b: {  	s0 =	sand.u32 $0x1, s1  }
0x8c: {  	s14 =	sshll.u32 s0, $0xA;
	s2 =	sadd.s32 s3, s2  }
0x8d: {  	s2 =	sadd.s32 s2, s14  }
0x8e: {  	[smem:$0x3FC4] =	sst s2  }
0x8f: {  	_ = 	snop  }
0x90: {  	s2 =	sld [smem:$0x3FD0];
	_ =	sdelay $0x2  }
0x91: {  	s4 =	simm.s32 $0xA;
	s5 =	simm.s32 $0x10;
	s15 =	sld [smem:$0x3FC7]  }
0x92: {  	[smem:s5], [sflag:s4] =	dma.local [hbm:s2], $0x1  }
0x93: {  	_ =	swait.eq [sflag:s4], $0x1  }
0x94: {  	[sflag:s4] =	ssyncset.done $0x0  }
0x95: {  	[sflag:s4] =	ssyncadd.s32 $0xFFFFFFFF  }
0x96: {  	s16 =	sld [smem:$0x10];
	(tm) =	ssettm $0x1  }
0x97: {  	s17 =	sld [smem:$0x3FFB];
	_ =	sdelay $0x3  }
0x98: {  	_ =	strace s17  }
0x99: {  	s4 =	sld [smem:$0x3FFC];
	_ =	sdelay $0x3  }
0x9a: {  	_ =	strace s4  }
0x9b: {  	s4 =	sld [smem:$0x3FFD];
	_ =	sdelay $0x3  }
0x9c: {  	_ =	strace s4  }
0x9d: {  	_ =	strace $0x8FFFFFFF  }
0x9e: {  	s18 =	sld [smem:$0x3FDB];
	_ =	sdelay $0x1  }
0x9f: {  	s19 =	simm.s32 $_scs_section_size  }
0xa0: {  	s6 =	simm.s32 $_size__tile_overlayer_lowered;
	s7 =	simm.s32 $_tile_overlayer_lowered  }
0xa1: {  	s22 =	simm.s32 $0x1BFF;
	s21 =	sshll.u32 s7, $0x1;
	s4 =	sadd.s32 s19, s18  }
0xa2: {  	s8 =	simm.s32 $0x0;
	s20 =	sshll.u32 s6, $0x1;
	s6 =	sadd.s32 s21, s4  }
0xa3: {  	[timem:s8], [sflag:s22] =	dma.local [hbm:s6], s20  }
0xa4: {  	_ =	swait.ge [sflag:s22], s20  }
0xa5: {  	s5 =	ssub.s32 $0x0, s20;
	[sflag:s22] =	ssyncset.done $0x0  }
0xa6: {  	[sflag:s22] =	ssyncadd.s32 s5;
	_ =	sdelay $0x1  }
0xa7: {  	s23 =	simm.s32 $0x1B8B  }
0xa8: {  	_ =	swait.ge [sflag:s23], $0x1  }
0xa9: {  	[sflag:s23] =	ssyncset.done $0x0  }
0xaa: {  	s25 =	simm.s32 $0x1B8E;
	s24 =	sld [smem:$0x3FFE];
	[sflag:s23] =	ssyncadd.s32 $0xFFFFFFFF  }
0xab: {  	s26 =	simm.s32 $execute0_lowered;
	[smem:$0x3FD2] =	sst s25  }
0xac: {  	s6 =	sshll.u32 s26, $0x1;
	_ =	strace $0x80000046;
	[dreg:$0x1] =	wrdreg $0xFFFFFFFF  }
0xad: {  	s28 =	simm.s32 $_size_execute0_lowered;
	s4 =	sadd.s32 s4, s6;
	[dreg:$0x0] =	wrdreg $0x0  }
0xae: {  	s6 =	sshll.u32 s28, $0x1;
	[dreg:$0x2] =	wrdreg s4  }
0xaf: {  	[dreg:$0x3] =	wrdreg s6  }
0xb0: {  	[dreg:$0x4] =	wrdreg $0xC0  }
0xb1: {  	_ =	task [dreg:s8], $0x5FFFF  }
0xb2: {  	[dreg:$0x1] =	wrdreg $0xFFFFFFFF  }
0xb3: {  	[dreg:$0x0] =	wrdreg $0x60  }
0xb4: {  	[dreg:$0x2] =	wrdreg s24  }
0xb5: {  	[dreg:$0x3] =	wrdreg s15  }
0xb6: {  	[dreg:$0x4] =	wrdreg s16  }
0xb7: {  	[dreg:$0x5] =	wrdreg $0x9  }
0xb8: {  	_ =	task.clear_ibuf [dreg:s8], $0x6FFFF;
	_ =	strace $0x90000046  }
0xb9: {  	s29 =	simm.s32 $0x9;
	_ =	strace $0x80000048  }
0xba: {  	_ =	swait.ge [sflag:s29], $0x1  }
0xbb: {  	[sflag:s29] =	ssyncadd.s32 $0xFFFFFFFF  }
0xbc: {  	_ =	strace $0x90000048  }
0xbd: {  	_ =	sfence  }
0xbe: {  	s30 =	sld [smem:$0x0];
	_ =	sdelay $0x2  }
0xbf: {  	s31 =	sshll.u32 s1, $0xD;
	s1 =	sshrl.u32 s1, $0x2  }
0xc0: {  	s3 =	sand.u32 $0x4000, s31;
	s1 =	sadd.s32 s1, s30  }
0xc1: {  	s0 =	sor.u32 s3, s0;
	s1 =	sshll.u32 s1, $0x11  }
0xc2: {  	s0 =	sor.u32 s1, s0  }
0xc3: {  	s0 =	sadd.s32 $0x8F2B, s0  }
0xc4: {  	[sflag:s0] =	ssyncadd.remote.s32 $0x1  }
0xc5: {  	_ =	sfence.sel $0xFFFF  }
0xc6: {  	[dreg:$0x0] =	wrdreg $0xFFFFFFFF;
	(pc) =	sbr.abs _section_cstart, $3  }
0xc7: {  	[dreg:$0x1] =	wrdreg $0xFFFFFFFF  }
0xc8: {  	_ =	task.clear_ibuf [dreg:s8], $0x2FFFF;
	_ =	strace $0x9FFFFFFF  }
0xc9: {  	(tm) =	ssettm $0x7FFFFFFF  }
tec
execute0_lowered:
.L_overlay_start_1:
0x0: {  	(tag) =	ssettag $0x1  }
0x1: {  	s1 =	srdreg.scid;
	s3 =	stileid.u32  }
0x2: {  	s0 =	rddreg [dreg:$0x0];
	s1 =	sand.u32 $0x1, s1;
	s3 =	sshll.u32 s3, $0x1  }
0x3: {  	s2 =	rddreg [dreg:$0x1];
	s5 =	sor.u32 s1, s3  }
0x4: {  	s4 =	rddreg [dreg:$0x2];
	s6 =	sshll.u32 s5, $0x8  }
0x5: {  	s3 =	simm.s32 $0x0;
	s7 =	smul.u32 $0x18000, s5;
	s0 =	sadd.s32 s6, s0  }
0x6: {  	[smem:$0x7FF] =	sst s3;
	s0 =	sadd.s32 $0xA00, s0  }
0x7: {  	_ =	strace $0x80000047;
	s14 =	sadd.s32 s4, s7;
	[dreg:$0x4] =	wrdreg s0  }
0x8: {  	s15 =	sadd.s32 $0x1800, s14;
	[dreg:$0x14] =	wrdreg s14  }
0x9: {  	s5 =	smul.u32 $0xC0000, s5;
	s16 =	sadd.s32 $0x3000, s14;
	[dreg:$0x5] =	wrdreg s15  }
0xa: {  	s17 =	sadd.s32 $0x4800, s14;
	[dreg:$0x6] =	wrdreg s16  }
0xb: {  	s5 =	sshrl.u32 s5, $0x3;
	s18 =	sadd.s32 $0x6000, s14;
	[dreg:$0x7] =	wrdreg s17  }
0xc: {  	s19 =	sadd.s32 $0x7800, s14;
	s4 =	sadd.s32 s4, s5;
	[dreg:$0x8] =	wrdreg s18  }
0xd: {  	s8 =	simm.s32 $0x3;
	[dreg:$0x9] =	wrdreg s19;
	s20 =	sadd.s32 $0x9000, s4  }
0xe: {  	s10 =	simm.s32 $0x2;
	s21 =	sadd.s32 $0xA800, s4;
	[dreg:$0xa] =	wrdreg s20  }
0xf: {  	s11 =	simm.s32 $0x4;
	s22 =	sadd.s32 $0xC000, s4;
	[dreg:$0xb] =	wrdreg s21  }
0x10: {  	s1 =	ssub.s32 $0x2, s1;
	s23 =	sadd.s32 $0xD800, s4;
	[dreg:$0xc] =	wrdreg s22  }
0x11: {  	s29 =	sshrl.u32 s1, $0x1;
	s24 =	sadd.s32 $0xF000, s4;
	[dreg:$0xd] =	wrdreg s23  }
0x12: {  	s1 =	ssub.s32 s1, s29;
	s25 =	sadd.s32 $0x10800, s4;
	[dreg:$0xe] =	wrdreg s24  }
0x13: {  	s6 =	sadd.s32 $0x200, s2;
	s26 =	sadd.s32 $0x12000, s4;
	[dreg:$0xf] =	wrdreg s25  }
0x14: {  	s1 =	smax.u32 s1, $0x1;
	s28 =	sadd.s32 $0x13800, s4;
	[dreg:$0x10] =	wrdreg s26  }
0x15: {  	v2 =	vlaneseq.u32;
	s5 =	sadd.s32 $0x100, s2;
	s30 =	sadd.s32 $0x15000, s4;
	[dreg:$0x11] =	wrdreg s28  }
0x16: {  	vm0 =	vmmov $0xffff;
	v1 =	vshrl.u32 v2, $0x3;
	s14 =	simm.s32 $0x800;
	s31 =	sadd.s32 $0x16800, s4;
	[dreg:$0x12] =	wrdreg s30  }
0x17: {  	v0 =	vand.u32 $0x7, v2;
	v2 =	vor.u32 $0x8, v2;
	v1 =	vmul.u32 $0x8, v1;
	s0 =	simm.s32 $0x1;
	s4 =	simm.s32 $0xC800;
	[dreg:$0x13] =	wrdreg s31  }
.LBB2_1:
0x18: {  	[dreg:$0x15] =	wrdreg s1  }
0x19: {  	s12 =	rddreg [dreg:$0x4];
	s16 =	simm.s32 $0x5  }
0x1a: {  	[tilespmem:s3], [sflag:$0x5] =	stream.linear.gather [hbm4b:s12+s3], $0x800, $0x38;
	[tilespmem:$0x18800] =	vst v63  }
0x1b: {  	_ =	swait.ge [sflag:s16], $0x800  }
0x1c: {  	[sflag:s16] =	ssyncset.done $0x0  }
0x1d: {  	[sflag:s16] =	ssyncadd.s32 $0xFFFFF800  }
0x1e: {  	v3 =	vld [tilespmem:$0x0];
	_ =	sdelay $0x4  }
0x1f: {  	v4 =	vshrl.u32 v3, $0x3  }
0x20: {  	v4 =	vmul.u32 $0x30, v4  }
0x21: {  	v3 =	vand.u32 $0x7, v3  }
0x22: {  	v3 =	vor.u32 v3, v4  }
0x23: {  	v4 =	vperm.xlane v3, v0;
	_ =	sdelay $0x1  }
0x24: {  	v4 =	vadd.s32 v1, v4;
	_ =	sdelay $0x3  }
0x25: {  	v3 =	vperm.xlane v3, v2  }
0x26: {  	[tilespmem:s14], [sflag:$0x1] =	stream.indirect_vreg.gather [hbm4b:s2+s3], $0x80, v4, vm0, $0xb8;
	[tilespmem:$0x18800] =	vst v63  }
0x27: {  	s17 =	simm.s32 $0x1000;
	v3 =	vadd.s32 v1, v3  }
0x28: {  	[tilespmem:s17], [sflag:$0x1] =	stream.indirect_vreg.gather [hbm4b:s5+s3], $0x80, v4, vm0, $0xb8;
	[tilespmem:$0x18800] =	vst v63  }
0x29: {  	s18 =	simm.s32 $0x1800  }
0x2a: {  	[tilespmem:s18], [sflag:$0x1] =	stream.indirect_vreg.gather [hbm4b:s6+s3], $0x80, v4, vm0, $0xb8;
	[tilespmem:$0x18800] =	vst v63  }
0x2b: {  	s19 =	simm.s32 $0x2000  }
0x2c: {  	[tilespmem:s19], [sflag:$0x1] =	stream.indirect_vreg.gather [hbm4b:s2+s3], $0x80, v3, vm0, $0xb8;
	[tilespmem:$0x18800] =	vst v63  }
0x2d: {  	s20 =	simm.s32 $0x2800  }
0x2e: {  	[tilespmem:s20], [sflag:$0x1] =	stream.indirect_vreg.gather [hbm4b:s5+s3], $0x80, v3, vm0, $0xb8;
	[tilespmem:$0x18800] =	vst v63  }
0x2f: {  	s21 =	simm.s32 $0x3000  }
0x30: {  	[tilespmem:s21], [sflag:$0x1] =	stream.indirect_vreg.gather [hbm4b:s6+s3], $0x80, v3, vm0, $0xb8;
	[tilespmem:$0x18800] =	vst v63  }
0x31: {  	v3 =	vld [tilespmem:$0x10];
	_ =	sdelay $0x4  }
0x32: {  	v57 =	vshrl.u32 v3, $0x3  }
0x33: {  	v4 =	vmul.u32 $0x30, v57  }
0x34: {  	v3 =	vand.u32 $0x7, v3  }
0x35: {  	v3 =	vor.u32 v3, v4  }
0x36: {  	v4 =	vperm.xlane v3, v0;
	_ =	sdelay $0x1  }
0x37: {  	v4 =	vadd.s32 v1, v4;
	_ =	sdelay $0x3  }
0x38: {  	s22 =	simm.s32 $0x3800;
	v3 =	vperm.xlane v3, v2  }
0x39: {  	[tilespmem:s22], [sflag:$0x1] =	stream.indirect_vreg.gather [hbm4b:s2+s3], $0x80, v4, vm0, $0xb8;
	[tilespmem:$0x18800] =	vst v63  }
0x3a: {  	s23 =	simm.s32 $0x4000;
	v3 =	vadd.s32 v1, v3  }
0x3b: {  	[tilespmem:s23], [sflag:$0x1] =	stream.indirect_vreg.gather [hbm4b:s5+s3], $0x80, v4, vm0, $0xb8;
	[tilespmem:$0x18800] =	vst v63  }
0x3c: {  	s24 =	simm.s32 $0x4800  }
0x3d: {  	[tilespmem:s24], [sflag:$0x1] =	stream.indirect_vreg.gather [hbm4b:s6+s3], $0x80, v4, vm0, $0xb8;
	[tilespmem:$0x18800] =	vst v63  }
0x3e: {  	s25 =	simm.s32 $0x5000  }
0x3f: {  	[tilespmem:s25], [sflag:$0x1] =	stream.indirect_vreg.gather [hbm4b:s2+s3], $0x80, v3, vm0, $0xb8;
	[tilespmem:$0x18800] =	vst v63  }
0x40: {  	s26 =	simm.s32 $0x5800  }
0x41: {  	[tilespmem:s26], [sflag:$0x1] =	stream.indirect_vreg.gather [hbm4b:s5+s3], $0x80, v3, vm0, $0xb8;
	[tilespmem:$0x18800] =	vst v63  }
0x42: {  	s28 =	simm.s32 $0x6000  }
0x43: {  	[tilespmem:s28], [sflag:$0x1] =	stream.indirect_vreg.gather [hbm4b:s6+s3], $0x80, v3, vm0, $0xb8;
	[tilespmem:$0x18800] =	vst v63  }
0x44: {  	v3 =	vld [tilespmem:$0x20];
	_ =	sdelay $0x4  }
0x45: {  	v58 =	vshrl.u32 v3, $0x3  }
0x46: {  	v4 =	vmul.u32 $0x30, v58  }
0x47: {  	v3 =	vand.u32 $0x7, v3  }
0x48: {  	v3 =	vor.u32 v3, v4  }
0x49: {  	v4 =	vperm.xlane v3, v0;
	_ =	sdelay $0x1  }
0x4a: {  	v4 =	vadd.s32 v1, v4;
	_ =	sdelay $0x3  }
0x4b: {  	s29 =	simm.s32 $0x6800;
	v3 =	vperm.xlane v3, v2  }
0x4c: {  	[tilespmem:s29], [sflag:$0x1] =	stream.indirect_vreg.gather [hbm4b:s2+s3], $0x80, v4, vm0, $0xb8;
	[tilespmem:$0x18800] =	vst v63  }
0x4d: {  	s30 =	simm.s32 $0x7000;
	v3 =	vadd.s32 v1, v3  }
0x4e: {  	[tilespmem:s30], [sflag:$0x1] =	stream.indirect_vreg.gather [hbm4b:s5+s3], $0x80, v4, vm0, $0xb8;
	[tilespmem:$0x18800] =	vst v63  }
0x4f: {  	s31 =	simm.s32 $0x7800  }
0x50: {  	[tilespmem:s31], [sflag:$0x1] =	stream.indirect_vreg.gather [hbm4b:s6+s3], $0x80, v4, vm0, $0xb8;
	[tilespmem:$0x18800] =	vst v63  }
0x51: {  	s9 =	simm.s32 $0x8000  }
0x52: {  	[tilespmem:s9], [sflag:$0x1] =	stream.indirect_vreg.gather [hbm4b:s2+s3], $0x80, v3, vm0, $0xb8;
	[tilespmem:$0x18800] =	vst v63  }
0x53: {  	s12 =	simm.s32 $0x8800  }
0x54: {  	[tilespmem:s12], [sflag:$0x1] =	stream.indirect_vreg.gather [hbm4b:s5+s3], $0x80, v3, vm0, $0xb8;
	[tilespmem:$0x18800] =	vst v63  }
0x55: {  	s15 =	simm.s32 $0x9000  }
0x56: {  	[tilespmem:s15], [sflag:$0x1] =	stream.indirect_vreg.gather [hbm4b:s6+s3], $0x80, v3, vm0, $0xb8;
	[tilespmem:$0x18800] =	vst v63  }
0x57: {  	v3 =	vld [tilespmem:$0x30];
	_ =	sdelay $0x4  }
0x58: {  	v59 =	vshrl.u32 v3, $0x3  }
0x59: {  	v4 =	vmul.u32 $0x30, v59  }
0x5a: {  	v3 =	vand.u32 $0x7, v3  }
0x5b: {  	v3 =	vor.u32 v3, v4  }
0x5c: {  	v4 =	vperm.xlane v3, v0;
	_ =	sdelay $0x1  }
0x5d: {  	v4 =	vadd.s32 v1, v4;
	_ =	sdelay $0x3  }
0x5e: {  	s16 =	simm.s32 $0x9800;
	v3 =	vperm.xlane v3, v2  }
0x5f: {  	[tilespmem:s16], [sflag:$0x1] =	stream.indirect_vreg.gather [hbm4b:s2+s3], $0x80, v4, vm0, $0xb8;
	[tilespmem:$0x18800] =	vst v63  }
0x60: {  	s17 =	simm.s32 $0xA000;
	v3 =	vadd.s32 v1, v3  }
0x61: {  	[tilespmem:s17], [sflag:$0x1] =	stream.indirect_vreg.gather [hbm4b:s5+s3], $0x80, v4, vm0, $0xb8;
	[tilespmem:$0x18800] =	vst v63  }
0x62: {  	s18 =	simm.s32 $0xA800  }
0x63: {  	[tilespmem:s18], [sflag:$0x1] =	stream.indirect_vreg.gather [hbm4b:s6+s3], $0x80, v4, vm0, $0xb8;
	[tilespmem:$0x18800] =	vst v63  }
0x64: {  	s19 =	simm.s32 $0xB000  }
0x65: {  	[tilespmem:s19], [sflag:$0x1] =	stream.indirect_vreg.gather [hbm4b:s2+s3], $0x80, v3, vm0, $0xb8;
	[tilespmem:$0x18800] =	vst v63  }
0x66: {  	s20 =	simm.s32 $0xB800  }
0x67: {  	[tilespmem:s20], [sflag:$0x1] =	stream.indirect_vreg.gather [hbm4b:s5+s3], $0x80, v3, vm0, $0xb8;
	[tilespmem:$0x18800] =	vst v63  }
0x68: {  	s23 =	simm.s32 $0xC000  }
0x69: {  	[tilespmem:s23], [sflag:$0x1] =	stream.indirect_vreg.gather [hbm4b:s6+s3], $0x80, v3, vm0, $0xb8;
	[tilespmem:$0x18800] =	vst v63  }
0x6a: {  	v3 =	vld [tilespmem:$0x80];
	_ =	sdelay $0x4  }
0x6b: {  	v60 =	vshrl.u32 v3, $0x3  }
0x6c: {  	v4 =	vmul.u32 $0x30, v60  }
0x6d: {  	v3 =	vand.u32 $0x7, v3  }
0x6e: {  	v3 =	vor.u32 v3, v4  }
0x6f: {  	v4 =	vperm.xlane v3, v0;
	_ =	sdelay $0x1  }
0x70: {  	v4 =	vadd.s32 v1, v4;
	_ =	sdelay $0x3  }
0x71: {  	v3 =	vperm.xlane v3, v2  }
0x72: {  	[tilespmem:s4], [sflag:$0x2] =	stream.indirect_vreg.gather [hbm4b:s2+s3], $0x80, v4, vm0, $0xb8;
	[tilespmem:$0x18800] =	vst v63  }
0x73: {  	s24 =	simm.s32 $0xD000;
	v3 =	vadd.s32 v1, v3  }
0x74: {  	[tilespmem:s24], [sflag:$0x2] =	stream.indirect_vreg.gather [hbm4b:s5+s3], $0x80, v4, vm0, $0xb8;
	[tilespmem:$0x18800] =	vst v63  }
0x75: {  	s29 =	simm.s32 $0xD800  }
0x76: {  	[tilespmem:s29], [sflag:$0x2] =	stream.indirect_vreg.gather [hbm4b:s6+s3], $0x80, v4, vm0, $0xb8;
	[tilespmem:$0x18800] =	vst v63  }
0x77: {  	s30 =	simm.s32 $0xE000  }
0x78: {  	[tilespmem:s30], [sflag:$0x2] =	stream.indirect_vreg.gather [hbm4b:s2+s3], $0x80, v3, vm0, $0xb8;
	[tilespmem:$0x18800] =	vst v63  }
0x79: {  	s31 =	simm.s32 $0xE800  }
0x7a: {  	[tilespmem:s31], [sflag:$0x2] =	stream.indirect_vreg.gather [hbm4b:s5+s3], $0x80, v3, vm0, $0xb8;
	[tilespmem:$0x18800] =	vst v63  }
0x7b: {  	s1 =	simm.s32 $0xF000  }
0x7c: {  	[tilespmem:s1], [sflag:$0x2] =	stream.indirect_vreg.gather [hbm4b:s6+s3], $0x80, v3, vm0, $0xb8;
	[tilespmem:$0x18800] =	vst v63  }
0x7d: {  	v3 =	vld [tilespmem:$0x90];
	_ =	sdelay $0x4  }
0x7e: {  	v61 =	vshrl.u32 v3, $0x3  }
0x7f: {  	v4 =	vmul.u32 $0x30, v61  }
0x80: {  	v3 =	vand.u32 $0x7, v3  }
0x81: {  	v3 =	vor.u32 v3, v4  }
0x82: {  	v4 =	vperm.xlane v3, v0;
	_ =	sdelay $0x1  }
0x83: {  	v4 =	vadd.s32 v1, v4;
	_ =	sdelay $0x3  }
0x84: {  	s9 =	simm.s32 $0xF800;
	v3 =	vperm.xlane v3, v2  }
0x85: {  	[tilespmem:s9], [sflag:$0x2] =	stream.indirect_vreg.gather [hbm4b:s2+s3], $0x80, v4, vm0, $0xb8;
	[tilespmem:$0x18800] =	vst v63  }
0x86: {  	s15 =	simm.s32 $0x10000;
	v3 =	vadd.s32 v1, v3  }
0x87: {  	[tilespmem:s15], [sflag:$0x2] =	stream.indirect_vreg.gather [hbm4b:s5+s3], $0x80, v4, vm0, $0xb8;
	[tilespmem:$0x18800] =	vst v63  }
0x88: {  	s16 =	simm.s32 $0x10800  }
0x89: {  	[tilespmem:s16], [sflag:$0x2] =	stream.indirect_vreg.gather [hbm4b:s6+s3], $0x80, v4, vm0, $0xb8;
	[tilespmem:$0x18800] =	vst v63  }
0x8a: {  	s17 =	simm.s32 $0x11000  }
0x8b: {  	[tilespmem:s17], [sflag:$0x2] =	stream.indirect_vreg.gather [hbm4b:s2+s3], $0x80, v3, vm0, $0xb8;
	[tilespmem:$0x18800] =	vst v63  }
0x8c: {  	s18 =	simm.s32 $0x11800  }
0x8d: {  	[tilespmem:s18], [sflag:$0x2] =	stream.indirect_vreg.gather [hbm4b:s5+s3], $0x80, v3, vm0, $0xb8;
	[tilespmem:$0x18800] =	vst v63  }
0x8e: {  	s19 =	simm.s32 $0x12000  }
0x8f: {  	[tilespmem:s19], [sflag:$0x2] =	stream.indirect_vreg.gather [hbm4b:s6+s3], $0x80, v3, vm0, $0xb8;
	[tilespmem:$0x18800] =	vst v63  }
0x90: {  	v3 =	vld [tilespmem:$0xA0];
	_ =	sdelay $0x4  }
0x91: {  	v62 =	vshrl.u32 v3, $0x3  }
0x92: {  	v4 =	vmul.u32 $0x30, v62  }
0x93: {  	v3 =	vand.u32 $0x7, v3  }
0x94: {  	v3 =	vor.u32 v3, v4  }
0x95: {  	v4 =	vperm.xlane v3, v0;
	_ =	sdelay $0x1  }
0x96: {  	v4 =	vadd.s32 v1, v4;
	_ =	sdelay $0x3  }
0x97: {  	s20 =	simm.s32 $0x12800;
	v3 =	vperm.xlane v3, v2  }
0x98: {  	[tilespmem:s20], [sflag:$0x2] =	stream.indirect_vreg.gather [hbm4b:s2+s3], $0x80, v4, vm0, $0xb8;
	[tilespmem:$0x18800] =	vst v63  }
0x99: {  	s23 =	simm.s32 $0x13000;
	v3 =	vadd.s32 v1, v3  }
0x9a: {  	[tilespmem:s23], [sflag:$0x2] =	stream.indirect_vreg.gather [hbm4b:s5+s3], $0x80, v4, vm0, $0xb8;
	[tilespmem:$0x18800] =	vst v63  }
0x9b: {  	s24 =	simm.s32 $0x13800  }
0x9c: {  	[tilespmem:s24], [sflag:$0x2] =	stream.indirect_vreg.gather [hbm4b:s6+s3], $0x80, v4, vm0, $0xb8;
	[tilespmem:$0x18800] =	vst v63  }
0x9d: {  	s1 =	simm.s32 $0x14000  }
0x9e: {  	[tilespmem:s1], [sflag:$0x2] =	stream.indirect_vreg.gather [hbm4b:s2+s3], $0x80, v3, vm0, $0xb8;
	[tilespmem:$0x18800] =	vst v63  }
0x9f: {  	s9 =	simm.s32 $0x14800  }
0xa0: {  	[tilespmem:s9], [sflag:$0x2] =	stream.indirect_vreg.gather [hbm4b:s5+s3], $0x80, v3, vm0, $0xb8;
	[tilespmem:$0x18800] =	vst v63  }
0xa1: {  	s15 =	simm.s32 $0x15000  }
0xa2: {  	[tilespmem:s15], [sflag:$0x2] =	stream.indirect_vreg.gather [hbm4b:s6+s3], $0x80, v3, vm0, $0xb8;
	[tilespmem:$0x18800] =	vst v63  }
0xa3: {  	v3 =	vld [tilespmem:$0xB0];
	_ =	sdelay $0x4  }
0xa4: {  	v63 =	vshrl.u32 v3, $0x3  }
0xa5: {  	v4 =	vmul.u32 $0x30, v63  }
0xa6: {  	v3 =	vand.u32 $0x7, v3  }
0xa7: {  	v3 =	vor.u32 v3, v4  }
0xa8: {  	v4 =	vperm.xlane v3, v0;
	_ =	sdelay $0x1  }
0xa9: {  	v4 =	vadd.s32 v1, v4;
	_ =	sdelay $0x3  }
0xaa: {  	s16 =	simm.s32 $0x15800;
	v3 =	vperm.xlane v3, v2  }
0xab: {  	[tilespmem:s16], [sflag:$0x2] =	stream.indirect_vreg.gather [hbm4b:s2+s3], $0x80, v4, vm0, $0xb8;
	[tilespmem:$0x18800] =	vst v63  }
0xac: {  	s17 =	simm.s32 $0x16000;
	v3 =	vadd.s32 v1, v3  }
0xad: {  	[tilespmem:s17], [sflag:$0x2] =	stream.indirect_vreg.gather [hbm4b:s5+s3], $0x80, v4, vm0, $0xb8;
	[tilespmem:$0x18800] =	vst v63  }
0xae: {  	s18 =	simm.s32 $0x16800  }
0xaf: {  	[tilespmem:s18], [sflag:$0x2] =	stream.indirect_vreg.gather [hbm4b:s6+s3], $0x80, v4, vm0, $0xb8;
	[tilespmem:$0x18800] =	vst v63  }
0xb0: {  	s19 =	simm.s32 $0x17000  }
0xb1: {  	[tilespmem:s19], [sflag:$0x2] =	stream.indirect_vreg.gather [hbm4b:s2+s3], $0x80, v3, vm0, $0xb8;
	[tilespmem:$0x18800] =	vst v63  }
0xb2: {  	s20 =	simm.s32 $0x17800  }
0xb3: {  	[tilespmem:s20], [sflag:$0x2] =	stream.indirect_vreg.gather [hbm4b:s5+s3], $0x80, v3, vm0, $0xb8;
	[tilespmem:$0x18800] =	vst v63  }
0xb4: {  	s23 =	simm.s32 $0x18000  }
0xb5: {  	[tilespmem:s23], [sflag:$0x2] =	stream.indirect_vreg.gather [hbm4b:s6+s3], $0x80, v3, vm0, $0xb8;
	[tilespmem:$0x18800] =	vst v63  }
0xb6: {  	_ =	swait.ge [sflag:s0], $0xC000  }
0xb7: {  	[sflag:s0] =	ssyncset.done $0x0  }
0xb8: {  	s24 =	rddreg [dreg:$0x14];
	[sflag:s0] =	ssyncadd.s32 $0xFFFF4000  }
0xb9: {  	[hbm4b:s24+s3] =	stream.linear.scatter [tilespmem:s14], [sflag:$0x3], $0xC000, $0x38;
	[tilespmem:$0x18800] =	vst v63  }
0xba: {  	_ =	swait.ge [sflag:s8], $0xC000  }
0xbb: {  	[sflag:s8] =	ssyncset.done $0x0  }
0xbc: {  	[sflag:s8] =	ssyncadd.s32 $0xFFFF4000  }
0xbd: {  	v3 =	vld [tilespmem:$0x100];
	_ =	sdelay $0x4  }
0xbe: {  	v8 =	vshrl.u32 v3, $0x3  }
0xbf: {  	v4 =	vmul.u32 $0x30, v8  }
0xc0: {  	v3 =	vand.u32 $0x7, v3  }
0xc1: {  	v3 =	vor.u32 v3, v4  }
0xc2: {  	v4 =	vperm.xlane v3, v0;
	_ =	sdelay $0x1  }
0xc3: {  	v4 =	vadd.s32 v1, v4;
	_ =	sdelay $0x3  }
0xc4: {  	v3 =	vperm.xlane v3, v2  }
0xc5: {  	[tilespmem:s14], [sflag:$0x1] =	stream.indirect_vreg.gather [hbm4b:s2+s3], $0x80, v4, vm0, $0xb8;
	[tilespmem:$0x18800] =	vst v63  }
0xc6: {  	s1 =	simm.s32 $0x1000;
	v3 =	vadd.s32 v1, v3  }
0xc7: {  	[tilespmem:s1], [sflag:$0x1] =	stream.indirect_vreg.gather [hbm4b:s5+s3], $0x80, v4, vm0, $0xb8;
	[tilespmem:$0x18800] =	vst v63  }
0xc8: {  	s9 =	simm.s32 $0x1800  }
0xc9: {  	[tilespmem:s9], [sflag:$0x1] =	stream.indirect_vreg.gather [hbm4b:s6+s3], $0x80, v4, vm0, $0xb8;
	[tilespmem:$0x18800] =	vst v63  }
0xca: {  	s15 =	simm.s32 $0x2000  }
0xcb: {  	[tilespmem:s15], [sflag:$0x1] =	stream.indirect_vreg.gather [hbm4b:s2+s3], $0x80, v3, vm0, $0xb8;
	[tilespmem:$0x18800] =	vst v63  }
0xcc: {  	s16 =	simm.s32 $0x2800  }
0xcd: {  	[tilespmem:s16], [sflag:$0x1] =	stream.indirect_vreg.gather [hbm4b:s5+s3], $0x80, v3, vm0, $0xb8;
	[tilespmem:$0x18800] =	vst v63  }
0xce: {  	s7 =	simm.s32 $0x3000  }
0xcf: {  	[tilespmem:s7], [sflag:$0x1] =	stream.indirect_vreg.gather [hbm4b:s6+s3], $0x80, v3, vm0, $0xb8;
	[tilespmem:$0x18800] =	vst v63  }
0xd0: {  	v3 =	vld [tilespmem:$0x110];
	_ =	sdelay $0x4  }
0xd1: {  	v9 =	vshrl.u32 v3, $0x3  }
0xd2: {  	v4 =	vmul.u32 $0x30, v9  }
0xd3: {  	v3 =	vand.u32 $0x7, v3  }
0xd4: {  	v3 =	vor.u32 v3, v4  }
0xd5: {  	v4 =	vperm.xlane v3, v0;
	_ =	sdelay $0x1  }
0xd6: {  	v4 =	vadd.s32 v1, v4;
	_ =	sdelay $0x3  }
0xd7: {  	s13 =	simm.s32 $0x3800;
	v3 =	vperm.xlane v3, v2  }
0xd8: {  	[tilespmem:s13], [sflag:$0x1] =	stream.indirect_vreg.gather [hbm4b:s2+s3], $0x80, v4, vm0, $0xb8;
	[tilespmem:$0x18800] =	vst v63  }
0xd9: {  	s17 =	simm.s32 $0x4000;
	v3 =	vadd.s32 v1, v3  }
0xda: {  	[tilespmem:s17], [sflag:$0x1] =	stream.indirect_vreg.gather [hbm4b:s5+s3], $0x80, v4, vm0, $0xb8;
	[tilespmem:$0x18800] =	vst v63  }
0xdb: {  	s18 =	simm.s32 $0x4800  }
0xdc: {  	[tilespmem:s18], [sflag:$0x1] =	stream.indirect_vreg.gather [hbm4b:s6+s3], $0x80, v4, vm0, $0xb8;
	[tilespmem:$0x18800] =	vst v63  }
0xdd: {  	s19 =	simm.s32 $0x5000  }
0xde: {  	[tilespmem:s19], [sflag:$0x1] =	stream.indirect_vreg.gather [hbm4b:s2+s3], $0x80, v3, vm0, $0xb8;
	[tilespmem:$0x18800] =	vst v63  }
0xdf: {  	s20 =	simm.s32 $0x5800  }
0xe0: {  	[tilespmem:s20], [sflag:$0x1] =	stream.indirect_vreg.gather [hbm4b:s5+s3], $0x80, v3, vm0, $0xb8;
	[tilespmem:$0x18800] =	vst v63  }
0xe1: {  	s21 =	simm.s32 $0x6000  }
0xe2: {  	[tilespmem:s21], [sflag:$0x1] =	stream.indirect_vreg.gather [hbm4b:s6+s3], $0x80, v3, vm0, $0xb8;
	[tilespmem:$0x18800] =	vst v63  }
0xe3: {  	v3 =	vld [tilespmem:$0x120];
	_ =	sdelay $0x4  }
0xe4: {  	v10 =	vshrl.u32 v3, $0x3  }
0xe5: {  	v4 =	vmul.u32 $0x30, v10  }
0xe6: {  	v3 =	vand.u32 $0x7, v3  }
0xe7: {  	v3 =	vor.u32 v3, v4  }
0xe8: {  	v4 =	vperm.xlane v3, v0;
	_ =	sdelay $0x1  }
0xe9: {  	v4 =	vadd.s32 v1, v4;
	_ =	sdelay $0x3  }
0xea: {  	s22 =	simm.s32 $0x6800;
	v3 =	vperm.xlane v3, v2  }
0xeb: {  	[tilespmem:s22], [sflag:$0x1] =	stream.indirect_vreg.gather [hbm4b:s2+s3], $0x80, v4, vm0, $0xb8;
	[tilespmem:$0x18800] =	vst v63  }
0xec: {  	s21 =	simm.s32 $0x7000;
	v3 =	vadd.s32 v1, v3  }
0xed: {  	[tilespmem:s21], [sflag:$0x1] =	stream.indirect_vreg.gather [hbm4b:s5+s3], $0x80, v4, vm0, $0xb8;
	[tilespmem:$0x18800] =	vst v63  }
0xee: {  	s22 =	simm.s32 $0x7800  }
0xef: {  	[tilespmem:s22], [sflag:$0x1] =	stream.indirect_vreg.gather [hbm4b:s6+s3], $0x80, v4, vm0, $0xb8;
	[tilespmem:$0x18800] =	vst v63  }
0xf0: {  	s23 =	simm.s32 $0x8000  }
0xf1: {  	[tilespmem:s23], [sflag:$0x1] =	stream.indirect_vreg.gather [hbm4b:s2+s3], $0x80, v3, vm0, $0xb8;
	[tilespmem:$0x18800] =	vst v63  }
0xf2: {  	s24 =	simm.s32 $0x8800  }
0xf3: {  	[tilespmem:s24], [sflag:$0x1] =	stream.indirect_vreg.gather [hbm4b:s5+s3], $0x80, v3, vm0, $0xb8;
	[tilespmem:$0x18800] =	vst v63  }
0xf4: {  	s25 =	simm.s32 $0x9000  }
0xf5: {  	[tilespmem:s25], [sflag:$0x1] =	stream.indirect_vreg.gather [hbm4b:s6+s3], $0x80, v3, vm0, $0xb8;
	[tilespmem:$0x18800] =	vst v63  }
0xf6: {  	v3 =	vld [tilespmem:$0x130];
	_ =	sdelay $0x4  }
0xf7: {  	v11 =	vshrl.u32 v3, $0x3  }
0xf8: {  	v4 =	vmul.u32 $0x30, v11  }
0xf9: {  	v3 =	vand.u32 $0x7, v3  }
0xfa: {  	v3 =	vor.u32 v3, v4  }
0xfb: {  	v4 =	vperm.xlane v3, v0;
	_ =	sdelay $0x1  }
0xfc: {  	v4 =	vadd.s32 v1, v4;
	_ =	sdelay $0x3  }
0xfd: {  	s26 =	simm.s32 $0x9800;
	v3 =	vperm.xlane v3, v2  }
0xfe: {  	[tilespmem:s26], [sflag:$0x1] =	stream.indirect_vreg.gather [hbm4b:s2+s3], $0x80, v4, vm0, $0xb8;
	[tilespmem:$0x18800] =	vst v63  }
0xff: {  	s25 =	simm.s32 $0xA000;
	v3 =	vadd.s32 v1, v3  }
0x100: {  	[tilespmem:s25], [sflag:$0x1] =	stream.indirect_vreg.gather [hbm4b:s5+s3], $0x80, v4, vm0, $0xb8;
	[tilespmem:$0x18800] =	vst v63  }
0x101: {  	s26 =	simm.s32 $0xA800  }
0x102: {  	[tilespmem:s26], [sflag:$0x1] =	stream.indirect_vreg.gather [hbm4b:s6+s3], $0x80, v4, vm0, $0xb8;
	[tilespmem:$0x18800] =	vst v63  }
0x103: {  	s7 =	simm.s32 $0xB000  }
0x104: {  	[tilespmem:s7], [sflag:$0x1] =	stream.indirect_vreg.gather [hbm4b:s2+s3], $0x80, v3, vm0, $0xb8;
	[tilespmem:$0x18800] =	vst v63  }
0x105: {  	s13 =	simm.s32 $0xB800  }
0x106: {  	[tilespmem:s13], [sflag:$0x1] =	stream.indirect_vreg.gather [hbm4b:s5+s3], $0x80, v3, vm0, $0xb8;
	[tilespmem:$0x18800] =	vst v63  }
0x107: {  	s28 =	simm.s32 $0xC000  }
0x108: {  	[tilespmem:s28], [sflag:$0x1] =	stream.indirect_vreg.gather [hbm4b:s6+s3], $0x80, v3, vm0, $0xb8;
	[tilespmem:$0x18800] =	vst v63  }
0x109: {  	_ =	swait.ge [sflag:s10], $0xC000  }
0x10a: {  	[sflag:s10] =	ssyncset.done $0x0  }
0x10b: {  	s28 =	rddreg [dreg:$0x5];
	[sflag:s10] =	ssyncadd.s32 $0xFFFF4000  }
0x10c: {  	[hbm4b:s28+s3] =	stream.linear.scatter [tilespmem:s4], [sflag:$0x4], $0xC000, $0x38;
	[tilespmem:$0x18800] =	vst v63  }
0x10d: {  	_ =	swait.ge [sflag:s11], $0xC000  }
0x10e: {  	[sflag:s11] =	ssyncset.done $0x0  }
0x10f: {  	[sflag:s11] =	ssyncadd.s32 $0xFFFF4000  }
0x110: {  	v3 =	vld [tilespmem:$0x180];
	_ =	sdelay $0x4  }
0x111: {  	v12 =	vshrl.u32 v3, $0x3  }
0x112: {  	v4 =	vmul.u32 $0x30, v12  }
0x113: {  	v3 =	vand.u32 $0x7, v3  }
0x114: {  	v3 =	vor.u32 v3, v4  }
0x115: {  	v4 =	vperm.xlane v3, v0;
	_ =	sdelay $0x1  }
0x116: {  	v4 =	vadd.s32 v1, v4;
	_ =	sdelay $0x3  }
0x117: {  	v3 =	vperm.xlane v3, v2  }
0x118: {  	[tilespmem:s4], [sflag:$0x2] =	stream.indirect_vreg.gather [hbm4b:s2+s3], $0x80, v4, vm0, $0xb8;
	[tilespmem:$0x18800] =	vst v63  }
0x119: {  	s28 =	simm.s32 $0xD000;
	v3 =	vadd.s32 v1, v3  }
0x11a: {  	[tilespmem:s28], [sflag:$0x2] =	stream.indirect_vreg.gather [hbm4b:s5+s3], $0x80, v4, vm0, $0xb8;
	[tilespmem:$0x18800] =	vst v63  }
0x11b: {  	s12 =	simm.s32 $0xD800  }
0x11c: {  	[tilespmem:s12], [sflag:$0x2] =	stream.indirect_vreg.gather [hbm4b:s6+s3], $0x80, v4, vm0, $0xb8;
	[tilespmem:$0x18800] =	vst v63  }
0x11d: {  	s12 =	simm.s32 $0xE000  }
0x11e: {  	[tilespmem:s12], [sflag:$0x2] =	stream.indirect_vreg.gather [hbm4b:s2+s3], $0x80, v3, vm0, $0xb8;
	[tilespmem:$0x18800] =	vst v63  }
0x11f: {  	s12 =	simm.s32 $0xE800  }
0x120: {  	[tilespmem:s12], [sflag:$0x2] =	stream.indirect_vreg.gather [hbm4b:s5+s3], $0x80, v3, vm0, $0xb8;
	[tilespmem:$0x18800] =	vst v63  }
0x121: {  	s12 =	simm.s32 $0xF000  }
0x122: {  	[tilespmem:s12], [sflag:$0x2] =	stream.indirect_vreg.gather [hbm4b:s6+s3], $0x80, v3, vm0, $0xb8;
	[tilespmem:$0x18800] =	vst v63  }
0x123: {  	v3 =	vld [tilespmem:$0x190];
	_ =	sdelay $0x4  }
0x124: {  	v13 =	vshrl.u32 v3, $0x3  }
0x125: {  	v4 =	vmul.u32 $0x30, v13  }
0x126: {  	v3 =	vand.u32 $0x7, v3  }
0x127: {  	v3 =	vor.u32 v3, v4  }
0x128: {  	v4 =	vperm.xlane v3, v0;
	_ =	sdelay $0x1  }
0x129: {  	v4 =	vadd.s32 v1, v4;
	_ =	sdelay $0x3  }
0x12a: {  	s29 =	simm.s32 $0xF800;
	v3 =	vperm.xlane v3, v2  }
0x12b: {  	[tilespmem:s29], [sflag:$0x2] =	stream.indirect_vreg.gather [hbm4b:s2+s3], $0x80, v4, vm0, $0xb8;
	[tilespmem:$0x18800] =	vst v63  }
0x12c: {  	v3 =	vadd.s32 v1, v3;
	s29 =	simm.s32 $0x10000  }
0x12d: {  	[tilespmem:s29], [sflag:$0x2] =	stream.indirect_vreg.gather [hbm4b:s5+s3], $0x80, v4, vm0, $0xb8;
	[tilespmem:$0x18800] =	vst v63  }
0x12e: {  	s12 =	simm.s32 $0x10800  }
0x12f: {  	[tilespmem:s12], [sflag:$0x2] =	stream.indirect_vreg.gather [hbm4b:s6+s3], $0x80, v4, vm0, $0xb8;
	[tilespmem:$0x18800] =	vst v63  }
0x130: {  	s12 =	simm.s32 $0x11000  }
0x131: {  	[tilespmem:s12], [sflag:$0x2] =	stream.indirect_vreg.gather [hbm4b:s2+s3], $0x80, v3, vm0, $0xb8;
	[tilespmem:$0x18800] =	vst v63  }
0x132: {  	s12 =	simm.s32 $0x11800  }
0x133: {  	[tilespmem:s12], [sflag:$0x2] =	stream.indirect_vreg.gather [hbm4b:s5+s3], $0x80, v3, vm0, $0xb8;
	[tilespmem:$0x18800] =	vst v63  }
0x134: {  	s30 =	simm.s32 $0x12000  }
0x135: {  	[tilespmem:s30], [sflag:$0x2] =	stream.indirect_vreg.gather [hbm4b:s6+s3], $0x80, v3, vm0, $0xb8;
	[tilespmem:$0x18800] =	vst v63  }
0x136: {  	v3 =	vld [tilespmem:$0x1A0];
	_ =	sdelay $0x4  }
0x137: {  	v14 =	vshrl.u32 v3, $0x3  }
0x138: {  	v4 =	vmul.u32 $0x30, v14  }
0x139: {  	v3 =	vand.u32 $0x7, v3  }
0x13a: {  	v3 =	vor.u32 v3, v4  }
0x13b: {  	v4 =	vperm.xlane v3, v0;
	_ =	sdelay $0x1  }
0x13c: {  	v4 =	vadd.s32 v1, v4;
	_ =	sdelay $0x3  }
0x13d: {  	s31 =	simm.s32 $0x12800;
	v3 =	vperm.xlane v3, v2  }
0x13e: {  	[tilespmem:s31], [sflag:$0x2] =	stream.indirect_vreg.gather [hbm4b:s2+s3], $0x80, v4, vm0, $0xb8;
	[tilespmem:$0x18800] =	vst v63  }
0x13f: {  	s30 =	simm.s32 $0x13000;
	v3 =	vadd.s32 v1, v3  }
0x140: {  	[tilespmem:s30], [sflag:$0x2] =	stream.indirect_vreg.gather [hbm4b:s5+s3], $0x80, v4, vm0, $0xb8;
	[tilespmem:$0x18800] =	vst v63  }
0x141: {  	s31 =	simm.s32 $0x13800  }
0x142: {  	[tilespmem:s31], [sflag:$0x2] =	stream.indirect_vreg.gather [hbm4b:s6+s3], $0x80, v4, vm0, $0xb8;
	[tilespmem:$0x18800] =	vst v63  }
0x143: {  	s12 =	simm.s32 $0x14000  }
0x144: {  	[tilespmem:s12], [sflag:$0x2] =	stream.indirect_vreg.gather [hbm4b:s2+s3], $0x80, v3, vm0, $0xb8;
	[tilespmem:$0x18800] =	vst v63  }
0x145: {  	s12 =	simm.s32 $0x14800  }
0x146: {  	[tilespmem:s12], [sflag:$0x2] =	stream.indirect_vreg.gather [hbm4b:s5+s3], $0x80, v3, vm0, $0xb8;
	[tilespmem:$0x18800] =	vst v63  }
0x147: {  	s12 =	simm.s32 $0x15000  }
0x148: {  	[tilespmem:s12], [sflag:$0x2] =	stream.indirect_vreg.gather [hbm4b:s6+s3], $0x80, v3, vm0, $0xb8;
	[tilespmem:$0x18800] =	vst v63  }
0x149: {  	v3 =	vld [tilespmem:$0x1B0];
	_ =	sdelay $0x4  }
0x14a: {  	v15 =	vshrl.u32 v3, $0x3  }
0x14b: {  	v4 =	vmul.u32 $0x30, v15  }
0x14c: {  	v3 =	vand.u32 $0x7, v3  }
0x14d: {  	v3 =	vor.u32 v3, v4  }
0x14e: {  	v4 =	vperm.xlane v3, v0;
	_ =	sdelay $0x1  }
0x14f: {  	v4 =	vadd.s32 v1, v4;
	_ =	sdelay $0x3  }
0x150: {  	s12 =	simm.s32 $0x15800;
	v3 =	vperm.xlane v3, v2  }
0x151: {  	[tilespmem:s12], [sflag:$0x2] =	stream.indirect_vreg.gather [hbm4b:s2+s3], $0x80, v4, vm0, $0xb8;
	[tilespmem:$0x18800] =	vst v63  }
0x152: {  	v3 =	vadd.s32 v1, v3;
	s12 =	simm.s32 $0x16000  }
0x153: {  	[tilespmem:s12], [sflag:$0x2] =	stream.indirect_vreg.gather [hbm4b:s5+s3], $0x80, v4, vm0, $0xb8;
	[tilespmem:$0x18800] =	vst v63  }
0x154: {  	s12 =	simm.s32 $0x16800  }
0x155: {  	[tilespmem:s12], [sflag:$0x2] =	stream.indirect_vreg.gather [hbm4b:s6+s3], $0x80, v4, vm0, $0xb8;
	[tilespmem:$0x18800] =	vst v63  }
0x156: {  	s12 =	simm.s32 $0x17000  }
0x157: {  	[tilespmem:s12], [sflag:$0x2] =	stream.indirect_vreg.gather [hbm4b:s2+s3], $0x80, v3, vm0, $0xb8;
	[tilespmem:$0x18800] =	vst v63  }
0x158: {  	s12 =	simm.s32 $0x17800  }
0x159: {  	[tilespmem:s12], [sflag:$0x2] =	stream.indirect_vreg.gather [hbm4b:s5+s3], $0x80, v3, vm0, $0xb8;
	[tilespmem:$0x18800] =	vst v63  }
0x15a: {  	s12 =	simm.s32 $0x18000  }
0x15b: {  	[tilespmem:s12], [sflag:$0x2] =	stream.indirect_vreg.gather [hbm4b:s6+s3], $0x80, v3, vm0, $0xb8;
	[tilespmem:$0x18800] =	vst v63  }
0x15c: {  	_ =	swait.ge [sflag:s0], $0xC000  }
0x15d: {  	[sflag:s0] =	ssyncset.done $0x0  }
0x15e: {  	s12 =	rddreg [dreg:$0x6];
	[sflag:s0] =	ssyncadd.s32 $0xFFFF4000  }
0x15f: {  	[hbm4b:s12+s3] =	stream.linear.scatter [tilespmem:s14], [sflag:$0x3], $0xC000, $0x38;
	[tilespmem:$0x18800] =	vst v63  }
0x160: {  	_ =	swait.ge [sflag:s8], $0xC000  }
0x161: {  	[sflag:s8] =	ssyncset.done $0x0  }
0x162: {  	[sflag:s8] =	ssyncadd.s32 $0xFFFF4000  }
0x163: {  	v3 =	vld [tilespmem:$0x200];
	_ =	sdelay $0x4  }
0x164: {  	v16 =	vshrl.u32 v3, $0x3  }
0x165: {  	v4 =	vmul.u32 $0x30, v16  }
0x166: {  	v3 =	vand.u32 $0x7, v3  }
0x167: {  	v3 =	vor.u32 v3, v4  }
0x168: {  	v4 =	vperm.xlane v3, v0;
	_ =	sdelay $0x1  }
0x169: {  	v4 =	vadd.s32 v1, v4;
	_ =	sdelay $0x3  }
0x16a: {  	v3 =	vperm.xlane v3, v2  }
0x16b: {  	[tilespmem:s14], [sflag:$0x1] =	stream.indirect_vreg.gather [hbm4b:s2+s3], $0x80, v4, vm0, $0xb8;
	[tilespmem:$0x18800] =	vst v63  }
0x16c: {  	v3 =	vadd.s32 v1, v3  }
0x16d: {  	[tilespmem:s1], [sflag:$0x1] =	stream.indirect_vreg.gather [hbm4b:s5+s3], $0x80, v4, vm0, $0xb8;
	[tilespmem:$0x18800] =	vst v63  }
0x16e: {  	_ = 	snop  }
0x16f: {  	[tilespmem:s9], [sflag:$0x1] =	stream.indirect_vreg.gather [hbm4b:s6+s3], $0x80, v4, vm0, $0xb8;
	[tilespmem:$0x18800] =	vst v63  }
0x170: {  	_ = 	snop  }
0x171: {  	[tilespmem:s15], [sflag:$0x1] =	stream.indirect_vreg.gather [hbm4b:s2+s3], $0x80, v3, vm0, $0xb8;
	[tilespmem:$0x18800] =	vst v63  }
0x172: {  	_ = 	snop  }
0x173: {  	[tilespmem:s16], [sflag:$0x1] =	stream.indirect_vreg.gather [hbm4b:s5+s3], $0x80, v3, vm0, $0xb8;
	[tilespmem:$0x18800] =	vst v63  }
0x174: {  	s16 =	simm.s32 $0x3000  }
0x175: {  	[tilespmem:s16], [sflag:$0x1] =	stream.indirect_vreg.gather [hbm4b:s6+s3], $0x80, v3, vm0, $0xb8;
	[tilespmem:$0x18800] =	vst v63  }
0x176: {  	v3 =	vld [tilespmem:$0x210];
	_ =	sdelay $0x4  }
0x177: {  	v17 =	vshrl.u32 v3, $0x3  }
0x178: {  	v4 =	vmul.u32 $0x30, v17  }
0x179: {  	v3 =	vand.u32 $0x7, v3  }
0x17a: {  	v3 =	vor.u32 v3, v4  }
0x17b: {  	v4 =	vperm.xlane v3, v0;
	_ =	sdelay $0x1  }
0x17c: {  	v4 =	vadd.s32 v1, v4;
	_ =	sdelay $0x3  }
0x17d: {  	s16 =	simm.s32 $0x3800;
	v3 =	vperm.xlane v3, v2  }
0x17e: {  	[tilespmem:s16], [sflag:$0x1] =	stream.indirect_vreg.gather [hbm4b:s2+s3], $0x80, v4, vm0, $0xb8;
	[tilespmem:$0x18800] =	vst v63  }
0x17f: {  	v3 =	vadd.s32 v1, v3  }
0x180: {  	[tilespmem:s17], [sflag:$0x1] =	stream.indirect_vreg.gather [hbm4b:s5+s3], $0x80, v4, vm0, $0xb8;
	[tilespmem:$0x18800] =	vst v63  }
0x181: {  	_ = 	snop  }
0x182: {  	[tilespmem:s18], [sflag:$0x1] =	stream.indirect_vreg.gather [hbm4b:s6+s3], $0x80, v4, vm0, $0xb8;
	[tilespmem:$0x18800] =	vst v63  }
0x183: {  	_ = 	snop  }
0x184: {  	[tilespmem:s19], [sflag:$0x1] =	stream.indirect_vreg.gather [hbm4b:s2+s3], $0x80, v3, vm0, $0xb8;
	[tilespmem:$0x18800] =	vst v63  }
0x185: {  	_ = 	snop  }
0x186: {  	[tilespmem:s20], [sflag:$0x1] =	stream.indirect_vreg.gather [hbm4b:s5+s3], $0x80, v3, vm0, $0xb8;
	[tilespmem:$0x18800] =	vst v63  }
0x187: {  	s20 =	simm.s32 $0x6000  }
0x188: {  	[tilespmem:s20], [sflag:$0x1] =	stream.indirect_vreg.gather [hbm4b:s6+s3], $0x80, v3, vm0, $0xb8;
	[tilespmem:$0x18800] =	vst v63  }
0x189: {  	v3 =	vld [tilespmem:$0x220];
	_ =	sdelay $0x4  }
0x18a: {  	v18 =	vshrl.u32 v3, $0x3  }
0x18b: {  	v4 =	vmul.u32 $0x30, v18  }
0x18c: {  	v3 =	vand.u32 $0x7, v3  }
0x18d: {  	v3 =	vor.u32 v3, v4  }
0x18e: {  	v4 =	vperm.xlane v3, v0;
	_ =	sdelay $0x1  }
0x18f: {  	v4 =	vadd.s32 v1, v4;
	_ =	sdelay $0x3  }
0x190: {  	s20 =	simm.s32 $0x6800;
	v3 =	vperm.xlane v3, v2  }
0x191: {  	[tilespmem:s20], [sflag:$0x1] =	stream.indirect_vreg.gather [hbm4b:s2+s3], $0x80, v4, vm0, $0xb8;
	[tilespmem:$0x18800] =	vst v63  }
0x192: {  	v3 =	vadd.s32 v1, v3  }
0x193: {  	[tilespmem:s21], [sflag:$0x1] =	stream.indirect_vreg.gather [hbm4b:s5+s3], $0x80, v4, vm0, $0xb8;
	[tilespmem:$0x18800] =	vst v63  }
0x194: {  	_ = 	snop  }
0x195: {  	[tilespmem:s22], [sflag:$0x1] =	stream.indirect_vreg.gather [hbm4b:s6+s3], $0x80, v4, vm0, $0xb8;
	[tilespmem:$0x18800] =	vst v63  }
0x196: {  	_ = 	snop  }
0x197: {  	[tilespmem:s23], [sflag:$0x1] =	stream.indirect_vreg.gather [hbm4b:s2+s3], $0x80, v3, vm0, $0xb8;
	[tilespmem:$0x18800] =	vst v63  }
0x198: {  	_ = 	snop  }
0x199: {  	[tilespmem:s24], [sflag:$0x1] =	stream.indirect_vreg.gather [hbm4b:s5+s3], $0x80, v3, vm0, $0xb8;
	[tilespmem:$0x18800] =	vst v63  }
0x19a: {  	s24 =	simm.s32 $0x9000  }
0x19b: {  	[tilespmem:s24], [sflag:$0x1] =	stream.indirect_vreg.gather [hbm4b:s6+s3], $0x80, v3, vm0, $0xb8;
	[tilespmem:$0x18800] =	vst v63  }
0x19c: {  	v3 =	vld [tilespmem:$0x230];
	_ =	sdelay $0x4  }
0x19d: {  	v19 =	vshrl.u32 v3, $0x3  }
0x19e: {  	v4 =	vmul.u32 $0x30, v19  }
0x19f: {  	v3 =	vand.u32 $0x7, v3  }
0x1a0: {  	v3 =	vor.u32 v3, v4  }
0x1a1: {  	v4 =	vperm.xlane v3, v0;
	_ =	sdelay $0x1  }
0x1a2: {  	v4 =	vadd.s32 v1, v4;
	_ =	sdelay $0x3  }
0x1a3: {  	s24 =	simm.s32 $0x9800;
	v3 =	vperm.xlane v3, v2  }
0x1a4: {  	[tilespmem:s24], [sflag:$0x1] =	stream.indirect_vreg.gather [hbm4b:s2+s3], $0x80, v4, vm0, $0xb8;
	[tilespmem:$0x18800] =	vst v63  }
0x1a5: {  	v3 =	vadd.s32 v1, v3  }
0x1a6: {  	[tilespmem:s25], [sflag:$0x1] =	stream.indirect_vreg.gather [hbm4b:s5+s3], $0x80, v4, vm0, $0xb8;
	[tilespmem:$0x18800] =	vst v63  }
0x1a7: {  	_ = 	snop  }
0x1a8: {  	[tilespmem:s26], [sflag:$0x1] =	stream.indirect_vreg.gather [hbm4b:s6+s3], $0x80, v4, vm0, $0xb8;
	[tilespmem:$0x18800] =	vst v63  }
0x1a9: {  	_ = 	snop  }
0x1aa: {  	[tilespmem:s7], [sflag:$0x1] =	stream.indirect_vreg.gather [hbm4b:s2+s3], $0x80, v3, vm0, $0xb8;
	[tilespmem:$0x18800] =	vst v63  }
0x1ab: {  	_ = 	snop  }
0x1ac: {  	[tilespmem:s13], [sflag:$0x1] =	stream.indirect_vreg.gather [hbm4b:s5+s3], $0x80, v3, vm0, $0xb8;
	[tilespmem:$0x18800] =	vst v63  }
0x1ad: {  	s26 =	simm.s32 $0xC000  }
0x1ae: {  	[tilespmem:s26], [sflag:$0x1] =	stream.indirect_vreg.gather [hbm4b:s6+s3], $0x80, v3, vm0, $0xb8;
	[tilespmem:$0x18800] =	vst v63  }
0x1af: {  	_ =	swait.ge [sflag:s10], $0xC000  }
0x1b0: {  	[sflag:s10] =	ssyncset.done $0x0  }
0x1b1: {  	s26 =	rddreg [dreg:$0x7];
	[sflag:s10] =	ssyncadd.s32 $0xFFFF4000  }
0x1b2: {  	[hbm4b:s26+s3] =	stream.linear.scatter [tilespmem:s4], [sflag:$0x4], $0xC000, $0x38;
	[tilespmem:$0x18800] =	vst v63  }
0x1b3: {  	_ =	swait.ge [sflag:s11], $0xC000  }
0x1b4: {  	[sflag:s11] =	ssyncset.done $0x0  }
0x1b5: {  	[sflag:s11] =	ssyncadd.s32 $0xFFFF4000  }
0x1b6: {  	v3 =	vld [tilespmem:$0x280];
	_ =	sdelay $0x4  }
0x1b7: {  	v20 =	vshrl.u32 v3, $0x3  }
0x1b8: {  	v4 =	vmul.u32 $0x30, v20  }
0x1b9: {  	v3 =	vand.u32 $0x7, v3  }
0x1ba: {  	v3 =	vor.u32 v3, v4  }
0x1bb: {  	v4 =	vperm.xlane v3, v0;
	_ =	sdelay $0x1  }
0x1bc: {  	v4 =	vadd.s32 v1, v4;
	_ =	sdelay $0x3  }
0x1bd: {  	v3 =	vperm.xlane v3, v2  }
0x1be: {  	[tilespmem:s4], [sflag:$0x2] =	stream.indirect_vreg.gather [hbm4b:s2+s3], $0x80, v4, vm0, $0xb8;
	[tilespmem:$0x18800] =	vst v63  }
0x1bf: {  	s28 =	simm.s32 $0xD000;
	v3 =	vadd.s32 v1, v3  }
0x1c0: {  	[tilespmem:s28], [sflag:$0x2] =	stream.indirect_vreg.gather [hbm4b:s5+s3], $0x80, v4, vm0, $0xb8;
	[tilespmem:$0x18800] =	vst v63  }
0x1c1: {  	s28 =	simm.s32 $0xD800  }
0x1c2: {  	[tilespmem:s28], [sflag:$0x2] =	stream.indirect_vreg.gather [hbm4b:s6+s3], $0x80, v4, vm0, $0xb8;
	[tilespmem:$0x18800] =	vst v63  }
0x1c3: {  	s12 =	simm.s32 $0xE000  }
0x1c4: {  	[tilespmem:s12], [sflag:$0x2] =	stream.indirect_vreg.gather [hbm4b:s2+s3], $0x80, v3, vm0, $0xb8;
	[tilespmem:$0x18800] =	vst v63  }
0x1c5: {  	s12 =	simm.s32 $0xE800  }
0x1c6: {  	[tilespmem:s12], [sflag:$0x2] =	stream.indirect_vreg.gather [hbm4b:s5+s3], $0x80, v3, vm0, $0xb8;
	[tilespmem:$0x18800] =	vst v63  }
0x1c7: {  	s12 =	simm.s32 $0xF000  }
0x1c8: {  	[tilespmem:s12], [sflag:$0x2] =	stream.indirect_vreg.gather [hbm4b:s6+s3], $0x80, v3, vm0, $0xb8;
	[tilespmem:$0x18800] =	vst v63  }
0x1c9: {  	v3 =	vld [tilespmem:$0x290];
	_ =	sdelay $0x4  }
0x1ca: {  	v21 =	vshrl.u32 v3, $0x3  }
0x1cb: {  	v4 =	vmul.u32 $0x30, v21  }
0x1cc: {  	v3 =	vand.u32 $0x7, v3  }
0x1cd: {  	v3 =	vor.u32 v3, v4  }
0x1ce: {  	v4 =	vperm.xlane v3, v0;
	_ =	sdelay $0x1  }
0x1cf: {  	v4 =	vadd.s32 v1, v4;
	_ =	sdelay $0x3  }
0x1d0: {  	s12 =	simm.s32 $0xF800;
	v3 =	vperm.xlane v3, v2  }
0x1d1: {  	[tilespmem:s12], [sflag:$0x2] =	stream.indirect_vreg.gather [hbm4b:s2+s3], $0x80, v4, vm0, $0xb8;
	[tilespmem:$0x18800] =	vst v63  }
0x1d2: {  	s29 =	simm.s32 $0x10000;
	v3 =	vadd.s32 v1, v3  }
0x1d3: {  	[tilespmem:s29], [sflag:$0x2] =	stream.indirect_vreg.gather [hbm4b:s5+s3], $0x80, v4, vm0, $0xb8;
	[tilespmem:$0x18800] =	vst v63  }
0x1d4: {  	s12 =	simm.s32 $0x10800  }
0x1d5: {  	[tilespmem:s12], [sflag:$0x2] =	stream.indirect_vreg.gather [hbm4b:s6+s3], $0x80, v4, vm0, $0xb8;
	[tilespmem:$0x18800] =	vst v63  }
0x1d6: {  	s12 =	simm.s32 $0x11000  }
0x1d7: {  	[tilespmem:s12], [sflag:$0x2] =	stream.indirect_vreg.gather [hbm4b:s2+s3], $0x80, v3, vm0, $0xb8;
	[tilespmem:$0x18800] =	vst v63  }
0x1d8: {  	s12 =	simm.s32 $0x11800  }
0x1d9: {  	[tilespmem:s12], [sflag:$0x2] =	stream.indirect_vreg.gather [hbm4b:s5+s3], $0x80, v3, vm0, $0xb8;
	[tilespmem:$0x18800] =	vst v63  }
0x1da: {  	s12 =	simm.s32 $0x12000  }
0x1db: {  	[tilespmem:s12], [sflag:$0x2] =	stream.indirect_vreg.gather [hbm4b:s6+s3], $0x80, v3, vm0, $0xb8;
	[tilespmem:$0x18800] =	vst v63  }
0x1dc: {  	v3 =	vld [tilespmem:$0x2A0];
	_ =	sdelay $0x4  }
0x1dd: {  	v22 =	vshrl.u32 v3, $0x3  }
0x1de: {  	v4 =	vmul.u32 $0x30, v22  }
0x1df: {  	v3 =	vand.u32 $0x7, v3  }
0x1e0: {  	v3 =	vor.u32 v3, v4  }
0x1e1: {  	v4 =	vperm.xlane v3, v0;
	_ =	sdelay $0x1  }
0x1e2: {  	v4 =	vadd.s32 v1, v4;
	_ =	sdelay $0x3  }
0x1e3: {  	s12 =	simm.s32 $0x12800;
	v3 =	vperm.xlane v3, v2  }
0x1e4: {  	[tilespmem:s12], [sflag:$0x2] =	stream.indirect_vreg.gather [hbm4b:s2+s3], $0x80, v4, vm0, $0xb8;
	[tilespmem:$0x18800] =	vst v63  }
0x1e5: {  	s30 =	simm.s32 $0x13000;
	v3 =	vadd.s32 v1, v3  }
0x1e6: {  	[tilespmem:s30], [sflag:$0x2] =	stream.indirect_vreg.gather [hbm4b:s5+s3], $0x80, v4, vm0, $0xb8;
	[tilespmem:$0x18800] =	vst v63  }
0x1e7: {  	s31 =	simm.s32 $0x13800  }
0x1e8: {  	[tilespmem:s31], [sflag:$0x2] =	stream.indirect_vreg.gather [hbm4b:s6+s3], $0x80, v4, vm0, $0xb8;
	[tilespmem:$0x18800] =	vst v63  }
0x1e9: {  	s12 =	simm.s32 $0x14000  }
0x1ea: {  	[tilespmem:s12], [sflag:$0x2] =	stream.indirect_vreg.gather [hbm4b:s2+s3], $0x80, v3, vm0, $0xb8;
	[tilespmem:$0x18800] =	vst v63  }
0x1eb: {  	s12 =	simm.s32 $0x14800  }
0x1ec: {  	[tilespmem:s12], [sflag:$0x2] =	stream.indirect_vreg.gather [hbm4b:s5+s3], $0x80, v3, vm0, $0xb8;
	[tilespmem:$0x18800] =	vst v63  }
0x1ed: {  	s12 =	simm.s32 $0x15000  }
0x1ee: {  	[tilespmem:s12], [sflag:$0x2] =	stream.indirect_vreg.gather [hbm4b:s6+s3], $0x80, v3, vm0, $0xb8;
	[tilespmem:$0x18800] =	vst v63  }
0x1ef: {  	v3 =	vld [tilespmem:$0x2B0];
	_ =	sdelay $0x4  }
0x1f0: {  	v23 =	vshrl.u32 v3, $0x3  }
0x1f1: {  	v4 =	vmul.u32 $0x30, v23  }
0x1f2: {  	v3 =	vand.u32 $0x7, v3  }
0x1f3: {  	v3 =	vor.u32 v3, v4  }
0x1f4: {  	v4 =	vperm.xlane v3, v0;
	_ =	sdelay $0x1  }
0x1f5: {  	v4 =	vadd.s32 v1, v4;
	_ =	sdelay $0x3  }
0x1f6: {  	s12 =	simm.s32 $0x15800;
	v3 =	vperm.xlane v3, v2  }
0x1f7: {  	[tilespmem:s12], [sflag:$0x2] =	stream.indirect_vreg.gather [hbm4b:s2+s3], $0x80, v4, vm0, $0xb8;
	[tilespmem:$0x18800] =	vst v63  }
0x1f8: {  	v3 =	vadd.s32 v1, v3;
	s12 =	simm.s32 $0x16000  }
0x1f9: {  	[tilespmem:s12], [sflag:$0x2] =	stream.indirect_vreg.gather [hbm4b:s5+s3], $0x80, v4, vm0, $0xb8;
	[tilespmem:$0x18800] =	vst v63  }
0x1fa: {  	s12 =	simm.s32 $0x16800  }
0x1fb: {  	[tilespmem:s12], [sflag:$0x2] =	stream.indirect_vreg.gather [hbm4b:s6+s3], $0x80, v4, vm0, $0xb8;
	[tilespmem:$0x18800] =	vst v63  }
0x1fc: {  	s12 =	simm.s32 $0x17000  }
0x1fd: {  	[tilespmem:s12], [sflag:$0x2] =	stream.indirect_vreg.gather [hbm4b:s2+s3], $0x80, v3, vm0, $0xb8;
	[tilespmem:$0x18800] =	vst v63  }
0x1fe: {  	s12 =	simm.s32 $0x17800  }
0x1ff: {  	[tilespmem:s12], [sflag:$0x2] =	stream.indirect_vreg.gather [hbm4b:s5+s3], $0x80, v3, vm0, $0xb8;
	[tilespmem:$0x18800] =	vst v63  }
0x200: {  	s12 =	simm.s32 $0x18000  }
0x201: {  	[tilespmem:s12], [sflag:$0x2] =	stream.indirect_vreg.gather [hbm4b:s6+s3], $0x80, v3, vm0, $0xb8;
	[tilespmem:$0x18800] =	vst v63  }
0x202: {  	_ =	swait.ge [sflag:s0], $0xC000  }
0x203: {  	[sflag:s0] =	ssyncset.done $0x0  }
0x204: {  	s12 =	rddreg [dreg:$0x8];
	[sflag:s0] =	ssyncadd.s32 $0xFFFF4000  }
0x205: {  	[hbm4b:s12+s3] =	stream.linear.scatter [tilespmem:s14], [sflag:$0x3], $0xC000, $0x38;
	[tilespmem:$0x18800] =	vst v63  }
0x206: {  	_ =	swait.ge [sflag:s8], $0xC000  }
0x207: {  	[sflag:s8] =	ssyncset.done $0x0  }
0x208: {  	[sflag:s8] =	ssyncadd.s32 $0xFFFF4000  }
0x209: {  	v3 =	vld [tilespmem:$0x300];
	_ =	sdelay $0x4  }
0x20a: {  	v24 =	vshrl.u32 v3, $0x3  }
0x20b: {  	v4 =	vmul.u32 $0x30, v24  }
0x20c: {  	v3 =	vand.u32 $0x7, v3  }
0x20d: {  	v3 =	vor.u32 v3, v4  }
0x20e: {  	v4 =	vperm.xlane v3, v0;
	_ =	sdelay $0x1  }
0x20f: {  	v4 =	vadd.s32 v1, v4;
	_ =	sdelay $0x3  }
0x210: {  	v3 =	vperm.xlane v3, v2  }
0x211: {  	[tilespmem:s14], [sflag:$0x1] =	stream.indirect_vreg.gather [hbm4b:s2+s3], $0x80, v4, vm0, $0xb8;
	[tilespmem:$0x18800] =	vst v63  }
0x212: {  	s12 =	simm.s32 $0x1000;
	v3 =	vadd.s32 v1, v3  }
0x213: {  	[tilespmem:s12], [sflag:$0x1] =	stream.indirect_vreg.gather [hbm4b:s5+s3], $0x80, v4, vm0, $0xb8;
	[tilespmem:$0x18800] =	vst v63  }
0x214: {  	s1 =	simm.s32 $0x1800  }
0x215: {  	[tilespmem:s1], [sflag:$0x1] =	stream.indirect_vreg.gather [hbm4b:s6+s3], $0x80, v4, vm0, $0xb8;
	[tilespmem:$0x18800] =	vst v63  }
0x216: {  	s15 =	simm.s32 $0x2000  }
0x217: {  	[tilespmem:s15], [sflag:$0x1] =	stream.indirect_vreg.gather [hbm4b:s2+s3], $0x80, v3, vm0, $0xb8;
	[tilespmem:$0x18800] =	vst v63  }
0x218: {  	s9 =	simm.s32 $0x2800  }
0x219: {  	[tilespmem:s9], [sflag:$0x1] =	stream.indirect_vreg.gather [hbm4b:s5+s3], $0x80, v3, vm0, $0xb8;
	[tilespmem:$0x18800] =	vst v63  }
0x21a: {  	s12 =	simm.s32 $0x3000  }
0x21b: {  	[tilespmem:s12], [sflag:$0x1] =	stream.indirect_vreg.gather [hbm4b:s6+s3], $0x80, v3, vm0, $0xb8;
	[tilespmem:$0x18800] =	vst v63  }
0x21c: {  	v3 =	vld [tilespmem:$0x310];
	_ =	sdelay $0x4  }
0x21d: {  	v25 =	vshrl.u32 v3, $0x3  }
0x21e: {  	v4 =	vmul.u32 $0x30, v25  }
0x21f: {  	v3 =	vand.u32 $0x7, v3  }
0x220: {  	v3 =	vor.u32 v3, v4  }
0x221: {  	v4 =	vperm.xlane v3, v0;
	_ =	sdelay $0x1  }
0x222: {  	v4 =	vadd.s32 v1, v4;
	_ =	sdelay $0x3  }
0x223: {  	s12 =	simm.s32 $0x3800;
	v3 =	vperm.xlane v3, v2  }
0x224: {  	[tilespmem:s12], [sflag:$0x1] =	stream.indirect_vreg.gather [hbm4b:s2+s3], $0x80, v4, vm0, $0xb8;
	[tilespmem:$0x18800] =	vst v63  }
0x225: {  	s16 =	simm.s32 $0x4000;
	v3 =	vadd.s32 v1, v3  }
0x226: {  	[tilespmem:s16], [sflag:$0x1] =	stream.indirect_vreg.gather [hbm4b:s5+s3], $0x80, v4, vm0, $0xb8;
	[tilespmem:$0x18800] =	vst v63  }
0x227: {  	s17 =	simm.s32 $0x4800  }
0x228: {  	[tilespmem:s17], [sflag:$0x1] =	stream.indirect_vreg.gather [hbm4b:s6+s3], $0x80, v4, vm0, $0xb8;
	[tilespmem:$0x18800] =	vst v63  }
0x229: {  	s18 =	simm.s32 $0x5000  }
0x22a: {  	[tilespmem:s18], [sflag:$0x1] =	stream.indirect_vreg.gather [hbm4b:s2+s3], $0x80, v3, vm0, $0xb8;
	[tilespmem:$0x18800] =	vst v63  }
0x22b: {  	s19 =	simm.s32 $0x5800  }
0x22c: {  	[tilespmem:s19], [sflag:$0x1] =	stream.indirect_vreg.gather [hbm4b:s5+s3], $0x80, v3, vm0, $0xb8;
	[tilespmem:$0x18800] =	vst v63  }
0x22d: {  	s12 =	simm.s32 $0x6000  }
0x22e: {  	[tilespmem:s12], [sflag:$0x1] =	stream.indirect_vreg.gather [hbm4b:s6+s3], $0x80, v3, vm0, $0xb8;
	[tilespmem:$0x18800] =	vst v63  }
0x22f: {  	v3 =	vld [tilespmem:$0x320];
	_ =	sdelay $0x4  }
0x230: {  	v26 =	vshrl.u32 v3, $0x3  }
0x231: {  	v4 =	vmul.u32 $0x30, v26  }
0x232: {  	v3 =	vand.u32 $0x7, v3  }
0x233: {  	v3 =	vor.u32 v3, v4  }
0x234: {  	v4 =	vperm.xlane v3, v0;
	_ =	sdelay $0x1  }
0x235: {  	v4 =	vadd.s32 v1, v4;
	_ =	sdelay $0x3  }
0x236: {  	s12 =	simm.s32 $0x6800;
	v3 =	vperm.xlane v3, v2  }
0x237: {  	[tilespmem:s12], [sflag:$0x1] =	stream.indirect_vreg.gather [hbm4b:s2+s3], $0x80, v4, vm0, $0xb8;
	[tilespmem:$0x18800] =	vst v63  }
0x238: {  	s20 =	simm.s32 $0x7000;
	v3 =	vadd.s32 v1, v3  }
0x239: {  	[tilespmem:s20], [sflag:$0x1] =	stream.indirect_vreg.gather [hbm4b:s5+s3], $0x80, v4, vm0, $0xb8;
	[tilespmem:$0x18800] =	vst v63  }
0x23a: {  	s21 =	simm.s32 $0x7800  }
0x23b: {  	[tilespmem:s21], [sflag:$0x1] =	stream.indirect_vreg.gather [hbm4b:s6+s3], $0x80, v4, vm0, $0xb8;
	[tilespmem:$0x18800] =	vst v63  }
0x23c: {  	s22 =	simm.s32 $0x8000  }
0x23d: {  	[tilespmem:s22], [sflag:$0x1] =	stream.indirect_vreg.gather [hbm4b:s2+s3], $0x80, v3, vm0, $0xb8;
	[tilespmem:$0x18800] =	vst v63  }
0x23e: {  	s23 =	simm.s32 $0x8800  }
0x23f: {  	[tilespmem:s23], [sflag:$0x1] =	stream.indirect_vreg.gather [hbm4b:s5+s3], $0x80, v3, vm0, $0xb8;
	[tilespmem:$0x18800] =	vst v63  }
0x240: {  	s12 =	simm.s32 $0x9000  }
0x241: {  	[tilespmem:s12], [sflag:$0x1] =	stream.indirect_vreg.gather [hbm4b:s6+s3], $0x80, v3, vm0, $0xb8;
	[tilespmem:$0x18800] =	vst v63  }
0x242: {  	v3 =	vld [tilespmem:$0x330];
	_ =	sdelay $0x4  }
0x243: {  	v27 =	vshrl.u32 v3, $0x3  }
0x244: {  	v4 =	vmul.u32 $0x30, v27  }
0x245: {  	v3 =	vand.u32 $0x7, v3  }
0x246: {  	v3 =	vor.u32 v3, v4  }
0x247: {  	v4 =	vperm.xlane v3, v0;
	_ =	sdelay $0x1  }
0x248: {  	v4 =	vadd.s32 v1, v4;
	_ =	sdelay $0x3  }
0x249: {  	s12 =	simm.s32 $0x9800;
	v3 =	vperm.xlane v3, v2  }
0x24a: {  	[tilespmem:s12], [sflag:$0x1] =	stream.indirect_vreg.gather [hbm4b:s2+s3], $0x80, v4, vm0, $0xb8;
	[tilespmem:$0x18800] =	vst v63  }
0x24b: {  	s24 =	simm.s32 $0xA000;
	v3 =	vadd.s32 v1, v3  }
0x24c: {  	[tilespmem:s24], [sflag:$0x1] =	stream.indirect_vreg.gather [hbm4b:s5+s3], $0x80, v4, vm0, $0xb8;
	[tilespmem:$0x18800] =	vst v63  }
0x24d: {  	s25 =	simm.s32 $0xA800  }
0x24e: {  	[tilespmem:s25], [sflag:$0x1] =	stream.indirect_vreg.gather [hbm4b:s6+s3], $0x80, v4, vm0, $0xb8;
	[tilespmem:$0x18800] =	vst v63  }
0x24f: {  	s7 =	simm.s32 $0xB000  }
0x250: {  	[tilespmem:s7], [sflag:$0x1] =	stream.indirect_vreg.gather [hbm4b:s2+s3], $0x80, v3, vm0, $0xb8;
	[tilespmem:$0x18800] =	vst v63  }
0x251: {  	s13 =	simm.s32 $0xB800  }
0x252: {  	[tilespmem:s13], [sflag:$0x1] =	stream.indirect_vreg.gather [hbm4b:s5+s3], $0x80, v3, vm0, $0xb8;
	[tilespmem:$0x18800] =	vst v63  }
0x253: {  	s12 =	simm.s32 $0xC000  }
0x254: {  	[tilespmem:s12], [sflag:$0x1] =	stream.indirect_vreg.gather [hbm4b:s6+s3], $0x80, v3, vm0, $0xb8;
	[tilespmem:$0x18800] =	vst v63  }
0x255: {  	_ =	swait.ge [sflag:s10], $0xC000  }
0x256: {  	[sflag:s10] =	ssyncset.done $0x0  }
0x257: {  	s12 =	rddreg [dreg:$0x9];
	[sflag:s10] =	ssyncadd.s32 $0xFFFF4000  }
0x258: {  	[hbm4b:s12+s3] =	stream.linear.scatter [tilespmem:s4], [sflag:$0x4], $0xC000, $0x38;
	[tilespmem:$0x18800] =	vst v63  }
0x259: {  	_ =	swait.ge [sflag:s11], $0xC000  }
0x25a: {  	[sflag:s11] =	ssyncset.done $0x0  }
0x25b: {  	[sflag:s11] =	ssyncadd.s32 $0xFFFF4000  }
0x25c: {  	v3 =	vld [tilespmem:$0x380];
	_ =	sdelay $0x4  }
0x25d: {  	v28 =	vshrl.u32 v3, $0x3  }
0x25e: {  	v4 =	vmul.u32 $0x30, v28  }
0x25f: {  	v3 =	vand.u32 $0x7, v3  }
0x260: {  	v3 =	vor.u32 v3, v4  }
0x261: {  	v4 =	vperm.xlane v3, v0;
	_ =	sdelay $0x1  }
0x262: {  	v4 =	vadd.s32 v1, v4;
	_ =	sdelay $0x3  }
0x263: {  	v3 =	vperm.xlane v3, v2  }
0x264: {  	[tilespmem:s4], [sflag:$0x2] =	stream.indirect_vreg.gather [hbm4b:s2+s3], $0x80, v4, vm0, $0xb8;
	[tilespmem:$0x18800] =	vst v63  }
0x265: {  	s26 =	simm.s32 $0xD000;
	v3 =	vadd.s32 v1, v3  }
0x266: {  	[tilespmem:s26], [sflag:$0x2] =	stream.indirect_vreg.gather [hbm4b:s5+s3], $0x80, v4, vm0, $0xb8;
	[tilespmem:$0x18800] =	vst v63  }
0x267: {  	s28 =	simm.s32 $0xD800  }
0x268: {  	[tilespmem:s28], [sflag:$0x2] =	stream.indirect_vreg.gather [hbm4b:s6+s3], $0x80, v4, vm0, $0xb8;
	[tilespmem:$0x18800] =	vst v63  }
0x269: {  	s12 =	simm.s32 $0xE000  }
0x26a: {  	[tilespmem:s12], [sflag:$0x2] =	stream.indirect_vreg.gather [hbm4b:s2+s3], $0x80, v3, vm0, $0xb8;
	[tilespmem:$0x18800] =	vst v63  }
0x26b: {  	s12 =	simm.s32 $0xE800  }
0x26c: {  	[tilespmem:s12], [sflag:$0x2] =	stream.indirect_vreg.gather [hbm4b:s5+s3], $0x80, v3, vm0, $0xb8;
	[tilespmem:$0x18800] =	vst v63  }
0x26d: {  	s12 =	simm.s32 $0xF000  }
0x26e: {  	[tilespmem:s12], [sflag:$0x2] =	stream.indirect_vreg.gather [hbm4b:s6+s3], $0x80, v3, vm0, $0xb8;
	[tilespmem:$0x18800] =	vst v63  }
0x26f: {  	v3 =	vld [tilespmem:$0x390];
	_ =	sdelay $0x4  }
0x270: {  	v29 =	vshrl.u32 v3, $0x3  }
0x271: {  	v4 =	vmul.u32 $0x30, v29  }
0x272: {  	v3 =	vand.u32 $0x7, v3  }
0x273: {  	v3 =	vor.u32 v3, v4  }
0x274: {  	v4 =	vperm.xlane v3, v0;
	_ =	sdelay $0x1  }
0x275: {  	v4 =	vadd.s32 v1, v4;
	_ =	sdelay $0x3  }
0x276: {  	s12 =	simm.s32 $0xF800;
	v3 =	vperm.xlane v3, v2  }
0x277: {  	[tilespmem:s12], [sflag:$0x2] =	stream.indirect_vreg.gather [hbm4b:s2+s3], $0x80, v4, vm0, $0xb8;
	[tilespmem:$0x18800] =	vst v63  }
0x278: {  	s29 =	simm.s32 $0x10000;
	v3 =	vadd.s32 v1, v3  }
0x279: {  	[tilespmem:s29], [sflag:$0x2] =	stream.indirect_vreg.gather [hbm4b:s5+s3], $0x80, v4, vm0, $0xb8;
	[tilespmem:$0x18800] =	vst v63  }
0x27a: {  	s12 =	simm.s32 $0x10800  }
0x27b: {  	[tilespmem:s12], [sflag:$0x2] =	stream.indirect_vreg.gather [hbm4b:s6+s3], $0x80, v4, vm0, $0xb8;
	[tilespmem:$0x18800] =	vst v63  }
0x27c: {  	s12 =	simm.s32 $0x11000  }
0x27d: {  	[tilespmem:s12], [sflag:$0x2] =	stream.indirect_vreg.gather [hbm4b:s2+s3], $0x80, v3, vm0, $0xb8;
	[tilespmem:$0x18800] =	vst v63  }
0x27e: {  	s12 =	simm.s32 $0x11800  }
0x27f: {  	[tilespmem:s12], [sflag:$0x2] =	stream.indirect_vreg.gather [hbm4b:s5+s3], $0x80, v3, vm0, $0xb8;
	[tilespmem:$0x18800] =	vst v63  }
0x280: {  	s12 =	simm.s32 $0x12000  }
0x281: {  	[tilespmem:s12], [sflag:$0x2] =	stream.indirect_vreg.gather [hbm4b:s6+s3], $0x80, v3, vm0, $0xb8;
	[tilespmem:$0x18800] =	vst v63  }
0x282: {  	v3 =	vld [tilespmem:$0x3A0];
	_ =	sdelay $0x4  }
0x283: {  	v30 =	vshrl.u32 v3, $0x3  }
0x284: {  	v4 =	vmul.u32 $0x30, v30  }
0x285: {  	v3 =	vand.u32 $0x7, v3  }
0x286: {  	v3 =	vor.u32 v3, v4  }
0x287: {  	v4 =	vperm.xlane v3, v0;
	_ =	sdelay $0x1  }
0x288: {  	v4 =	vadd.s32 v1, v4;
	_ =	sdelay $0x3  }
0x289: {  	s12 =	simm.s32 $0x12800;
	v3 =	vperm.xlane v3, v2  }
0x28a: {  	[tilespmem:s12], [sflag:$0x2] =	stream.indirect_vreg.gather [hbm4b:s2+s3], $0x80, v4, vm0, $0xb8;
	[tilespmem:$0x18800] =	vst v63  }
0x28b: {  	s30 =	simm.s32 $0x13000;
	v3 =	vadd.s32 v1, v3  }
0x28c: {  	[tilespmem:s30], [sflag:$0x2] =	stream.indirect_vreg.gather [hbm4b:s5+s3], $0x80, v4, vm0, $0xb8;
	[tilespmem:$0x18800] =	vst v63  }
0x28d: {  	s31 =	simm.s32 $0x13800  }
0x28e: {  	[tilespmem:s31], [sflag:$0x2] =	stream.indirect_vreg.gather [hbm4b:s6+s3], $0x80, v4, vm0, $0xb8;
	[tilespmem:$0x18800] =	vst v63  }
0x28f: {  	s12 =	simm.s32 $0x14000  }
0x290: {  	[tilespmem:s12], [sflag:$0x2] =	stream.indirect_vreg.gather [hbm4b:s2+s3], $0x80, v3, vm0, $0xb8;
	[tilespmem:$0x18800] =	vst v63  }
0x291: {  	s12 =	simm.s32 $0x14800  }
0x292: {  	[tilespmem:s12], [sflag:$0x2] =	stream.indirect_vreg.gather [hbm4b:s5+s3], $0x80, v3, vm0, $0xb8;
	[tilespmem:$0x18800] =	vst v63  }
0x293: {  	s12 =	simm.s32 $0x15000  }
0x294: {  	[tilespmem:s12], [sflag:$0x2] =	stream.indirect_vreg.gather [hbm4b:s6+s3], $0x80, v3, vm0, $0xb8;
	[tilespmem:$0x18800] =	vst v63  }
0x295: {  	v3 =	vld [tilespmem:$0x3B0];
	_ =	sdelay $0x4  }
0x296: {  	v31 =	vshrl.u32 v3, $0x3  }
0x297: {  	v4 =	vmul.u32 $0x30, v31  }
0x298: {  	v3 =	vand.u32 $0x7, v3  }
0x299: {  	v3 =	vor.u32 v3, v4  }
0x29a: {  	v4 =	vperm.xlane v3, v0;
	_ =	sdelay $0x1  }
0x29b: {  	v4 =	vadd.s32 v1, v4;
	_ =	sdelay $0x3  }
0x29c: {  	s12 =	simm.s32 $0x15800;
	v3 =	vperm.xlane v3, v2  }
0x29d: {  	[tilespmem:s12], [sflag:$0x2] =	stream.indirect_vreg.gather [hbm4b:s2+s3], $0x80, v4, vm0, $0xb8;
	[tilespmem:$0x18800] =	vst v63  }
0x29e: {  	v3 =	vadd.s32 v1, v3;
	s12 =	simm.s32 $0x16000  }
0x29f: {  	[tilespmem:s12], [sflag:$0x2] =	stream.indirect_vreg.gather [hbm4b:s5+s3], $0x80, v4, vm0, $0xb8;
	[tilespmem:$0x18800] =	vst v63  }
0x2a0: {  	s12 =	simm.s32 $0x16800  }
0x2a1: {  	[tilespmem:s12], [sflag:$0x2] =	stream.indirect_vreg.gather [hbm4b:s6+s3], $0x80, v4, vm0, $0xb8;
	[tilespmem:$0x18800] =	vst v63  }
0x2a2: {  	s12 =	simm.s32 $0x17000  }
0x2a3: {  	[tilespmem:s12], [sflag:$0x2] =	stream.indirect_vreg.gather [hbm4b:s2+s3], $0x80, v3, vm0, $0xb8;
	[tilespmem:$0x18800] =	vst v63  }
0x2a4: {  	s12 =	simm.s32 $0x17800  }
0x2a5: {  	[tilespmem:s12], [sflag:$0x2] =	stream.indirect_vreg.gather [hbm4b:s5+s3], $0x80, v3, vm0, $0xb8;
	[tilespmem:$0x18800] =	vst v63  }
0x2a6: {  	s12 =	simm.s32 $0x18000  }
0x2a7: {  	[tilespmem:s12], [sflag:$0x2] =	stream.indirect_vreg.gather [hbm4b:s6+s3], $0x80, v3, vm0, $0xb8;
	[tilespmem:$0x18800] =	vst v63  }
0x2a8: {  	_ =	swait.ge [sflag:s0], $0xC000  }
0x2a9: {  	[sflag:s0] =	ssyncset.done $0x0  }
0x2aa: {  	s12 =	rddreg [dreg:$0xa];
	[sflag:s0] =	ssyncadd.s32 $0xFFFF4000  }
0x2ab: {  	[hbm4b:s12+s3] =	stream.linear.scatter [tilespmem:s14], [sflag:$0x3], $0xC000, $0x38;
	[tilespmem:$0x18800] =	vst v63  }
0x2ac: {  	_ =	swait.ge [sflag:s8], $0xC000  }
0x2ad: {  	[sflag:s8] =	ssyncset.done $0x0  }
0x2ae: {  	[sflag:s8] =	ssyncadd.s32 $0xFFFF4000  }
0x2af: {  	v3 =	vld [tilespmem:$0x400];
	_ =	sdelay $0x4  }
0x2b0: {  	v32 =	vshrl.u32 v3, $0x3  }
0x2b1: {  	v4 =	vmul.u32 $0x30, v32  }
0x2b2: {  	v3 =	vand.u32 $0x7, v3  }
0x2b3: {  	v3 =	vor.u32 v3, v4  }
0x2b4: {  	v4 =	vperm.xlane v3, v0;
	_ =	sdelay $0x1  }
0x2b5: {  	v4 =	vadd.s32 v1, v4;
	_ =	sdelay $0x3  }
0x2b6: {  	v3 =	vperm.xlane v3, v2  }
0x2b7: {  	[tilespmem:s14], [sflag:$0x1] =	stream.indirect_vreg.gather [hbm4b:s2+s3], $0x80, v4, vm0, $0xb8;
	[tilespmem:$0x18800] =	vst v63  }
0x2b8: {  	s12 =	simm.s32 $0x1000;
	v3 =	vadd.s32 v1, v3  }
0x2b9: {  	[tilespmem:s12], [sflag:$0x1] =	stream.indirect_vreg.gather [hbm4b:s5+s3], $0x80, v4, vm0, $0xb8;
	[tilespmem:$0x18800] =	vst v63  }
0x2ba: {  	s1 =	simm.s32 $0x1800  }
0x2bb: {  	[tilespmem:s1], [sflag:$0x1] =	stream.indirect_vreg.gather [hbm4b:s6+s3], $0x80, v4, vm0, $0xb8;
	[tilespmem:$0x18800] =	vst v63  }
0x2bc: {  	s15 =	simm.s32 $0x2000  }
0x2bd: {  	[tilespmem:s15], [sflag:$0x1] =	stream.indirect_vreg.gather [hbm4b:s2+s3], $0x80, v3, vm0, $0xb8;
	[tilespmem:$0x18800] =	vst v63  }
0x2be: {  	s9 =	simm.s32 $0x2800  }
0x2bf: {  	[tilespmem:s9], [sflag:$0x1] =	stream.indirect_vreg.gather [hbm4b:s5+s3], $0x80, v3, vm0, $0xb8;
	[tilespmem:$0x18800] =	vst v63  }
0x2c0: {  	s15 =	simm.s32 $0x3000  }
0x2c1: {  	[tilespmem:s15], [sflag:$0x1] =	stream.indirect_vreg.gather [hbm4b:s6+s3], $0x80, v3, vm0, $0xb8;
	[tilespmem:$0x18800] =	vst v63  }
0x2c2: {  	v3 =	vld [tilespmem:$0x410];
	_ =	sdelay $0x4  }
0x2c3: {  	v33 =	vshrl.u32 v3, $0x3  }
0x2c4: {  	v4 =	vmul.u32 $0x30, v33  }
0x2c5: {  	v3 =	vand.u32 $0x7, v3  }
0x2c6: {  	v3 =	vor.u32 v3, v4  }
0x2c7: {  	v4 =	vperm.xlane v3, v0;
	_ =	sdelay $0x1  }
0x2c8: {  	v4 =	vadd.s32 v1, v4;
	_ =	sdelay $0x3  }
0x2c9: {  	s15 =	simm.s32 $0x3800;
	v3 =	vperm.xlane v3, v2  }
0x2ca: {  	[tilespmem:s15], [sflag:$0x1] =	stream.indirect_vreg.gather [hbm4b:s2+s3], $0x80, v4, vm0, $0xb8;
	[tilespmem:$0x18800] =	vst v63  }
0x2cb: {  	s16 =	simm.s32 $0x4000;
	v3 =	vadd.s32 v1, v3  }
0x2cc: {  	[tilespmem:s16], [sflag:$0x1] =	stream.indirect_vreg.gather [hbm4b:s5+s3], $0x80, v4, vm0, $0xb8;
	[tilespmem:$0x18800] =	vst v63  }
0x2cd: {  	s17 =	simm.s32 $0x4800  }
0x2ce: {  	[tilespmem:s17], [sflag:$0x1] =	stream.indirect_vreg.gather [hbm4b:s6+s3], $0x80, v4, vm0, $0xb8;
	[tilespmem:$0x18800] =	vst v63  }
0x2cf: {  	s18 =	simm.s32 $0x5000  }
0x2d0: {  	[tilespmem:s18], [sflag:$0x1] =	stream.indirect_vreg.gather [hbm4b:s2+s3], $0x80, v3, vm0, $0xb8;
	[tilespmem:$0x18800] =	vst v63  }
0x2d1: {  	s19 =	simm.s32 $0x5800  }
0x2d2: {  	[tilespmem:s19], [sflag:$0x1] =	stream.indirect_vreg.gather [hbm4b:s5+s3], $0x80, v3, vm0, $0xb8;
	[tilespmem:$0x18800] =	vst v63  }
0x2d3: {  	s19 =	simm.s32 $0x6000  }
0x2d4: {  	[tilespmem:s19], [sflag:$0x1] =	stream.indirect_vreg.gather [hbm4b:s6+s3], $0x80, v3, vm0, $0xb8;
	[tilespmem:$0x18800] =	vst v63  }
0x2d5: {  	v3 =	vld [tilespmem:$0x420];
	_ =	sdelay $0x4  }
0x2d6: {  	v34 =	vshrl.u32 v3, $0x3  }
0x2d7: {  	v4 =	vmul.u32 $0x30, v34  }
0x2d8: {  	v3 =	vand.u32 $0x7, v3  }
0x2d9: {  	v3 =	vor.u32 v3, v4  }
0x2da: {  	v4 =	vperm.xlane v3, v0;
	_ =	sdelay $0x1  }
0x2db: {  	v4 =	vadd.s32 v1, v4;
	_ =	sdelay $0x3  }
0x2dc: {  	s19 =	simm.s32 $0x6800;
	v3 =	vperm.xlane v3, v2  }
0x2dd: {  	[tilespmem:s19], [sflag:$0x1] =	stream.indirect_vreg.gather [hbm4b:s2+s3], $0x80, v4, vm0, $0xb8;
	[tilespmem:$0x18800] =	vst v63  }
0x2de: {  	s20 =	simm.s32 $0x7000;
	v3 =	vadd.s32 v1, v3  }
0x2df: {  	[tilespmem:s20], [sflag:$0x1] =	stream.indirect_vreg.gather [hbm4b:s5+s3], $0x80, v4, vm0, $0xb8;
	[tilespmem:$0x18800] =	vst v63  }
0x2e0: {  	s21 =	simm.s32 $0x7800  }
0x2e1: {  	[tilespmem:s21], [sflag:$0x1] =	stream.indirect_vreg.gather [hbm4b:s6+s3], $0x80, v4, vm0, $0xb8;
	[tilespmem:$0x18800] =	vst v63  }
0x2e2: {  	s22 =	simm.s32 $0x8000  }
0x2e3: {  	[tilespmem:s22], [sflag:$0x1] =	stream.indirect_vreg.gather [hbm4b:s2+s3], $0x80, v3, vm0, $0xb8;
	[tilespmem:$0x18800] =	vst v63  }
0x2e4: {  	s23 =	simm.s32 $0x8800  }
0x2e5: {  	[tilespmem:s23], [sflag:$0x1] =	stream.indirect_vreg.gather [hbm4b:s5+s3], $0x80, v3, vm0, $0xb8;
	[tilespmem:$0x18800] =	vst v63  }
0x2e6: {  	s23 =	simm.s32 $0x9000  }
0x2e7: {  	[tilespmem:s23], [sflag:$0x1] =	stream.indirect_vreg.gather [hbm4b:s6+s3], $0x80, v3, vm0, $0xb8;
	[tilespmem:$0x18800] =	vst v63  }
0x2e8: {  	v3 =	vld [tilespmem:$0x430];
	_ =	sdelay $0x4  }
0x2e9: {  	v35 =	vshrl.u32 v3, $0x3  }
0x2ea: {  	v4 =	vmul.u32 $0x30, v35  }
0x2eb: {  	v3 =	vand.u32 $0x7, v3  }
0x2ec: {  	v3 =	vor.u32 v3, v4  }
0x2ed: {  	v4 =	vperm.xlane v3, v0;
	_ =	sdelay $0x1  }
0x2ee: {  	v4 =	vadd.s32 v1, v4;
	_ =	sdelay $0x3  }
0x2ef: {  	s23 =	simm.s32 $0x9800;
	v3 =	vperm.xlane v3, v2  }
0x2f0: {  	[tilespmem:s23], [sflag:$0x1] =	stream.indirect_vreg.gather [hbm4b:s2+s3], $0x80, v4, vm0, $0xb8;
	[tilespmem:$0x18800] =	vst v63  }
0x2f1: {  	s24 =	simm.s32 $0xA000;
	v3 =	vadd.s32 v1, v3  }
0x2f2: {  	[tilespmem:s24], [sflag:$0x1] =	stream.indirect_vreg.gather [hbm4b:s5+s3], $0x80, v4, vm0, $0xb8;
	[tilespmem:$0x18800] =	vst v63  }
0x2f3: {  	s25 =	simm.s32 $0xA800  }
0x2f4: {  	[tilespmem:s25], [sflag:$0x1] =	stream.indirect_vreg.gather [hbm4b:s6+s3], $0x80, v4, vm0, $0xb8;
	[tilespmem:$0x18800] =	vst v63  }
0x2f5: {  	s7 =	simm.s32 $0xB000  }
0x2f6: {  	[tilespmem:s7], [sflag:$0x1] =	stream.indirect_vreg.gather [hbm4b:s2+s3], $0x80, v3, vm0, $0xb8;
	[tilespmem:$0x18800] =	vst v63  }
0x2f7: {  	s13 =	simm.s32 $0xB800  }
0x2f8: {  	[tilespmem:s13], [sflag:$0x1] =	stream.indirect_vreg.gather [hbm4b:s5+s3], $0x80, v3, vm0, $0xb8;
	[tilespmem:$0x18800] =	vst v63  }
0x2f9: {  	s25 =	simm.s32 $0xC000  }
0x2fa: {  	[tilespmem:s25], [sflag:$0x1] =	stream.indirect_vreg.gather [hbm4b:s6+s3], $0x80, v3, vm0, $0xb8;
	[tilespmem:$0x18800] =	vst v63  }
0x2fb: {  	_ =	swait.ge [sflag:s10], $0xC000  }
0x2fc: {  	[sflag:s10] =	ssyncset.done $0x0  }
0x2fd: {  	s25 =	rddreg [dreg:$0xb];
	[sflag:s10] =	ssyncadd.s32 $0xFFFF4000  }
0x2fe: {  	[hbm4b:s25+s3] =	stream.linear.scatter [tilespmem:s4], [sflag:$0x4], $0xC000, $0x38;
	[tilespmem:$0x18800] =	vst v63  }
0x2ff: {  	_ =	swait.ge [sflag:s11], $0xC000  }
0x300: {  	[sflag:s11] =	ssyncset.done $0x0  }
0x301: {  	[sflag:s11] =	ssyncadd.s32 $0xFFFF4000  }
0x302: {  	v3 =	vld [tilespmem:$0x480];
	_ =	sdelay $0x4  }
0x303: {  	v36 =	vshrl.u32 v3, $0x3  }
0x304: {  	v4 =	vmul.u32 $0x30, v36  }
0x305: {  	v3 =	vand.u32 $0x7, v3  }
0x306: {  	v3 =	vor.u32 v3, v4  }
0x307: {  	v4 =	vperm.xlane v3, v0;
	_ =	sdelay $0x1  }
0x308: {  	v4 =	vadd.s32 v1, v4;
	_ =	sdelay $0x3  }
0x309: {  	v3 =	vperm.xlane v3, v2  }
0x30a: {  	[tilespmem:s4], [sflag:$0x2] =	stream.indirect_vreg.gather [hbm4b:s2+s3], $0x80, v4, vm0, $0xb8;
	[tilespmem:$0x18800] =	vst v63  }
0x30b: {  	s26 =	simm.s32 $0xD000;
	v3 =	vadd.s32 v1, v3  }
0x30c: {  	[tilespmem:s26], [sflag:$0x2] =	stream.indirect_vreg.gather [hbm4b:s5+s3], $0x80, v4, vm0, $0xb8;
	[tilespmem:$0x18800] =	vst v63  }
0x30d: {  	s28 =	simm.s32 $0xD800  }
0x30e: {  	[tilespmem:s28], [sflag:$0x2] =	stream.indirect_vreg.gather [hbm4b:s6+s3], $0x80, v4, vm0, $0xb8;
	[tilespmem:$0x18800] =	vst v63  }
0x30f: {  	s28 =	simm.s32 $0xE000  }
0x310: {  	[tilespmem:s28], [sflag:$0x2] =	stream.indirect_vreg.gather [hbm4b:s2+s3], $0x80, v3, vm0, $0xb8;
	[tilespmem:$0x18800] =	vst v63  }
0x311: {  	s12 =	simm.s32 $0xE800  }
0x312: {  	[tilespmem:s12], [sflag:$0x2] =	stream.indirect_vreg.gather [hbm4b:s5+s3], $0x80, v3, vm0, $0xb8;
	[tilespmem:$0x18800] =	vst v63  }
0x313: {  	s12 =	simm.s32 $0xF000  }
0x314: {  	[tilespmem:s12], [sflag:$0x2] =	stream.indirect_vreg.gather [hbm4b:s6+s3], $0x80, v3, vm0, $0xb8;
	[tilespmem:$0x18800] =	vst v63  }
0x315: {  	v3 =	vld [tilespmem:$0x490];
	_ =	sdelay $0x4  }
0x316: {  	v37 =	vshrl.u32 v3, $0x3  }
0x317: {  	v4 =	vmul.u32 $0x30, v37  }
0x318: {  	v3 =	vand.u32 $0x7, v3  }
0x319: {  	v3 =	vor.u32 v3, v4  }
0x31a: {  	v4 =	vperm.xlane v3, v0;
	_ =	sdelay $0x1  }
0x31b: {  	v4 =	vadd.s32 v1, v4;
	_ =	sdelay $0x3  }
0x31c: {  	s12 =	simm.s32 $0xF800;
	v3 =	vperm.xlane v3, v2  }
0x31d: {  	[tilespmem:s12], [sflag:$0x2] =	stream.indirect_vreg.gather [hbm4b:s2+s3], $0x80, v4, vm0, $0xb8;
	[tilespmem:$0x18800] =	vst v63  }
0x31e: {  	s29 =	simm.s32 $0x10000;
	v3 =	vadd.s32 v1, v3  }
0x31f: {  	[tilespmem:s29], [sflag:$0x2] =	stream.indirect_vreg.gather [hbm4b:s5+s3], $0x80, v4, vm0, $0xb8;
	[tilespmem:$0x18800] =	vst v63  }
0x320: {  	s12 =	simm.s32 $0x10800  }
0x321: {  	[tilespmem:s12], [sflag:$0x2] =	stream.indirect_vreg.gather [hbm4b:s6+s3], $0x80, v4, vm0, $0xb8;
	[tilespmem:$0x18800] =	vst v63  }
0x322: {  	s12 =	simm.s32 $0x11000  }
0x323: {  	[tilespmem:s12], [sflag:$0x2] =	stream.indirect_vreg.gather [hbm4b:s2+s3], $0x80, v3, vm0, $0xb8;
	[tilespmem:$0x18800] =	vst v63  }
0x324: {  	s12 =	simm.s32 $0x11800  }
0x325: {  	[tilespmem:s12], [sflag:$0x2] =	stream.indirect_vreg.gather [hbm4b:s5+s3], $0x80, v3, vm0, $0xb8;
	[tilespmem:$0x18800] =	vst v63  }
0x326: {  	s12 =	simm.s32 $0x12000  }
0x327: {  	[tilespmem:s12], [sflag:$0x2] =	stream.indirect_vreg.gather [hbm4b:s6+s3], $0x80, v3, vm0, $0xb8;
	[tilespmem:$0x18800] =	vst v63  }
0x328: {  	v3 =	vld [tilespmem:$0x4A0];
	_ =	sdelay $0x4  }
0x329: {  	v38 =	vshrl.u32 v3, $0x3  }
0x32a: {  	v4 =	vmul.u32 $0x30, v38  }
0x32b: {  	v3 =	vand.u32 $0x7, v3  }
0x32c: {  	v3 =	vor.u32 v3, v4  }
0x32d: {  	v4 =	vperm.xlane v3, v0;
	_ =	sdelay $0x1  }
0x32e: {  	v4 =	vadd.s32 v1, v4;
	_ =	sdelay $0x3  }
0x32f: {  	s12 =	simm.s32 $0x12800;
	v3 =	vperm.xlane v3, v2  }
0x330: {  	[tilespmem:s12], [sflag:$0x2] =	stream.indirect_vreg.gather [hbm4b:s2+s3], $0x80, v4, vm0, $0xb8;
	[tilespmem:$0x18800] =	vst v63  }
0x331: {  	s30 =	simm.s32 $0x13000;
	v3 =	vadd.s32 v1, v3  }
0x332: {  	[tilespmem:s30], [sflag:$0x2] =	stream.indirect_vreg.gather [hbm4b:s5+s3], $0x80, v4, vm0, $0xb8;
	[tilespmem:$0x18800] =	vst v63  }
0x333: {  	s31 =	simm.s32 $0x13800  }
0x334: {  	[tilespmem:s31], [sflag:$0x2] =	stream.indirect_vreg.gather [hbm4b:s6+s3], $0x80, v4, vm0, $0xb8;
	[tilespmem:$0x18800] =	vst v63  }
0x335: {  	s12 =	simm.s32 $0x14000  }
0x336: {  	[tilespmem:s12], [sflag:$0x2] =	stream.indirect_vreg.gather [hbm4b:s2+s3], $0x80, v3, vm0, $0xb8;
	[tilespmem:$0x18800] =	vst v63  }
0x337: {  	s12 =	simm.s32 $0x14800  }
0x338: {  	[tilespmem:s12], [sflag:$0x2] =	stream.indirect_vreg.gather [hbm4b:s5+s3], $0x80, v3, vm0, $0xb8;
	[tilespmem:$0x18800] =	vst v63  }
0x339: {  	s12 =	simm.s32 $0x15000  }
0x33a: {  	[tilespmem:s12], [sflag:$0x2] =	stream.indirect_vreg.gather [hbm4b:s6+s3], $0x80, v3, vm0, $0xb8;
	[tilespmem:$0x18800] =	vst v63  }
0x33b: {  	v3 =	vld [tilespmem:$0x4B0];
	_ =	sdelay $0x4  }
0x33c: {  	v39 =	vshrl.u32 v3, $0x3  }
0x33d: {  	v4 =	vmul.u32 $0x30, v39  }
0x33e: {  	v3 =	vand.u32 $0x7, v3  }
0x33f: {  	v3 =	vor.u32 v3, v4  }
0x340: {  	v4 =	vperm.xlane v3, v0;
	_ =	sdelay $0x1  }
0x341: {  	v4 =	vadd.s32 v1, v4;
	_ =	sdelay $0x3  }
0x342: {  	s12 =	simm.s32 $0x15800;
	v3 =	vperm.xlane v3, v2  }
0x343: {  	[tilespmem:s12], [sflag:$0x2] =	stream.indirect_vreg.gather [hbm4b:s2+s3], $0x80, v4, vm0, $0xb8;
	[tilespmem:$0x18800] =	vst v63  }
0x344: {  	v3 =	vadd.s32 v1, v3;
	s12 =	simm.s32 $0x16000  }
0x345: {  	[tilespmem:s12], [sflag:$0x2] =	stream.indirect_vreg.gather [hbm4b:s5+s3], $0x80, v4, vm0, $0xb8;
	[tilespmem:$0x18800] =	vst v63  }
0x346: {  	s12 =	simm.s32 $0x16800  }
0x347: {  	[tilespmem:s12], [sflag:$0x2] =	stream.indirect_vreg.gather [hbm4b:s6+s3], $0x80, v4, vm0, $0xb8;
	[tilespmem:$0x18800] =	vst v63  }
0x348: {  	s12 =	simm.s32 $0x17000  }
0x349: {  	[tilespmem:s12], [sflag:$0x2] =	stream.indirect_vreg.gather [hbm4b:s2+s3], $0x80, v3, vm0, $0xb8;
	[tilespmem:$0x18800] =	vst v63  }
0x34a: {  	s12 =	simm.s32 $0x17800  }
0x34b: {  	[tilespmem:s12], [sflag:$0x2] =	stream.indirect_vreg.gather [hbm4b:s5+s3], $0x80, v3, vm0, $0xb8;
	[tilespmem:$0x18800] =	vst v63  }
0x34c: {  	s12 =	simm.s32 $0x18000  }
0x34d: {  	[tilespmem:s12], [sflag:$0x2] =	stream.indirect_vreg.gather [hbm4b:s6+s3], $0x80, v3, vm0, $0xb8;
	[tilespmem:$0x18800] =	vst v63  }
0x34e: {  	_ =	swait.ge [sflag:s0], $0xC000  }
0x34f: {  	[sflag:s0] =	ssyncset.done $0x0  }
0x350: {  	s12 =	rddreg [dreg:$0xc];
	[sflag:s0] =	ssyncadd.s32 $0xFFFF4000  }
0x351: {  	[hbm4b:s12+s3] =	stream.linear.scatter [tilespmem:s14], [sflag:$0x3], $0xC000, $0x38;
	[tilespmem:$0x18800] =	vst v63  }
0x352: {  	_ =	swait.ge [sflag:s8], $0xC000  }
0x353: {  	[sflag:s8] =	ssyncset.done $0x0  }
0x354: {  	[sflag:s8] =	ssyncadd.s32 $0xFFFF4000  }
0x355: {  	v3 =	vld [tilespmem:$0x500];
	_ =	sdelay $0x4  }
0x356: {  	v40 =	vshrl.u32 v3, $0x3  }
0x357: {  	v4 =	vmul.u32 $0x30, v40  }
0x358: {  	v3 =	vand.u32 $0x7, v3  }
0x359: {  	v3 =	vor.u32 v3, v4  }
0x35a: {  	v4 =	vperm.xlane v3, v0;
	_ =	sdelay $0x1  }
0x35b: {  	v4 =	vadd.s32 v1, v4;
	_ =	sdelay $0x3  }
0x35c: {  	v3 =	vperm.xlane v3, v2  }
0x35d: {  	[tilespmem:s14], [sflag:$0x1] =	stream.indirect_vreg.gather [hbm4b:s2+s3], $0x80, v4, vm0, $0xb8;
	[tilespmem:$0x18800] =	vst v63  }
0x35e: {  	s12 =	simm.s32 $0x1000;
	v3 =	vadd.s32 v1, v3  }
0x35f: {  	[tilespmem:s12], [sflag:$0x1] =	stream.indirect_vreg.gather [hbm4b:s5+s3], $0x80, v4, vm0, $0xb8;
	[tilespmem:$0x18800] =	vst v63  }
0x360: {  	s1 =	simm.s32 $0x1800  }
0x361: {  	[tilespmem:s1], [sflag:$0x1] =	stream.indirect_vreg.gather [hbm4b:s6+s3], $0x80, v4, vm0, $0xb8;
	[tilespmem:$0x18800] =	vst v63  }
0x362: {  	s12 =	simm.s32 $0x2000  }
0x363: {  	[tilespmem:s12], [sflag:$0x1] =	stream.indirect_vreg.gather [hbm4b:s2+s3], $0x80, v3, vm0, $0xb8;
	[tilespmem:$0x18800] =	vst v63  }
0x364: {  	s9 =	simm.s32 $0x2800  }
0x365: {  	[tilespmem:s9], [sflag:$0x1] =	stream.indirect_vreg.gather [hbm4b:s5+s3], $0x80, v3, vm0, $0xb8;
	[tilespmem:$0x18800] =	vst v63  }
0x366: {  	s12 =	simm.s32 $0x3000  }
0x367: {  	[tilespmem:s12], [sflag:$0x1] =	stream.indirect_vreg.gather [hbm4b:s6+s3], $0x80, v3, vm0, $0xb8;
	[tilespmem:$0x18800] =	vst v63  }
0x368: {  	v3 =	vld [tilespmem:$0x510];
	_ =	sdelay $0x4  }
0x369: {  	v41 =	vshrl.u32 v3, $0x3  }
0x36a: {  	v4 =	vmul.u32 $0x30, v41  }
0x36b: {  	v3 =	vand.u32 $0x7, v3  }
0x36c: {  	v3 =	vor.u32 v3, v4  }
0x36d: {  	v4 =	vperm.xlane v3, v0;
	_ =	sdelay $0x1  }
0x36e: {  	v4 =	vadd.s32 v1, v4;
	_ =	sdelay $0x3  }
0x36f: {  	s12 =	simm.s32 $0x3800;
	v3 =	vperm.xlane v3, v2  }
0x370: {  	[tilespmem:s12], [sflag:$0x1] =	stream.indirect_vreg.gather [hbm4b:s2+s3], $0x80, v4, vm0, $0xb8;
	[tilespmem:$0x18800] =	vst v63  }
0x371: {  	s15 =	simm.s32 $0x4000;
	v3 =	vadd.s32 v1, v3  }
0x372: {  	[tilespmem:s15], [sflag:$0x1] =	stream.indirect_vreg.gather [hbm4b:s5+s3], $0x80, v4, vm0, $0xb8;
	[tilespmem:$0x18800] =	vst v63  }
0x373: {  	s16 =	simm.s32 $0x4800  }
0x374: {  	[tilespmem:s16], [sflag:$0x1] =	stream.indirect_vreg.gather [hbm4b:s6+s3], $0x80, v4, vm0, $0xb8;
	[tilespmem:$0x18800] =	vst v63  }
0x375: {  	s17 =	simm.s32 $0x5000  }
0x376: {  	[tilespmem:s17], [sflag:$0x1] =	stream.indirect_vreg.gather [hbm4b:s2+s3], $0x80, v3, vm0, $0xb8;
	[tilespmem:$0x18800] =	vst v63  }
0x377: {  	s18 =	simm.s32 $0x5800  }
0x378: {  	[tilespmem:s18], [sflag:$0x1] =	stream.indirect_vreg.gather [hbm4b:s5+s3], $0x80, v3, vm0, $0xb8;
	[tilespmem:$0x18800] =	vst v63  }
0x379: {  	s16 =	simm.s32 $0x6000  }
0x37a: {  	[tilespmem:s16], [sflag:$0x1] =	stream.indirect_vreg.gather [hbm4b:s6+s3], $0x80, v3, vm0, $0xb8;
	[tilespmem:$0x18800] =	vst v63  }
0x37b: {  	v3 =	vld [tilespmem:$0x520];
	_ =	sdelay $0x4  }
0x37c: {  	v42 =	vshrl.u32 v3, $0x3  }
0x37d: {  	v4 =	vmul.u32 $0x30, v42  }
0x37e: {  	v3 =	vand.u32 $0x7, v3  }
0x37f: {  	v3 =	vor.u32 v3, v4  }
0x380: {  	v4 =	vperm.xlane v3, v0;
	_ =	sdelay $0x1  }
0x381: {  	v4 =	vadd.s32 v1, v4;
	_ =	sdelay $0x3  }
0x382: {  	s12 =	simm.s32 $0x6800;
	v3 =	vperm.xlane v3, v2  }
0x383: {  	[tilespmem:s12], [sflag:$0x1] =	stream.indirect_vreg.gather [hbm4b:s2+s3], $0x80, v4, vm0, $0xb8;
	[tilespmem:$0x18800] =	vst v63  }
0x384: {  	s19 =	simm.s32 $0x7000;
	v3 =	vadd.s32 v1, v3  }
0x385: {  	[tilespmem:s19], [sflag:$0x1] =	stream.indirect_vreg.gather [hbm4b:s5+s3], $0x80, v4, vm0, $0xb8;
	[tilespmem:$0x18800] =	vst v63  }
0x386: {  	s20 =	simm.s32 $0x7800  }
0x387: {  	[tilespmem:s20], [sflag:$0x1] =	stream.indirect_vreg.gather [hbm4b:s6+s3], $0x80, v4, vm0, $0xb8;
	[tilespmem:$0x18800] =	vst v63  }
0x388: {  	s21 =	simm.s32 $0x8000  }
0x389: {  	[tilespmem:s21], [sflag:$0x1] =	stream.indirect_vreg.gather [hbm4b:s2+s3], $0x80, v3, vm0, $0xb8;
	[tilespmem:$0x18800] =	vst v63  }
0x38a: {  	s22 =	simm.s32 $0x8800  }
0x38b: {  	[tilespmem:s22], [sflag:$0x1] =	stream.indirect_vreg.gather [hbm4b:s5+s3], $0x80, v3, vm0, $0xb8;
	[tilespmem:$0x18800] =	vst v63  }
0x38c: {  	s16 =	simm.s32 $0x9000  }
0x38d: {  	[tilespmem:s16], [sflag:$0x1] =	stream.indirect_vreg.gather [hbm4b:s6+s3], $0x80, v3, vm0, $0xb8;
	[tilespmem:$0x18800] =	vst v63  }
0x38e: {  	v3 =	vld [tilespmem:$0x530];
	_ =	sdelay $0x4  }
0x38f: {  	v43 =	vshrl.u32 v3, $0x3  }
0x390: {  	v4 =	vmul.u32 $0x30, v43  }
0x391: {  	v3 =	vand.u32 $0x7, v3  }
0x392: {  	v3 =	vor.u32 v3, v4  }
0x393: {  	v4 =	vperm.xlane v3, v0;
	_ =	sdelay $0x1  }
0x394: {  	v4 =	vadd.s32 v1, v4;
	_ =	sdelay $0x3  }
0x395: {  	s12 =	simm.s32 $0x9800;
	v3 =	vperm.xlane v3, v2  }
0x396: {  	[tilespmem:s12], [sflag:$0x1] =	stream.indirect_vreg.gather [hbm4b:s2+s3], $0x80, v4, vm0, $0xb8;
	[tilespmem:$0x18800] =	vst v63  }
0x397: {  	s23 =	simm.s32 $0xA000;
	v3 =	vadd.s32 v1, v3  }
0x398: {  	[tilespmem:s23], [sflag:$0x1] =	stream.indirect_vreg.gather [hbm4b:s5+s3], $0x80, v4, vm0, $0xb8;
	[tilespmem:$0x18800] =	vst v63  }
0x399: {  	s24 =	simm.s32 $0xA800  }
0x39a: {  	[tilespmem:s24], [sflag:$0x1] =	stream.indirect_vreg.gather [hbm4b:s6+s3], $0x80, v4, vm0, $0xb8;
	[tilespmem:$0x18800] =	vst v63  }
0x39b: {  	s7 =	simm.s32 $0xB000  }
0x39c: {  	[tilespmem:s7], [sflag:$0x1] =	stream.indirect_vreg.gather [hbm4b:s2+s3], $0x80, v3, vm0, $0xb8;
	[tilespmem:$0x18800] =	vst v63  }
0x39d: {  	s13 =	simm.s32 $0xB800  }
0x39e: {  	[tilespmem:s13], [sflag:$0x1] =	stream.indirect_vreg.gather [hbm4b:s5+s3], $0x80, v3, vm0, $0xb8;
	[tilespmem:$0x18800] =	vst v63  }
0x39f: {  	s16 =	simm.s32 $0xC000  }
0x3a0: {  	[tilespmem:s16], [sflag:$0x1] =	stream.indirect_vreg.gather [hbm4b:s6+s3], $0x80, v3, vm0, $0xb8;
	[tilespmem:$0x18800] =	vst v63  }
0x3a1: {  	_ =	swait.ge [sflag:s10], $0xC000  }
0x3a2: {  	[sflag:s10] =	ssyncset.done $0x0  }
0x3a3: {  	s7 =	rddreg [dreg:$0xd];
	[sflag:s10] =	ssyncadd.s32 $0xFFFF4000  }
0x3a4: {  	[hbm4b:s7+s3] =	stream.linear.scatter [tilespmem:s4], [sflag:$0x4], $0xC000, $0x38;
	[tilespmem:$0x18800] =	vst v63  }
0x3a5: {  	_ =	swait.ge [sflag:s11], $0xC000  }
0x3a6: {  	[sflag:s11] =	ssyncset.done $0x0  }
0x3a7: {  	[sflag:s11] =	ssyncadd.s32 $0xFFFF4000  }
0x3a8: {  	v3 =	vld [tilespmem:$0x580];
	_ =	sdelay $0x4  }
0x3a9: {  	v44 =	vshrl.u32 v3, $0x3  }
0x3aa: {  	v4 =	vmul.u32 $0x30, v44  }
0x3ab: {  	v3 =	vand.u32 $0x7, v3  }
0x3ac: {  	v3 =	vor.u32 v3, v4  }
0x3ad: {  	v4 =	vperm.xlane v3, v0;
	_ =	sdelay $0x1  }
0x3ae: {  	v4 =	vadd.s32 v1, v4;
	_ =	sdelay $0x3  }
0x3af: {  	v3 =	vperm.xlane v3, v2  }
0x3b0: {  	[tilespmem:s4], [sflag:$0x2] =	stream.indirect_vreg.gather [hbm4b:s2+s3], $0x80, v4, vm0, $0xb8;
	[tilespmem:$0x18800] =	vst v63  }
0x3b1: {  	s25 =	simm.s32 $0xD000;
	v3 =	vadd.s32 v1, v3  }
0x3b2: {  	[tilespmem:s25], [sflag:$0x2] =	stream.indirect_vreg.gather [hbm4b:s5+s3], $0x80, v4, vm0, $0xb8;
	[tilespmem:$0x18800] =	vst v63  }
0x3b3: {  	s26 =	simm.s32 $0xD800  }
0x3b4: {  	[tilespmem:s26], [sflag:$0x2] =	stream.indirect_vreg.gather [hbm4b:s6+s3], $0x80, v4, vm0, $0xb8;
	[tilespmem:$0x18800] =	vst v63  }
0x3b5: {  	s28 =	simm.s32 $0xE000  }
0x3b6: {  	[tilespmem:s28], [sflag:$0x2] =	stream.indirect_vreg.gather [hbm4b:s2+s3], $0x80, v3, vm0, $0xb8;
	[tilespmem:$0x18800] =	vst v63  }
0x3b7: {  	s12 =	simm.s32 $0xE800  }
0x3b8: {  	[tilespmem:s12], [sflag:$0x2] =	stream.indirect_vreg.gather [hbm4b:s5+s3], $0x80, v3, vm0, $0xb8;
	[tilespmem:$0x18800] =	vst v63  }
0x3b9: {  	s13 =	simm.s32 $0xF000  }
0x3ba: {  	[tilespmem:s13], [sflag:$0x2] =	stream.indirect_vreg.gather [hbm4b:s6+s3], $0x80, v3, vm0, $0xb8;
	[tilespmem:$0x18800] =	vst v63  }
0x3bb: {  	v3 =	vld [tilespmem:$0x590];
	_ =	sdelay $0x4  }
0x3bc: {  	v45 =	vshrl.u32 v3, $0x3  }
0x3bd: {  	v4 =	vmul.u32 $0x30, v45  }
0x3be: {  	v3 =	vand.u32 $0x7, v3  }
0x3bf: {  	v3 =	vor.u32 v3, v4  }
0x3c0: {  	v4 =	vperm.xlane v3, v0;
	_ =	sdelay $0x1  }
0x3c1: {  	v4 =	vadd.s32 v1, v4;
	_ =	sdelay $0x3  }
0x3c2: {  	s16 =	simm.s32 $0xF800;
	v3 =	vperm.xlane v3, v2  }
0x3c3: {  	[tilespmem:s16], [sflag:$0x2] =	stream.indirect_vreg.gather [hbm4b:s2+s3], $0x80, v4, vm0, $0xb8;
	[tilespmem:$0x18800] =	vst v63  }
0x3c4: {  	s29 =	simm.s32 $0x10000;
	v3 =	vadd.s32 v1, v3  }
0x3c5: {  	[tilespmem:s29], [sflag:$0x2] =	stream.indirect_vreg.gather [hbm4b:s5+s3], $0x80, v4, vm0, $0xb8;
	[tilespmem:$0x18800] =	vst v63  }
0x3c6: {  	s25 =	simm.s32 $0x10800  }
0x3c7: {  	[tilespmem:s25], [sflag:$0x2] =	stream.indirect_vreg.gather [hbm4b:s6+s3], $0x80, v4, vm0, $0xb8;
	[tilespmem:$0x18800] =	vst v63  }
0x3c8: {  	s26 =	simm.s32 $0x11000  }
0x3c9: {  	[tilespmem:s26], [sflag:$0x2] =	stream.indirect_vreg.gather [hbm4b:s2+s3], $0x80, v3, vm0, $0xb8;
	[tilespmem:$0x18800] =	vst v63  }
0x3ca: {  	s28 =	simm.s32 $0x11800  }
0x3cb: {  	[tilespmem:s28], [sflag:$0x2] =	stream.indirect_vreg.gather [hbm4b:s5+s3], $0x80, v3, vm0, $0xb8;
	[tilespmem:$0x18800] =	vst v63  }
0x3cc: {  	s29 =	simm.s32 $0x12000  }
0x3cd: {  	[tilespmem:s29], [sflag:$0x2] =	stream.indirect_vreg.gather [hbm4b:s6+s3], $0x80, v3, vm0, $0xb8;
	[tilespmem:$0x18800] =	vst v63  }
0x3ce: {  	v3 =	vld [tilespmem:$0x5A0];
	_ =	sdelay $0x4  }
0x3cf: {  	v46 =	vshrl.u32 v3, $0x3  }
0x3d0: {  	v4 =	vmul.u32 $0x30, v46  }
0x3d1: {  	v3 =	vand.u32 $0x7, v3  }
0x3d2: {  	v3 =	vor.u32 v3, v4  }
0x3d3: {  	v4 =	vperm.xlane v3, v0;
	_ =	sdelay $0x1  }
0x3d4: {  	v4 =	vadd.s32 v1, v4;
	_ =	sdelay $0x3  }
0x3d5: {  	s7 =	simm.s32 $0x12800;
	v3 =	vperm.xlane v3, v2  }
0x3d6: {  	[tilespmem:s7], [sflag:$0x2] =	stream.indirect_vreg.gather [hbm4b:s2+s3], $0x80, v4, vm0, $0xb8;
	[tilespmem:$0x18800] =	vst v63  }
0x3d7: {  	s30 =	simm.s32 $0x13000;
	v3 =	vadd.s32 v1, v3  }
0x3d8: {  	[tilespmem:s30], [sflag:$0x2] =	stream.indirect_vreg.gather [hbm4b:s5+s3], $0x80, v4, vm0, $0xb8;
	[tilespmem:$0x18800] =	vst v63  }
0x3d9: {  	s31 =	simm.s32 $0x13800  }
0x3da: {  	[tilespmem:s31], [sflag:$0x2] =	stream.indirect_vreg.gather [hbm4b:s6+s3], $0x80, v4, vm0, $0xb8;
	[tilespmem:$0x18800] =	vst v63  }
0x3db: {  	s12 =	simm.s32 $0x14000  }
0x3dc: {  	[tilespmem:s12], [sflag:$0x2] =	stream.indirect_vreg.gather [hbm4b:s2+s3], $0x80, v3, vm0, $0xb8;
	[tilespmem:$0x18800] =	vst v63  }
0x3dd: {  	s13 =	simm.s32 $0x14800  }
0x3de: {  	[tilespmem:s13], [sflag:$0x2] =	stream.indirect_vreg.gather [hbm4b:s5+s3], $0x80, v3, vm0, $0xb8;
	[tilespmem:$0x18800] =	vst v63  }
0x3df: {  	s16 =	simm.s32 $0x15000  }
0x3e0: {  	[tilespmem:s16], [sflag:$0x2] =	stream.indirect_vreg.gather [hbm4b:s6+s3], $0x80, v3, vm0, $0xb8;
	[tilespmem:$0x18800] =	vst v63  }
0x3e1: {  	v3 =	vld [tilespmem:$0x5B0];
	_ =	sdelay $0x4  }
0x3e2: {  	v47 =	vshrl.u32 v3, $0x3  }
0x3e3: {  	v4 =	vmul.u32 $0x30, v47  }
0x3e4: {  	v3 =	vand.u32 $0x7, v3  }
0x3e5: {  	v3 =	vor.u32 v3, v4  }
0x3e6: {  	v4 =	vperm.xlane v3, v0;
	_ =	sdelay $0x1  }
0x3e7: {  	v4 =	vadd.s32 v1, v4;
	_ =	sdelay $0x3  }
0x3e8: {  	s25 =	simm.s32 $0x15800;
	v3 =	vperm.xlane v3, v2  }
0x3e9: {  	[tilespmem:s25], [sflag:$0x2] =	stream.indirect_vreg.gather [hbm4b:s2+s3], $0x80, v4, vm0, $0xb8;
	[tilespmem:$0x18800] =	vst v63  }
0x3ea: {  	s26 =	simm.s32 $0x16000;
	v3 =	vadd.s32 v1, v3  }
0x3eb: {  	[tilespmem:s26], [sflag:$0x2] =	stream.indirect_vreg.gather [hbm4b:s5+s3], $0x80, v4, vm0, $0xb8;
	[tilespmem:$0x18800] =	vst v63  }
0x3ec: {  	s28 =	simm.s32 $0x16800  }
0x3ed: {  	[tilespmem:s28], [sflag:$0x2] =	stream.indirect_vreg.gather [hbm4b:s6+s3], $0x80, v4, vm0, $0xb8;
	[tilespmem:$0x18800] =	vst v63  }
0x3ee: {  	s29 =	simm.s32 $0x17000  }
0x3ef: {  	[tilespmem:s29], [sflag:$0x2] =	stream.indirect_vreg.gather [hbm4b:s2+s3], $0x80, v3, vm0, $0xb8;
	[tilespmem:$0x18800] =	vst v63  }
0x3f0: {  	s30 =	simm.s32 $0x17800  }
0x3f1: {  	[tilespmem:s30], [sflag:$0x2] =	stream.indirect_vreg.gather [hbm4b:s5+s3], $0x80, v3, vm0, $0xb8;
	[tilespmem:$0x18800] =	vst v63  }
0x3f2: {  	s31 =	simm.s32 $0x18000  }
0x3f3: {  	[tilespmem:s31], [sflag:$0x2] =	stream.indirect_vreg.gather [hbm4b:s6+s3], $0x80, v3, vm0, $0xb8;
	[tilespmem:$0x18800] =	vst v63  }
0x3f4: {  	_ =	swait.ge [sflag:s0], $0xC000  }
0x3f5: {  	[sflag:s0] =	ssyncset.done $0x0  }
0x3f6: {  	s7 =	rddreg [dreg:$0xe];
	[sflag:s0] =	ssyncadd.s32 $0xFFFF4000  }
0x3f7: {  	[hbm4b:s7+s3] =	stream.linear.scatter [tilespmem:s14], [sflag:$0x3], $0xC000, $0x38;
	[tilespmem:$0x18800] =	vst v63  }
0x3f8: {  	_ =	swait.ge [sflag:s8], $0xC000  }
0x3f9: {  	[sflag:s8] =	ssyncset.done $0x0  }
0x3fa: {  	[sflag:s8] =	ssyncadd.s32 $0xFFFF4000  }
0x3fb: {  	v3 =	vld [tilespmem:$0x600];
	_ =	sdelay $0x4  }
0x3fc: {  	v48 =	vshrl.u32 v3, $0x3  }
0x3fd: {  	v4 =	vmul.u32 $0x30, v48  }
0x3fe: {  	v3 =	vand.u32 $0x7, v3  }
0x3ff: {  	v3 =	vor.u32 v3, v4  }
0x400: {  	v4 =	vperm.xlane v3, v0;
	_ =	sdelay $0x1  }
0x401: {  	v4 =	vadd.s32 v1, v4;
	_ =	sdelay $0x3  }
0x402: {  	v3 =	vperm.xlane v3, v2  }
0x403: {  	[tilespmem:s14], [sflag:$0x1] =	stream.indirect_vreg.gather [hbm4b:s2+s3], $0x80, v4, vm0, $0xb8;
	[tilespmem:$0x18800] =	vst v63  }
0x404: {  	s13 =	simm.s32 $0x1000;
	v3 =	vadd.s32 v1, v3  }
0x405: {  	[tilespmem:s13], [sflag:$0x1] =	stream.indirect_vreg.gather [hbm4b:s5+s3], $0x80, v4, vm0, $0xb8;
	[tilespmem:$0x18800] =	vst v63  }
0x406: {  	s16 =	simm.s32 $0x1800  }
0x407: {  	[tilespmem:s16], [sflag:$0x1] =	stream.indirect_vreg.gather [hbm4b:s6+s3], $0x80, v4, vm0, $0xb8;
	[tilespmem:$0x18800] =	vst v63  }
0x408: {  	s25 =	simm.s32 $0x2000  }
0x409: {  	[tilespmem:s25], [sflag:$0x1] =	stream.indirect_vreg.gather [hbm4b:s2+s3], $0x80, v3, vm0, $0xb8;
	[tilespmem:$0x18800] =	vst v63  }
0x40a: {  	s9 =	simm.s32 $0x2800  }
0x40b: {  	[tilespmem:s9], [sflag:$0x1] =	stream.indirect_vreg.gather [hbm4b:s5+s3], $0x80, v3, vm0, $0xb8;
	[tilespmem:$0x18800] =	vst v63  }
0x40c: {  	s26 =	simm.s32 $0x3000  }
0x40d: {  	[tilespmem:s26], [sflag:$0x1] =	stream.indirect_vreg.gather [hbm4b:s6+s3], $0x80, v3, vm0, $0xb8;
	[tilespmem:$0x18800] =	vst v63  }
0x40e: {  	v3 =	vld [tilespmem:$0x610];
	_ =	sdelay $0x4  }
0x40f: {  	v49 =	vshrl.u32 v3, $0x3  }
0x410: {  	v4 =	vmul.u32 $0x30, v49  }
0x411: {  	v3 =	vand.u32 $0x7, v3  }
0x412: {  	v3 =	vor.u32 v3, v4  }
0x413: {  	v4 =	vperm.xlane v3, v0;
	_ =	sdelay $0x1  }
0x414: {  	v4 =	vadd.s32 v1, v4;
	_ =	sdelay $0x3  }
0x415: {  	s28 =	simm.s32 $0x3800;
	v3 =	vperm.xlane v3, v2  }
0x416: {  	[tilespmem:s28], [sflag:$0x1] =	stream.indirect_vreg.gather [hbm4b:s2+s3], $0x80, v4, vm0, $0xb8;
	[tilespmem:$0x18800] =	vst v63  }
0x417: {  	s15 =	simm.s32 $0x4000;
	v3 =	vadd.s32 v1, v3  }
0x418: {  	[tilespmem:s15], [sflag:$0x1] =	stream.indirect_vreg.gather [hbm4b:s5+s3], $0x80, v4, vm0, $0xb8;
	[tilespmem:$0x18800] =	vst v63  }
0x419: {  	s29 =	simm.s32 $0x4800  }
0x41a: {  	[tilespmem:s29], [sflag:$0x1] =	stream.indirect_vreg.gather [hbm4b:s6+s3], $0x80, v4, vm0, $0xb8;
	[tilespmem:$0x18800] =	vst v63  }
0x41b: {  	s17 =	simm.s32 $0x5000  }
0x41c: {  	[tilespmem:s17], [sflag:$0x1] =	stream.indirect_vreg.gather [hbm4b:s2+s3], $0x80, v3, vm0, $0xb8;
	[tilespmem:$0x18800] =	vst v63  }
0x41d: {  	s18 =	simm.s32 $0x5800  }
0x41e: {  	[tilespmem:s18], [sflag:$0x1] =	stream.indirect_vreg.gather [hbm4b:s5+s3], $0x80, v3, vm0, $0xb8;
	[tilespmem:$0x18800] =	vst v63  }
0x41f: {  	s30 =	simm.s32 $0x6000  }
0x420: {  	[tilespmem:s30], [sflag:$0x1] =	stream.indirect_vreg.gather [hbm4b:s6+s3], $0x80, v3, vm0, $0xb8;
	[tilespmem:$0x18800] =	vst v63  }
0x421: {  	v3 =	vld [tilespmem:$0x620];
	_ =	sdelay $0x4  }
0x422: {  	v50 =	vshrl.u32 v3, $0x3  }
0x423: {  	v4 =	vmul.u32 $0x30, v50  }
0x424: {  	v3 =	vand.u32 $0x7, v3  }
0x425: {  	v3 =	vor.u32 v3, v4  }
0x426: {  	v4 =	vperm.xlane v3, v0;
	_ =	sdelay $0x1  }
0x427: {  	v4 =	vadd.s32 v1, v4;
	_ =	sdelay $0x3  }
0x428: {  	s31 =	simm.s32 $0x6800;
	v3 =	vperm.xlane v3, v2  }
0x429: {  	[tilespmem:s31], [sflag:$0x1] =	stream.indirect_vreg.gather [hbm4b:s2+s3], $0x80, v4, vm0, $0xb8;
	[tilespmem:$0x18800] =	vst v63  }
0x42a: {  	s19 =	simm.s32 $0x7000;
	v3 =	vadd.s32 v1, v3  }
0x42b: {  	[tilespmem:s19], [sflag:$0x1] =	stream.indirect_vreg.gather [hbm4b:s5+s3], $0x80, v4, vm0, $0xb8;
	[tilespmem:$0x18800] =	vst v63  }
0x42c: {  	s20 =	simm.s32 $0x7800  }
0x42d: {  	[tilespmem:s20], [sflag:$0x1] =	stream.indirect_vreg.gather [hbm4b:s6+s3], $0x80, v4, vm0, $0xb8;
	[tilespmem:$0x18800] =	vst v63  }
0x42e: {  	s21 =	simm.s32 $0x8000  }
0x42f: {  	[tilespmem:s21], [sflag:$0x1] =	stream.indirect_vreg.gather [hbm4b:s2+s3], $0x80, v3, vm0, $0xb8;
	[tilespmem:$0x18800] =	vst v63  }
0x430: {  	s22 =	simm.s32 $0x8800  }
0x431: {  	[tilespmem:s22], [sflag:$0x1] =	stream.indirect_vreg.gather [hbm4b:s5+s3], $0x80, v3, vm0, $0xb8;
	[tilespmem:$0x18800] =	vst v63  }
0x432: {  	s25 =	simm.s32 $0x9000  }
0x433: {  	[tilespmem:s25], [sflag:$0x1] =	stream.indirect_vreg.gather [hbm4b:s6+s3], $0x80, v3, vm0, $0xb8;
	[tilespmem:$0x18800] =	vst v63  }
0x434: {  	v3 =	vld [tilespmem:$0x630];
	_ =	sdelay $0x4  }
0x435: {  	v51 =	vshrl.u32 v3, $0x3  }
0x436: {  	v4 =	vmul.u32 $0x30, v51  }
0x437: {  	v3 =	vand.u32 $0x7, v3  }
0x438: {  	v3 =	vor.u32 v3, v4  }
0x439: {  	v4 =	vperm.xlane v3, v0;
	_ =	sdelay $0x1  }
0x43a: {  	v4 =	vadd.s32 v1, v4;
	_ =	sdelay $0x3  }
0x43b: {  	s26 =	simm.s32 $0x9800;
	v3 =	vperm.xlane v3, v2  }
0x43c: {  	[tilespmem:s26], [sflag:$0x1] =	stream.indirect_vreg.gather [hbm4b:s2+s3], $0x80, v4, vm0, $0xb8;
	[tilespmem:$0x18800] =	vst v63  }
0x43d: {  	s23 =	simm.s32 $0xA000;
	v3 =	vadd.s32 v1, v3  }
0x43e: {  	[tilespmem:s23], [sflag:$0x1] =	stream.indirect_vreg.gather [hbm4b:s5+s3], $0x80, v4, vm0, $0xb8;
	[tilespmem:$0x18800] =	vst v63  }
0x43f: {  	s24 =	simm.s32 $0xA800  }
0x440: {  	[tilespmem:s24], [sflag:$0x1] =	stream.indirect_vreg.gather [hbm4b:s6+s3], $0x80, v4, vm0, $0xb8;
	[tilespmem:$0x18800] =	vst v63  }
0x441: {  	s28 =	simm.s32 $0xB000  }
0x442: {  	[tilespmem:s28], [sflag:$0x1] =	stream.indirect_vreg.gather [hbm4b:s2+s3], $0x80, v3, vm0, $0xb8;
	[tilespmem:$0x18800] =	vst v63  }
0x443: {  	s29 =	simm.s32 $0xB800  }
0x444: {  	[tilespmem:s29], [sflag:$0x1] =	stream.indirect_vreg.gather [hbm4b:s5+s3], $0x80, v3, vm0, $0xb8;
	[tilespmem:$0x18800] =	vst v63  }
0x445: {  	s30 =	simm.s32 $0xC000  }
0x446: {  	[tilespmem:s30], [sflag:$0x1] =	stream.indirect_vreg.gather [hbm4b:s6+s3], $0x80, v3, vm0, $0xb8;
	[tilespmem:$0x18800] =	vst v63  }
0x447: {  	_ =	swait.ge [sflag:s10], $0xC000  }
0x448: {  	[sflag:s10] =	ssyncset.done $0x0  }
0x449: {  	s31 =	rddreg [dreg:$0xf];
	[sflag:s10] =	ssyncadd.s32 $0xFFFF4000  }
0x44a: {  	[hbm4b:s31+s3] =	stream.linear.scatter [tilespmem:s4], [sflag:$0x4], $0xC000, $0x38;
	[tilespmem:$0x18800] =	vst v63  }
0x44b: {  	_ =	swait.ge [sflag:s11], $0xC000  }
0x44c: {  	[sflag:s11] =	ssyncset.done $0x0  }
0x44d: {  	[sflag:s11] =	ssyncadd.s32 $0xFFFF4000  }
0x44e: {  	v3 =	vld [tilespmem:$0x680];
	_ =	sdelay $0x4  }
0x44f: {  	v52 =	vshrl.u32 v3, $0x3  }
0x450: {  	v4 =	vmul.u32 $0x30, v52  }
0x451: {  	v3 =	vand.u32 $0x7, v3  }
0x452: {  	v3 =	vor.u32 v3, v4  }
0x453: {  	v4 =	vperm.xlane v3, v0;
	_ =	sdelay $0x1  }
0x454: {  	v4 =	vadd.s32 v1, v4;
	_ =	sdelay $0x3  }
0x455: {  	v3 =	vperm.xlane v3, v2  }
0x456: {  	[tilespmem:s4], [sflag:$0x2] =	stream.indirect_vreg.gather [hbm4b:s2+s3], $0x80, v4, vm0, $0xb8;
	[tilespmem:$0x18800] =	vst v63  }
0x457: {  	s28 =	simm.s32 $0xD000;
	v3 =	vadd.s32 v1, v3  }
0x458: {  	[tilespmem:s28], [sflag:$0x2] =	stream.indirect_vreg.gather [hbm4b:s5+s3], $0x80, v4, vm0, $0xb8;
	[tilespmem:$0x18800] =	vst v63  }
0x459: {  	s29 =	simm.s32 $0xD800  }
0x45a: {  	[tilespmem:s29], [sflag:$0x2] =	stream.indirect_vreg.gather [hbm4b:s6+s3], $0x80, v4, vm0, $0xb8;
	[tilespmem:$0x18800] =	vst v63  }
0x45b: {  	s30 =	simm.s32 $0xE000  }
0x45c: {  	[tilespmem:s30], [sflag:$0x2] =	stream.indirect_vreg.gather [hbm4b:s2+s3], $0x80, v3, vm0, $0xb8;
	[tilespmem:$0x18800] =	vst v63  }
0x45d: {  	s31 =	simm.s32 $0xE800  }
0x45e: {  	[tilespmem:s31], [sflag:$0x2] =	stream.indirect_vreg.gather [hbm4b:s5+s3], $0x80, v3, vm0, $0xb8;
	[tilespmem:$0x18800] =	vst v63  }
0x45f: {  	s12 =	simm.s32 $0xF000  }
0x460: {  	[tilespmem:s12], [sflag:$0x2] =	stream.indirect_vreg.gather [hbm4b:s6+s3], $0x80, v3, vm0, $0xb8;
	[tilespmem:$0x18800] =	vst v63  }
0x461: {  	v3 =	vld [tilespmem:$0x690];
	_ =	sdelay $0x4  }
0x462: {  	v53 =	vshrl.u32 v3, $0x3  }
0x463: {  	v4 =	vmul.u32 $0x30, v53  }
0x464: {  	v3 =	vand.u32 $0x7, v3  }
0x465: {  	v3 =	vor.u32 v3, v4  }
0x466: {  	v4 =	vperm.xlane v3, v0;
	_ =	sdelay $0x1  }
0x467: {  	v4 =	vadd.s32 v1, v4;
	_ =	sdelay $0x3  }
0x468: {  	s12 =	simm.s32 $0xF800;
	v3 =	vperm.xlane v3, v2  }
0x469: {  	[tilespmem:s12], [sflag:$0x2] =	stream.indirect_vreg.gather [hbm4b:s2+s3], $0x80, v4, vm0, $0xb8;
	[tilespmem:$0x18800] =	vst v63  }
0x46a: {  	v3 =	vadd.s32 v1, v3;
	s12 =	simm.s32 $0x10000  }
0x46b: {  	[tilespmem:s12], [sflag:$0x2] =	stream.indirect_vreg.gather [hbm4b:s5+s3], $0x80, v4, vm0, $0xb8;
	[tilespmem:$0x18800] =	vst v63  }
0x46c: {  	s12 =	simm.s32 $0x10800  }
0x46d: {  	[tilespmem:s12], [sflag:$0x2] =	stream.indirect_vreg.gather [hbm4b:s6+s3], $0x80, v4, vm0, $0xb8;
	[tilespmem:$0x18800] =	vst v63  }
0x46e: {  	s12 =	simm.s32 $0x11000  }
0x46f: {  	[tilespmem:s12], [sflag:$0x2] =	stream.indirect_vreg.gather [hbm4b:s2+s3], $0x80, v3, vm0, $0xb8;
	[tilespmem:$0x18800] =	vst v63  }
0x470: {  	s12 =	simm.s32 $0x11800  }
0x471: {  	[tilespmem:s12], [sflag:$0x2] =	stream.indirect_vreg.gather [hbm4b:s5+s3], $0x80, v3, vm0, $0xb8;
	[tilespmem:$0x18800] =	vst v63  }
0x472: {  	s12 =	simm.s32 $0x12000  }
0x473: {  	[tilespmem:s12], [sflag:$0x2] =	stream.indirect_vreg.gather [hbm4b:s6+s3], $0x80, v3, vm0, $0xb8;
	[tilespmem:$0x18800] =	vst v63  }
0x474: {  	v3 =	vld [tilespmem:$0x6A0];
	_ =	sdelay $0x4  }
0x475: {  	v54 =	vshrl.u32 v3, $0x3  }
0x476: {  	v4 =	vmul.u32 $0x30, v54  }
0x477: {  	v3 =	vand.u32 $0x7, v3  }
0x478: {  	v3 =	vor.u32 v3, v4  }
0x479: {  	v4 =	vperm.xlane v3, v0;
	_ =	sdelay $0x1  }
0x47a: {  	v4 =	vadd.s32 v1, v4;
	_ =	sdelay $0x3  }
0x47b: {  	s12 =	simm.s32 $0x12800;
	v3 =	vperm.xlane v3, v2  }
0x47c: {  	[tilespmem:s12], [sflag:$0x2] =	stream.indirect_vreg.gather [hbm4b:s2+s3], $0x80, v4, vm0, $0xb8;
	[tilespmem:$0x18800] =	vst v63  }
0x47d: {  	v3 =	vadd.s32 v1, v3;
	s12 =	simm.s32 $0x13000  }
0x47e: {  	[tilespmem:s12], [sflag:$0x2] =	stream.indirect_vreg.gather [hbm4b:s5+s3], $0x80, v4, vm0, $0xb8;
	[tilespmem:$0x18800] =	vst v63  }
0x47f: {  	s12 =	simm.s32 $0x13800  }
0x480: {  	[tilespmem:s12], [sflag:$0x2] =	stream.indirect_vreg.gather [hbm4b:s6+s3], $0x80, v4, vm0, $0xb8;
	[tilespmem:$0x18800] =	vst v63  }
0x481: {  	s12 =	simm.s32 $0x14000  }
0x482: {  	[tilespmem:s12], [sflag:$0x2] =	stream.indirect_vreg.gather [hbm4b:s2+s3], $0x80, v3, vm0, $0xb8;
	[tilespmem:$0x18800] =	vst v63  }
0x483: {  	s12 =	simm.s32 $0x14800  }
0x484: {  	[tilespmem:s12], [sflag:$0x2] =	stream.indirect_vreg.gather [hbm4b:s5+s3], $0x80, v3, vm0, $0xb8;
	[tilespmem:$0x18800] =	vst v63  }
0x485: {  	s12 =	simm.s32 $0x15000  }
0x486: {  	[tilespmem:s12], [sflag:$0x2] =	stream.indirect_vreg.gather [hbm4b:s6+s3], $0x80, v3, vm0, $0xb8;
	[tilespmem:$0x18800] =	vst v63  }
0x487: {  	v3 =	vld [tilespmem:$0x6B0];
	_ =	sdelay $0x4  }
0x488: {  	v55 =	vshrl.u32 v3, $0x3  }
0x489: {  	v4 =	vmul.u32 $0x30, v55  }
0x48a: {  	v3 =	vand.u32 $0x7, v3  }
0x48b: {  	v3 =	vor.u32 v3, v4  }
0x48c: {  	v4 =	vperm.xlane v3, v0;
	_ =	sdelay $0x1  }
0x48d: {  	v4 =	vadd.s32 v1, v4;
	_ =	sdelay $0x3  }
0x48e: {  	s12 =	simm.s32 $0x15800;
	v3 =	vperm.xlane v3, v2  }
0x48f: {  	[tilespmem:s12], [sflag:$0x2] =	stream.indirect_vreg.gather [hbm4b:s2+s3], $0x80, v4, vm0, $0xb8;
	[tilespmem:$0x18800] =	vst v63  }
0x490: {  	v3 =	vadd.s32 v1, v3;
	s12 =	simm.s32 $0x16000  }
0x491: {  	[tilespmem:s12], [sflag:$0x2] =	stream.indirect_vreg.gather [hbm4b:s5+s3], $0x80, v4, vm0, $0xb8;
	[tilespmem:$0x18800] =	vst v63  }
0x492: {  	s12 =	simm.s32 $0x16800  }
0x493: {  	[tilespmem:s12], [sflag:$0x2] =	stream.indirect_vreg.gather [hbm4b:s6+s3], $0x80, v4, vm0, $0xb8;
	[tilespmem:$0x18800] =	vst v63  }
0x494: {  	s12 =	simm.s32 $0x17000  }
0x495: {  	[tilespmem:s12], [sflag:$0x2] =	stream.indirect_vreg.gather [hbm4b:s2+s3], $0x80, v3, vm0, $0xb8;
	[tilespmem:$0x18800] =	vst v63  }
0x496: {  	s12 =	simm.s32 $0x17800  }
0x497: {  	[tilespmem:s12], [sflag:$0x2] =	stream.indirect_vreg.gather [hbm4b:s5+s3], $0x80, v3, vm0, $0xb8;
	[tilespmem:$0x18800] =	vst v63  }
0x498: {  	s12 =	simm.s32 $0x18000  }
0x499: {  	[tilespmem:s12], [sflag:$0x2] =	stream.indirect_vreg.gather [hbm4b:s6+s3], $0x80, v3, vm0, $0xb8;
	[tilespmem:$0x18800] =	vst v63  }
0x49a: {  	_ =	swait.ge [sflag:s0], $0xC000  }
0x49b: {  	[sflag:s0] =	ssyncset.done $0x0  }
0x49c: {  	s12 =	rddreg [dreg:$0x10];
	[sflag:s0] =	ssyncadd.s32 $0xFFFF4000  }
0x49d: {  	[hbm4b:s12+s3] =	stream.linear.scatter [tilespmem:s14], [sflag:$0x3], $0xC000, $0x38;
	[tilespmem:$0x18800] =	vst v63  }
0x49e: {  	_ =	swait.ge [sflag:s8], $0xC000  }
0x49f: {  	[sflag:s8] =	ssyncset.done $0x0  }
0x4a0: {  	[sflag:s8] =	ssyncadd.s32 $0xFFFF4000  }
0x4a1: {  	v3 =	vld [tilespmem:$0x700];
	_ =	sdelay $0x4  }
0x4a2: {  	v56 =	vshrl.u32 v3, $0x3  }
0x4a3: {  	v4 =	vmul.u32 $0x30, v56  }
0x4a4: {  	v3 =	vand.u32 $0x7, v3  }
0x4a5: {  	v3 =	vor.u32 v3, v4  }
0x4a6: {  	v4 =	vperm.xlane v3, v0;
	_ =	sdelay $0x1  }
0x4a7: {  	v4 =	vadd.s32 v1, v4;
	_ =	sdelay $0x3  }
0x4a8: {  	v3 =	vperm.xlane v3, v2  }
0x4a9: {  	[tilespmem:s14], [sflag:$0x1] =	stream.indirect_vreg.gather [hbm4b:s2+s3], $0x80, v4, vm0, $0xb8;
	[tilespmem:$0x18800] =	vst v63  }
0x4aa: {  	s1 =	simm.s32 $0x1000;
	v3 =	vadd.s32 v1, v3  }
0x4ab: {  	[tilespmem:s1], [sflag:$0x1] =	stream.indirect_vreg.gather [hbm4b:s5+s3], $0x80, v4, vm0, $0xb8;
	[tilespmem:$0x18800] =	vst v63  }
0x4ac: {  	s7 =	simm.s32 $0x1800  }
0x4ad: {  	[tilespmem:s7], [sflag:$0x1] =	stream.indirect_vreg.gather [hbm4b:s6+s3], $0x80, v4, vm0, $0xb8;
	[tilespmem:$0x18800] =	vst v63  }
0x4ae: {  	s16 =	simm.s32 $0x2000  }
0x4af: {  	[tilespmem:s16], [sflag:$0x1] =	stream.indirect_vreg.gather [hbm4b:s2+s3], $0x80, v3, vm0, $0xb8;
	[tilespmem:$0x18800] =	vst v63  }
0x4b0: {  	s9 =	simm.s32 $0x2800  }
0x4b1: {  	[tilespmem:s9], [sflag:$0x1] =	stream.indirect_vreg.gather [hbm4b:s5+s3], $0x80, v3, vm0, $0xb8;
	[tilespmem:$0x18800] =	vst v63  }
0x4b2: {  	s12 =	simm.s32 $0x3000  }
0x4b3: {  	[tilespmem:s12], [sflag:$0x1] =	stream.indirect_vreg.gather [hbm4b:s6+s3], $0x80, v3, vm0, $0xb8;
	[tilespmem:$0x18800] =	vst v63  }
0x4b4: {  	v3 =	vld [tilespmem:$0x710];
	_ =	sdelay $0x4  }
0x4b5: {  	v57 =	vshrl.u32 v3, $0x3  }
0x4b6: {  	v4 =	vmul.u32 $0x30, v57  }
0x4b7: {  	v3 =	vand.u32 $0x7, v3  }
0x4b8: {  	v3 =	vor.u32 v3, v4  }
0x4b9: {  	v4 =	vperm.xlane v3, v0;
	_ =	sdelay $0x1  }
0x4ba: {  	v4 =	vadd.s32 v1, v4;
	_ =	sdelay $0x3  }
0x4bb: {  	s16 =	simm.s32 $0x3800;
	v3 =	vperm.xlane v3, v2  }
0x4bc: {  	[tilespmem:s16], [sflag:$0x1] =	stream.indirect_vreg.gather [hbm4b:s2+s3], $0x80, v4, vm0, $0xb8;
	[tilespmem:$0x18800] =	vst v63  }
0x4bd: {  	s13 =	simm.s32 $0x4000;
	v3 =	vadd.s32 v1, v3  }
0x4be: {  	[tilespmem:s13], [sflag:$0x1] =	stream.indirect_vreg.gather [hbm4b:s5+s3], $0x80, v4, vm0, $0xb8;
	[tilespmem:$0x18800] =	vst v63  }
0x4bf: {  	s15 =	simm.s32 $0x4800  }
0x4c0: {  	[tilespmem:s15], [sflag:$0x1] =	stream.indirect_vreg.gather [hbm4b:s6+s3], $0x80, v4, vm0, $0xb8;
	[tilespmem:$0x18800] =	vst v63  }
0x4c1: {  	s17 =	simm.s32 $0x5000  }
0x4c2: {  	[tilespmem:s17], [sflag:$0x1] =	stream.indirect_vreg.gather [hbm4b:s2+s3], $0x80, v3, vm0, $0xb8;
	[tilespmem:$0x18800] =	vst v63  }
0x4c3: {  	s18 =	simm.s32 $0x5800  }
0x4c4: {  	[tilespmem:s18], [sflag:$0x1] =	stream.indirect_vreg.gather [hbm4b:s5+s3], $0x80, v3, vm0, $0xb8;
	[tilespmem:$0x18800] =	vst v63  }
0x4c5: {  	s17 =	simm.s32 $0x6000  }
0x4c6: {  	[tilespmem:s17], [sflag:$0x1] =	stream.indirect_vreg.gather [hbm4b:s6+s3], $0x80, v3, vm0, $0xb8;
	[tilespmem:$0x18800] =	vst v63  }
0x4c7: {  	v3 =	vld [tilespmem:$0x720];
	_ =	sdelay $0x4  }
0x4c8: {  	v58 =	vshrl.u32 v3, $0x3  }
0x4c9: {  	v4 =	vmul.u32 $0x30, v58  }
0x4ca: {  	v3 =	vand.u32 $0x7, v3  }
0x4cb: {  	v3 =	vor.u32 v3, v4  }
0x4cc: {  	v4 =	vperm.xlane v3, v0;
	_ =	sdelay $0x1  }
0x4cd: {  	v4 =	vadd.s32 v1, v4;
	_ =	sdelay $0x3  }
0x4ce: {  	s18 =	simm.s32 $0x6800;
	v3 =	vperm.xlane v3, v2  }
0x4cf: {  	[tilespmem:s18], [sflag:$0x1] =	stream.indirect_vreg.gather [hbm4b:s2+s3], $0x80, v4, vm0, $0xb8;
	[tilespmem:$0x18800] =	vst v63  }
0x4d0: {  	s19 =	simm.s32 $0x7000;
	v3 =	vadd.s32 v1, v3  }
0x4d1: {  	[tilespmem:s19], [sflag:$0x1] =	stream.indirect_vreg.gather [hbm4b:s5+s3], $0x80, v4, vm0, $0xb8;
	[tilespmem:$0x18800] =	vst v63  }
0x4d2: {  	s20 =	simm.s32 $0x7800  }
0x4d3: {  	[tilespmem:s20], [sflag:$0x1] =	stream.indirect_vreg.gather [hbm4b:s6+s3], $0x80, v4, vm0, $0xb8;
	[tilespmem:$0x18800] =	vst v63  }
0x4d4: {  	s21 =	simm.s32 $0x8000  }
0x4d5: {  	[tilespmem:s21], [sflag:$0x1] =	stream.indirect_vreg.gather [hbm4b:s2+s3], $0x80, v3, vm0, $0xb8;
	[tilespmem:$0x18800] =	vst v63  }
0x4d6: {  	s22 =	simm.s32 $0x8800  }
0x4d7: {  	[tilespmem:s22], [sflag:$0x1] =	stream.indirect_vreg.gather [hbm4b:s5+s3], $0x80, v3, vm0, $0xb8;
	[tilespmem:$0x18800] =	vst v63  }
0x4d8: {  	s21 =	simm.s32 $0x9000  }
0x4d9: {  	[tilespmem:s21], [sflag:$0x1] =	stream.indirect_vreg.gather [hbm4b:s6+s3], $0x80, v3, vm0, $0xb8;
	[tilespmem:$0x18800] =	vst v63  }
0x4da: {  	v3 =	vld [tilespmem:$0x730];
	_ =	sdelay $0x4  }
0x4db: {  	v59 =	vshrl.u32 v3, $0x3  }
0x4dc: {  	v4 =	vmul.u32 $0x30, v59  }
0x4dd: {  	v3 =	vand.u32 $0x7, v3  }
0x4de: {  	v3 =	vor.u32 v3, v4  }
0x4df: {  	v4 =	vperm.xlane v3, v0;
	_ =	sdelay $0x1  }
0x4e0: {  	v4 =	vadd.s32 v1, v4;
	_ =	sdelay $0x3  }
0x4e1: {  	s22 =	simm.s32 $0x9800;
	v3 =	vperm.xlane v3, v2  }
0x4e2: {  	[tilespmem:s22], [sflag:$0x1] =	stream.indirect_vreg.gather [hbm4b:s2+s3], $0x80, v4, vm0, $0xb8;
	[tilespmem:$0x18800] =	vst v63  }
0x4e3: {  	s23 =	simm.s32 $0xA000;
	v3 =	vadd.s32 v1, v3  }
0x4e4: {  	[tilespmem:s23], [sflag:$0x1] =	stream.indirect_vreg.gather [hbm4b:s5+s3], $0x80, v4, vm0, $0xb8;
	[tilespmem:$0x18800] =	vst v63  }
0x4e5: {  	s24 =	simm.s32 $0xA800  }
0x4e6: {  	[tilespmem:s24], [sflag:$0x1] =	stream.indirect_vreg.gather [hbm4b:s6+s3], $0x80, v4, vm0, $0xb8;
	[tilespmem:$0x18800] =	vst v63  }
0x4e7: {  	s25 =	simm.s32 $0xB000  }
0x4e8: {  	[tilespmem:s25], [sflag:$0x1] =	stream.indirect_vreg.gather [hbm4b:s2+s3], $0x80, v3, vm0, $0xb8;
	[tilespmem:$0x18800] =	vst v63  }
0x4e9: {  	s26 =	simm.s32 $0xB800  }
0x4ea: {  	[tilespmem:s26], [sflag:$0x1] =	stream.indirect_vreg.gather [hbm4b:s5+s3], $0x80, v3, vm0, $0xb8;
	[tilespmem:$0x18800] =	vst v63  }
0x4eb: {  	s25 =	simm.s32 $0xC000  }
0x4ec: {  	[tilespmem:s25], [sflag:$0x1] =	stream.indirect_vreg.gather [hbm4b:s6+s3], $0x80, v3, vm0, $0xb8;
	[tilespmem:$0x18800] =	vst v63  }
0x4ed: {  	_ =	swait.ge [sflag:s10], $0xC000  }
0x4ee: {  	[sflag:s10] =	ssyncset.done $0x0  }
0x4ef: {  	s26 =	rddreg [dreg:$0x11];
	[sflag:s10] =	ssyncadd.s32 $0xFFFF4000  }
0x4f0: {  	[hbm4b:s26+s3] =	stream.linear.scatter [tilespmem:s4], [sflag:$0x4], $0xC000, $0x38;
	[tilespmem:$0x18800] =	vst v63  }
0x4f1: {  	_ =	swait.ge [sflag:s11], $0xC000  }
0x4f2: {  	[sflag:s11] =	ssyncset.done $0x0  }
0x4f3: {  	[sflag:s11] =	ssyncadd.s32 $0xFFFF4000  }
0x4f4: {  	v3 =	vld [tilespmem:$0x780];
	_ =	sdelay $0x4  }
0x4f5: {  	v60 =	vshrl.u32 v3, $0x3  }
0x4f6: {  	v4 =	vmul.u32 $0x30, v60  }
0x4f7: {  	v3 =	vand.u32 $0x7, v3  }
0x4f8: {  	v3 =	vor.u32 v3, v4  }
0x4f9: {  	v4 =	vperm.xlane v3, v0;
	_ =	sdelay $0x1  }
0x4fa: {  	v4 =	vadd.s32 v1, v4;
	_ =	sdelay $0x3  }
0x4fb: {  	v3 =	vperm.xlane v3, v2  }
0x4fc: {  	[tilespmem:s4], [sflag:$0x2] =	stream.indirect_vreg.gather [hbm4b:s2+s3], $0x80, v4, vm0, $0xb8;
	[tilespmem:$0x18800] =	vst v63  }
0x4fd: {  	s28 =	simm.s32 $0xD000;
	v3 =	vadd.s32 v1, v3  }
0x4fe: {  	[tilespmem:s28], [sflag:$0x2] =	stream.indirect_vreg.gather [hbm4b:s5+s3], $0x80, v4, vm0, $0xb8;
	[tilespmem:$0x18800] =	vst v63  }
0x4ff: {  	s29 =	simm.s32 $0xD800  }
0x500: {  	[tilespmem:s29], [sflag:$0x2] =	stream.indirect_vreg.gather [hbm4b:s6+s3], $0x80, v4, vm0, $0xb8;
	[tilespmem:$0x18800] =	vst v63  }
0x501: {  	s30 =	simm.s32 $0xE000  }
0x502: {  	[tilespmem:s30], [sflag:$0x2] =	stream.indirect_vreg.gather [hbm4b:s2+s3], $0x80, v3, vm0, $0xb8;
	[tilespmem:$0x18800] =	vst v63  }
0x503: {  	s31 =	simm.s32 $0xE800  }
0x504: {  	[tilespmem:s31], [sflag:$0x2] =	stream.indirect_vreg.gather [hbm4b:s5+s3], $0x80, v3, vm0, $0xb8;
	[tilespmem:$0x18800] =	vst v63  }
0x505: {  	s30 =	simm.s32 $0xF000  }
0x506: {  	[tilespmem:s30], [sflag:$0x2] =	stream.indirect_vreg.gather [hbm4b:s6+s3], $0x80, v3, vm0, $0xb8;
	[tilespmem:$0x18800] =	vst v63  }
0x507: {  	v3 =	vld [tilespmem:$0x790];
	_ =	sdelay $0x4  }
0x508: {  	v61 =	vshrl.u32 v3, $0x3  }
0x509: {  	v4 =	vmul.u32 $0x30, v61  }
0x50a: {  	v3 =	vand.u32 $0x7, v3  }
0x50b: {  	v3 =	vor.u32 v3, v4  }
0x50c: {  	v4 =	vperm.xlane v3, v0;
	_ =	sdelay $0x1  }
0x50d: {  	v4 =	vadd.s32 v1, v4;
	_ =	sdelay $0x3  }
0x50e: {  	s31 =	simm.s32 $0xF800;
	v3 =	vperm.xlane v3, v2  }
0x50f: {  	[tilespmem:s31], [sflag:$0x2] =	stream.indirect_vreg.gather [hbm4b:s2+s3], $0x80, v4, vm0, $0xb8;
	[tilespmem:$0x18800] =	vst v63  }
0x510: {  	s9 =	simm.s32 $0x10000;
	v3 =	vadd.s32 v1, v3  }
0x511: {  	[tilespmem:s9], [sflag:$0x2] =	stream.indirect_vreg.gather [hbm4b:s5+s3], $0x80, v4, vm0, $0xb8;
	[tilespmem:$0x18800] =	vst v63  }
0x512: {  	s12 =	simm.s32 $0x10800  }
0x513: {  	[tilespmem:s12], [sflag:$0x2] =	stream.indirect_vreg.gather [hbm4b:s6+s3], $0x80, v4, vm0, $0xb8;
	[tilespmem:$0x18800] =	vst v63  }
0x514: {  	s13 =	simm.s32 $0x11000  }
0x515: {  	[tilespmem:s13], [sflag:$0x2] =	stream.indirect_vreg.gather [hbm4b:s2+s3], $0x80, v3, vm0, $0xb8;
	[tilespmem:$0x18800] =	vst v63  }
0x516: {  	s15 =	simm.s32 $0x11800  }
0x517: {  	[tilespmem:s15], [sflag:$0x2] =	stream.indirect_vreg.gather [hbm4b:s5+s3], $0x80, v3, vm0, $0xb8;
	[tilespmem:$0x18800] =	vst v63  }
0x518: {  	s16 =	simm.s32 $0x12000  }
0x519: {  	[tilespmem:s16], [sflag:$0x2] =	stream.indirect_vreg.gather [hbm4b:s6+s3], $0x80, v3, vm0, $0xb8;
	[tilespmem:$0x18800] =	vst v63  }
0x51a: {  	v3 =	vld [tilespmem:$0x7A0];
	_ =	sdelay $0x4  }
0x51b: {  	v62 =	vshrl.u32 v3, $0x3  }
0x51c: {  	v4 =	vmul.u32 $0x30, v62  }
0x51d: {  	v3 =	vand.u32 $0x7, v3  }
0x51e: {  	v3 =	vor.u32 v3, v4  }
0x51f: {  	v4 =	vperm.xlane v3, v0;
	_ =	sdelay $0x1  }
0x520: {  	v4 =	vadd.s32 v1, v4;
	_ =	sdelay $0x3  }
0x521: {  	s17 =	simm.s32 $0x12800;
	v3 =	vperm.xlane v3, v2  }
0x522: {  	[tilespmem:s17], [sflag:$0x2] =	stream.indirect_vreg.gather [hbm4b:s2+s3], $0x80, v4, vm0, $0xb8;
	[tilespmem:$0x18800] =	vst v63  }
0x523: {  	s18 =	simm.s32 $0x13000;
	v3 =	vadd.s32 v1, v3  }
0x524: {  	[tilespmem:s18], [sflag:$0x2] =	stream.indirect_vreg.gather [hbm4b:s5+s3], $0x80, v4, vm0, $0xb8;
	[tilespmem:$0x18800] =	vst v63  }
0x525: {  	s19 =	simm.s32 $0x13800  }
0x526: {  	[tilespmem:s19], [sflag:$0x2] =	stream.indirect_vreg.gather [hbm4b:s6+s3], $0x80, v4, vm0, $0xb8;
	[tilespmem:$0x18800] =	vst v63  }
0x527: {  	s20 =	simm.s32 $0x14000  }
0x528: {  	[tilespmem:s20], [sflag:$0x2] =	stream.indirect_vreg.gather [hbm4b:s2+s3], $0x80, v3, vm0, $0xb8;
	[tilespmem:$0x18800] =	vst v63  }
0x529: {  	s21 =	simm.s32 $0x14800  }
0x52a: {  	[tilespmem:s21], [sflag:$0x2] =	stream.indirect_vreg.gather [hbm4b:s5+s3], $0x80, v3, vm0, $0xb8;
	[tilespmem:$0x18800] =	vst v63  }
0x52b: {  	s22 =	simm.s32 $0x15000  }
0x52c: {  	[tilespmem:s22], [sflag:$0x2] =	stream.indirect_vreg.gather [hbm4b:s6+s3], $0x80, v3, vm0, $0xb8;
	[tilespmem:$0x18800] =	vst v63  }
0x52d: {  	v3 =	vld [tilespmem:$0x7B0];
	_ =	sdelay $0x4  }
0x52e: {  	v63 =	vshrl.u32 v3, $0x3  }
0x52f: {  	v4 =	vmul.u32 $0x30, v63  }
0x530: {  	v3 =	vand.u32 $0x7, v3  }
0x531: {  	v3 =	vor.u32 v3, v4  }
0x532: {  	v4 =	vperm.xlane v3, v0;
	_ =	sdelay $0x1  }
0x533: {  	v4 =	vadd.s32 v1, v4;
	_ =	sdelay $0x3  }
0x534: {  	s23 =	simm.s32 $0x15800;
	v3 =	vperm.xlane v3, v2  }
0x535: {  	[tilespmem:s23], [sflag:$0x2] =	stream.indirect_vreg.gather [hbm4b:s2+s3], $0x80, v4, vm0, $0xb8;
	[tilespmem:$0x18800] =	vst v63  }
0x536: {  	s24 =	simm.s32 $0x16000;
	v3 =	vadd.s32 v1, v3  }
0x537: {  	[tilespmem:s24], [sflag:$0x2] =	stream.indirect_vreg.gather [hbm4b:s5+s3], $0x80, v4, vm0, $0xb8;
	[tilespmem:$0x18800] =	vst v63  }
0x538: {  	s25 =	simm.s32 $0x16800  }
0x539: {  	[tilespmem:s25], [sflag:$0x2] =	stream.indirect_vreg.gather [hbm4b:s6+s3], $0x80, v4, vm0, $0xb8;
	[tilespmem:$0x18800] =	vst v63  }
0x53a: {  	s26 =	simm.s32 $0x17000  }
0x53b: {  	[tilespmem:s26], [sflag:$0x2] =	stream.indirect_vreg.gather [hbm4b:s2+s3], $0x80, v3, vm0, $0xb8;
	[tilespmem:$0x18800] =	vst v63  }
0x53c: {  	s28 =	simm.s32 $0x17800  }
0x53d: {  	[tilespmem:s28], [sflag:$0x2] =	stream.indirect_vreg.gather [hbm4b:s5+s3], $0x80, v3, vm0, $0xb8;
	[tilespmem:$0x18800] =	vst v63  }
0x53e: {  	s29 =	simm.s32 $0x18000  }
0x53f: {  	[tilespmem:s29], [sflag:$0x2] =	stream.indirect_vreg.gather [hbm4b:s6+s3], $0x80, v3, vm0, $0xb8;
	[tilespmem:$0x18800] =	vst v63  }
0x540: {  	s1 =	rddreg [dreg:$0x15];
	_ =	swait.ge [sflag:s0], $0xC000  }
0x541: {  	[sflag:s0] =	ssyncset.done $0x0  }
0x542: {  	s30 =	rddreg [dreg:$0x12];
	[sflag:s0] =	ssyncadd.s32 $0xFFFF4000  }
0x543: {  	[hbm4b:s30+s3] =	stream.linear.scatter [tilespmem:s14], [sflag:$0x3], $0xC000, $0x38;
	[tilespmem:$0x18800] =	vst v63  }
0x544: {  	_ =	swait.ge [sflag:s10], $0xC000  }
0x545: {  	[sflag:s10] =	ssyncset.done $0x0  }
0x546: {  	s31 =	rddreg [dreg:$0x13];
	[sflag:s10] =	ssyncadd.s32 $0xFFFF4000  }
0x547: {  	[hbm4b:s31+s3] =	stream.linear.scatter [tilespmem:s4], [sflag:$0x4], $0xC000, $0x38;
	[tilespmem:$0x18800] =	vst v63  }
0x548: {  	p0 =	sne.s32 s1, $0x1;
	_ =	swait.ge [sflag:s8], $0xC000  }
.Ltmp0:
0x549: {  	[sflag:s8] =	ssyncset.done $0x0;
	(pc) =	sbr.rel @p0 .LBB2_1-.Ltmp0, $4  }
0x54a: {  	[sflag:s8] =	ssyncadd.s32 $0xFFFF4000  }
0x54b: {  	_ =	swait.ge [sflag:s11], $0xC000  }
0x54c: {  	[sflag:s11] =	ssyncset.done $0x0  }
0x54d: {  	s1 =	sadd.s32 $0xFFFFFFFF, s1;
	[sflag:s11] =	ssyncadd.s32 $0xFFFF4000  }
0x54e: {  	_ =	sfence.sel $0x180000  }
0x54f: {  	[bflag:$0x0] =	sbarrier.arrive $0xFFFF  }
0x550: {  	_ =	strace $0x90000047  }
0x551: {  	s0 =	stileid.u32;
	[bflag:$0x2] =	sbarrier.arrive $0xFFFF  }
0x552: {  	p0 =	sne.s32 s0, $0x0;
	s0 =	rddreg [dreg:$0x3]  }
0x553: {  	s0 =	sadd.s32 @!p0 $0x100000, s0  }
0x554: {  	[sflag:s0] =	ssyncadd.tile.s32 @!p0 $0x1;
	_ =	shalt  }
.Lfunc_end2:
_tile_overlayer_lowered:
.L_overlay_start_2:
0x555: {  	(tag) =	ssettag $0x2  }
0x556: {  	s0 =	rddreg [dreg:$0x0];
	s2 =	stileid.u32  }
0x557: {  	s1 =	rddreg [dreg:$0x1];
	p0 =	sne.s32 s2, $0x0  }
0x558: {  	s3 =	rddreg [dreg:$0x2];
	[bflag:$0x3] =	sbarrier.arrive $0xFFFF;
	s2 =	simm.s32 @!p0 $0x1C05  }
0x559: {  	[timem:s3], [sflag:s2] =	dma.local @!p0 [hbm:s0], s1  }
0x55a: {  	s0 =	simm.s32 @!p0 $0x5  }
0x55b: {  	_ =	swait.ge @!p0 [sflag:s0], s1  }
0x55c: {  	s1 =	ssub.s32 @!p0 $0x0, s1;
	[sflag:s0] =	ssyncset.done @!p0 $0x0  }
0x55d: {  	[sflag:s0] =	ssyncadd.s32 @!p0 s1  }
0x55e: {  	[bflag:$0x3] =	sbarrier.arrive $0xFFFF  }
0x55f: {  	_ =	shalt  }

</sc_bundles>
